<compile_context>
chip_gen: v7x
topology: tpu7x:2x2x1
jax: 0.10.2.dev20260603
libtpu: 0.0.44.dev20260713+nightly
codegen_flags: <defaults>
</compile_context>

<pallas_src>
import functools

import jax
import jax.numpy as jnp
from jax import lax
from jax.experimental import pallas as pl
from jax.experimental.pallas import tpu as pltpu
from jax.experimental.pallas import tpu_sc as plsc

_FAN_IN = 1024
_FAN_OUT = 1024
_K = 2048
_NW = 32
_NJ = _FAN_IN + 1
_NCB = _FAN_OUT // 128
_JPW = 32
_PER_W = _JPW * _FAN_OUT
_JG = 1032
_G_TOTAL = _NCB * _JG * 128


def _gather_body(w_hbm, h_hbm, g_hbm, w_v, h_v, g_v, hx_v, gx_v):
    wid = lax.axis_index("s") * 2 + lax.axis_index("c")
    pltpu.sync_copy(w_hbm, w_v)
    pltpu.sync_copy(h_hbm.at[pl.ds(_PER_W * wid, _PER_W)], h_v)

    @plsc.parallel_loop(0, _JPW, 1, unroll=2)
    def _(x):
        hbase = x * 1024
        gbase = x * 128
        for cb in range(_NCB):
            for v in range(8):
                idx = h_v[pl.ds(hbase + cb * 128 + 16 * v, 16)]
                val = plsc.load_gather(w_v, [idx])
                g_v[pl.ds(cb * _JPW * 128 + gbase + 16 * v, 16)] = val

    for cb in range(_NCB):
        blk = _JPW * 128
        pltpu.sync_copy(
            g_v.at[pl.ds(cb * blk, blk)],
            g_hbm.at[pl.ds((cb * _JG + _JPW * wid) * 128, blk)],
        )

    @pl.when(wid < _NCB)
    def _():
        pltpu.sync_copy(h_hbm.at[pl.ds(1024 * 1024 + 128 * wid, 128)], hx_v)
        for v in range(8):
            idx = hx_v[pl.ds(16 * v, 16)]
            val = plsc.load_gather(w_v, [idx])
            gx_v[pl.ds(16 * v, 16)] = val
        zero = jnp.zeros((16,), jnp.float32)
        for z in range(8, 64):
            gx_v[pl.ds(16 * z, 16)] = zero
        pltpu.sync_copy(
            gx_v, g_hbm.at[pl.ds((wid * _JG + 1024) * 128, 1024)])


_gather = functools.partial(
    pl.kernel,
    mesh=plsc.VectorSubcoreMesh(core_axis_name="c", subcore_axis_name="s"),
    out_type=jax.ShapeDtypeStruct((_G_TOTAL,), jnp.float32),
    scratch_types=[
        pltpu.VMEM((_K,), jnp.float32),
        pltpu.VMEM((_PER_W,), jnp.int32),
        pltpu.VMEM((_JPW * 1024,), jnp.float32),
        pltpu.VMEM((128,), jnp.int32),
        pltpu.VMEM((1024,), jnp.float32),
    ],
    compiler_params=pltpu.CompilerParams(needs_layout_passes=False),
)(_gather_body)


def _matmul_body(a_ref, g_ref, o_ref):
    a = a_ref[...]
    b = a.shape[0]
    tail = (lax.broadcasted_iota(jnp.int32, (b, _JG - _FAN_IN), 1) == 0)
    a_aug = jnp.concatenate([a, tail.astype(jnp.float32)], axis=1)
    for c in range(_NCB):
        o_ref[:, c * 128:(c + 1) * 128] = lax.dot_general(
            a_aug,
            g_ref[pl.ds(c * _JG, _JG), :],
            (((1,), (0,)), ((), ())),
            preferred_element_type=jnp.float32,
        )


def kernel(a, W, H):
    g = _gather(W, H.T.reshape(-1))
    g2 = g.reshape(_NCB * _JG, 128)
    return pl.pallas_call(
        _matmul_body,
        out_shape=jax.ShapeDtypeStruct((a.shape[0], _FAN_OUT), jnp.float32),
    )(a, g2)

# --- scband reference (transcript-rebuilt; emitter-appended) ---
"""Pipeline reference for scband-hashed-layer-15513421873631 (READ-ONLY COPY).

The authoritative reference and input builder live on the scoring server;
editing this copy changes nothing except your own understanding.
"""

import jax, jax.numpy as jnp
import numpy as np

FAN_IN = 1024
FAN_OUT = 1024
K = 2048
B = 32


def setup_inputs(seed: int = 0) -> dict:
    key = jax.random.key(seed)
    k1, k2 = jax.random.split(key)
    a = jax.random.normal(k1, (B, FAN_IN), dtype=jnp.float32)
    d = FAN_OUT * (FAN_IN + 1) / K
    W = jax.random.normal(k2, (K,), dtype=jnp.float32) / d
    # Deterministic stand-in for hashing.make_hash(fan_out, fan_in+1, K):
    # H[i, j] in [0, K) gives the shared-weight bucket for (output i, input j).
    rs = np.random.RandomState(0)
    H = jnp.asarray(rs.randint(0, K, size=(FAN_OUT, FAN_IN + 1)), dtype=jnp.int32)
    return {"a": a, "W": W, "H": H}


def reference(a, W, H):
    # Append bias-ones column (as in torch forward)
    b = jnp.ones((a.shape[0], 1), dtype=a.dtype)
    a_aug = jnp.concatenate([a, b], axis=1)  # [B, fan_in+1]
    # Original: a_kj[i, :, k] = sum_{j: H(i,j)=k} a[:, j]; zz = a_kj @ W.
    # Mathematically identical: zz[i, b] = sum_j a[b, j] * W[H[i, j]].
    # Realized as a SparseCore-style gather of the bucket weights followed by a matmul.
    V = jnp.take(W, H, axis=0)  # [fan_out, fan_in+1] gathered virtual weight matrix
    zz = jnp.matmul(V, a_aug.T)  # [fan_out, B]
    return zz.T  # [B, fan_out]

if __name__ == "__main__":
    import jax
    _d = setup_inputs()
    print(jax.jit(kernel)(*tuple(_d.values())))

</pallas_src>

<mosaic_0001>
#map = affine_map<(d0, d1) -> (0)>
module attributes {stable_mosaic.version = 14 : i64} {
  func.func @_gather_body(%arg0: i32, %arg1: i32, %arg2: memref<2048xf32, #tpu.memory_space<hbm>>, %arg3: memref<1049600xi32, #tpu.memory_space<hbm>>, %arg4: memref<1056768xf32, #tpu.memory_space<hbm>>, %arg5: memref<2048xf32, #tpu.memory_space<vmem>>, %arg6: memref<32768xi32, #tpu.memory_space<vmem>>, %arg7: memref<32768xf32, #tpu.memory_space<vmem>>, %arg8: memref<128xi32, #tpu.memory_space<vmem>>, %arg9: memref<1024xf32, #tpu.memory_space<vmem>>) attributes {dimension_semantics = [#tpu.dimension_semantics<core_parallel>, #tpu.dimension_semantics<subcore_parallel>], iteration_bounds = array<i64: 2, 16>, scalar_prefetch = 0 : i64, scratch_operands = 5 : i64, tpu.core_type = #tpu.core_type<sc_vector_subcore>, window_params = [{transform_indices = #map}, {transform_indices = #map}, {transform_indices = #map}]} {
    %mul3A = arith.constant 2 : i32
    %mul3A_0 = arith.muli %arg1, %mul3A : i32
    %add3A = arith.addi %mul3A_0, %arg0 : i32
    "tpu.region"() ({
      %run_scoped3A = tpu.sem_alloc : memref<!tpu.dma_semaphore, #tpu.memory_space<semaphore_mem>>
      tpu.enqueue_dma source(%arg2 : memref<2048xf32, #tpu.memory_space<hbm>>) target(%arg5 : memref<2048xf32, #tpu.memory_space<vmem>>) target_semaphore(%run_scoped3A : memref<!tpu.dma_semaphore, #tpu.memory_space<semaphore_mem>>)
      tpu.wait_dma2 semaphore(%run_scoped3A : memref<!tpu.dma_semaphore, #tpu.memory_space<semaphore_mem>>) src(%arg2 : memref<2048xf32, #tpu.memory_space<hbm>>) dst(%arg5 : memref<2048xf32, #tpu.memory_space<vmem>>)
      tpu.yield
    }) : () -> ()
    %mul3A_1 = arith.constant 32768 : i32
    %mul3A_2 = arith.muli %mul3A_1, %add3A : i32
    "tpu.region"() ({
      %run_scoped3A = tpu.sem_alloc : memref<!tpu.dma_semaphore, #tpu.memory_space<semaphore_mem>>
      %dma_start3A = tpu.memref_slice %arg3[%mul3A_2] : memref<1049600xi32, #tpu.memory_space<hbm>> -> memref<32768xi32, #tpu.memory_space<hbm>>
      %dma_start3A_55 = tpu.memref_slice %arg3[%mul3A_2] : memref<1049600xi32, #tpu.memory_space<hbm>> -> memref<32768xi32, #tpu.memory_space<hbm>>
      tpu.enqueue_dma source(%dma_start3A_55 : memref<32768xi32, #tpu.memory_space<hbm>>) target(%arg6 : memref<32768xi32, #tpu.memory_space<vmem>>) target_semaphore(%run_scoped3A : memref<!tpu.dma_semaphore, #tpu.memory_space<semaphore_mem>>)
      %dma_wait3A = tpu.memref_slice %arg3[%mul3A_2] : memref<1049600xi32, #tpu.memory_space<hbm>> -> memref<32768xi32, #tpu.memory_space<hbm>>
      %dma_wait3A_56 = tpu.memref_slice %arg3[%mul3A_2] : memref<1049600xi32, #tpu.memory_space<hbm>> -> memref<32768xi32, #tpu.memory_space<hbm>>
      tpu.wait_dma2 semaphore(%run_scoped3A : memref<!tpu.dma_semaphore, #tpu.memory_space<semaphore_mem>>) src(%dma_wait3A_56 : memref<32768xi32, #tpu.memory_space<hbm>>) dst(%arg6 : memref<32768xi32, #tpu.memory_space<vmem>>)
      tpu.yield
    }) : () -> ()
    %parallel_loop3A = arith.constant 0 : i32
    %parallel_loop3A_3 = arith.constant 32 : i32
    %parallel_loop3A_4 = arith.constant 1 : i32
    scf.for %parallel_loop3A_55 = %parallel_loop3A to %parallel_loop3A_3 step %parallel_loop3A_4  : i32 {
      %parallel_loop3A_56 = arith.constant 1024 : i32
      %parallel_loop3A_57 = arith.muli %parallel_loop3A_55, %parallel_loop3A_56 : i32
      %parallel_loop3A_58 = arith.constant 128 : i32
      %parallel_loop3A_59 = arith.muli %parallel_loop3A_55, %parallel_loop3A_58 : i32
      %parallel_loop3A_60 = arith.constant 0 : i32
      %parallel_loop3A_61 = arith.addi %parallel_loop3A_57, %parallel_loop3A_60 : i32
      %parallel_loop3A_62 = arith.constant 0 : i32
      %parallel_loop3A_63 = arith.addi %parallel_loop3A_61, %parallel_loop3A_62 : i32
      %parallel_loop3A_64 = arith.index_cast %parallel_loop3A_63 : i32 to index
      %parallel_loop3A_65 = tpu.vector_load %arg6[%parallel_loop3A_64] {strides = array<i32>} : memref<32768xi32, #tpu.memory_space<vmem>>, vector<16xi32>,
      %parallel_loop3A_66 = tpu.vector_load_idx %arg5[%parallel_loop3A_65] : memref<2048xf32, #tpu.memory_space<vmem>>[vector<16xi32>], vector<16xf32>,
      %parallel_loop3A_67 = arith.constant 0 : i32
      %parallel_loop3A_68 = arith.addi %parallel_loop3A_67, %parallel_loop3A_59 : i32
      %parallel_loop3A_69 = arith.constant 0 : i32
      %parallel_loop3A_70 = arith.addi %parallel_loop3A_68, %parallel_loop3A_69 : i32
      %parallel_loop3A_71 = arith.index_cast %parallel_loop3A_70 : i32 to index
      %parallel_loop3A_72 = tpu.vector_load %arg7[%parallel_loop3A_71] {strides = array<i32>} : memref<32768xf32, #tpu.memory_space<vmem>>, vector<16xf32>,
      tpu.vector_store %arg7[%parallel_loop3A_71], %parallel_loop3A_66 {strides = array<i32>} : memref<32768xf32, #tpu.memory_space<vmem>>, vector<16xf32>,
      %parallel_loop3A_73 = arith.constant 0 : i32
      %parallel_loop3A_74 = arith.addi %parallel_loop3A_57, %parallel_loop3A_73 : i32
      %parallel_loop3A_75 = arith.constant 16 : i32
      %parallel_loop3A_76 = arith.addi %parallel_loop3A_74, %parallel_loop3A_75 : i32
      %parallel_loop3A_77 = arith.index_cast %parallel_loop3A_76 : i32 to index
      %parallel_loop3A_78 = tpu.vector_load %arg6[%parallel_loop3A_77] {strides = array<i32>} : memref<32768xi32, #tpu.memory_space<vmem>>, vector<16xi32>,
      %parallel_loop3A_79 = tpu.vector_load_idx %arg5[%parallel_loop3A_78] : memref<2048xf32, #tpu.memory_space<vmem>>[vector<16xi32>], vector<16xf32>,
      %parallel_loop3A_80 = arith.constant 0 : i32
      %parallel_loop3A_81 = arith.addi %parallel_loop3A_80, %parallel_loop3A_59 : i32
      %parallel_loop3A_82 = arith.constant 16 : i32
      %parallel_loop3A_83 = arith.addi %parallel_loop3A_81, %parallel_loop3A_82 : i32
      %parallel_loop3A_84 = arith.index_cast %parallel_loop3A_83 : i32 to index
      %parallel_loop3A_85 = tpu.vector_load %arg7[%parallel_loop3A_84] {strides = array<i32>} : memref<32768xf32, #tpu.memory_space<vmem>>, vector<16xf32>,
      tpu.vector_store %arg7[%parallel_loop3A_84], %parallel_loop3A_79 {strides = array<i32>} : memref<32768xf32, #tpu.memory_space<vmem>>, vector<16xf32>,
      %parallel_loop3A_86 = arith.constant 0 : i32
      %parallel_loop3A_87 = arith.addi %parallel_loop3A_57, %parallel_loop3A_86 : i32
      %parallel_loop3A_88 = arith.constant 32 : i32
      %parallel_loop3A_89 = arith.addi %parallel_loop3A_87, %parallel_loop3A_88 : i32
      %parallel_loop3A_90 = arith.index_cast %parallel_loop3A_89 : i32 to index
      %parallel_loop3A_91 = tpu.vector_load %arg6[%parallel_loop3A_90] {strides = array<i32>} : memref<32768xi32, #tpu.memory_space<vmem>>, vector<16xi32>,
      %parallel_loop3A_92 = tpu.vector_load_idx %arg5[%parallel_loop3A_91] : memref<2048xf32, #tpu.memory_space<vmem>>[vector<16xi32>], vector<16xf32>,
      %parallel_loop3A_93 = arith.constant 0 : i32
      %parallel_loop3A_94 = arith.addi %parallel_loop3A_93, %parallel_loop3A_59 : i32
      %parallel_loop3A_95 = arith.constant 32 : i32
      %parallel_loop3A_96 = arith.addi %parallel_loop3A_94, %parallel_loop3A_95 : i32
      %parallel_loop3A_97 = arith.index_cast %parallel_loop3A_96 : i32 to index
      %parallel_loop3A_98 = tpu.vector_load %arg7[%parallel_loop3A_97] {strides = array<i32>} : memref<32768xf32, #tpu.memory_space<vmem>>, vector<16xf32>,
      tpu.vector_store %arg7[%parallel_loop3A_97], %parallel_loop3A_92 {strides = array<i32>} : memref<32768xf32, #tpu.memory_space<vmem>>, vector<16xf32>,
      %parallel_loop3A_99 = arith.constant 0 : i32
      %parallel_loop3A_100 = arith.addi %parallel_loop3A_57, %parallel_loop3A_99 : i32
      %parallel_loop3A_101 = arith.constant 48 : i32
      %parallel_loop3A_102 = arith.addi %parallel_loop3A_100, %parallel_loop3A_101 : i32
      %parallel_loop3A_103 = arith.index_cast %parallel_loop3A_102 : i32 to index
      %parallel_loop3A_104 = tpu.vector_load %arg6[%parallel_loop3A_103] {strides = array<i32>} : memref<32768xi32, #tpu.memory_space<vmem>>, vector<16xi32>,
      %parallel_loop3A_105 = tpu.vector_load_idx %arg5[%parallel_loop3A_104] : memref<2048xf32, #tpu.memory_space<vmem>>[vector<16xi32>], vector<16xf32>,
      %parallel_loop3A_106 = arith.constant 0 : i32
      %parallel_loop3A_107 = arith.addi %parallel_loop3A_106, %parallel_loop3A_59 : i32
      %parallel_loop3A_108 = arith.constant 48 : i32
      %parallel_loop3A_109 = arith.addi %parallel_loop3A_107, %parallel_loop3A_108 : i32
      %parallel_loop3A_110 = arith.index_cast %parallel_loop3A_109 : i32 to index
      %parallel_loop3A_111 = tpu.vector_load %arg7[%parallel_loop3A_110] {strides = array<i32>} : memref<32768xf32, #tpu.memory_space<vmem>>, vector<16xf32>,
      tpu.vector_store %arg7[%parallel_loop3A_110], %parallel_loop3A_105 {strides = array<i32>} : memref<32768xf32, #tpu.memory_space<vmem>>, vector<16xf32>,
      %parallel_loop3A_112 = arith.constant 0 : i32
      %parallel_loop3A_113 = arith.addi %parallel_loop3A_57, %parallel_loop3A_112 : i32
      %parallel_loop3A_114 = arith.constant 64 : i32
      %parallel_loop3A_115 = arith.addi %parallel_loop3A_113, %parallel_loop3A_114 : i32
      %parallel_loop3A_116 = arith.index_cast %parallel_loop3A_115 : i32 to index
      %parallel_loop3A_117 = tpu.vector_load %arg6[%parallel_loop3A_116] {strides = array<i32>} : memref<32768xi32, #tpu.memory_space<vmem>>, vector<16xi32>,
      %parallel_loop3A_118 = tpu.vector_load_idx %arg5[%parallel_loop3A_117] : memref<2048xf32, #tpu.memory_space<vmem>>[vector<16xi32>], vector<16xf32>,
      %parallel_loop3A_119 = arith.constant 0 : i32
      %parallel_loop3A_120 = arith.addi %parallel_loop3A_119, %parallel_loop3A_59 : i32
      %parallel_loop3A_121 = arith.constant 64 : i32
      %parallel_loop3A_122 = arith.addi %parallel_loop3A_120, %parallel_loop3A_121 : i32
      %parallel_loop3A_123 = arith.index_cast %parallel_loop3A_122 : i32 to index
      %parallel_loop3A_124 = tpu.vector_load %arg7[%parallel_loop3A_123] {strides = array<i32>} : memref<32768xf32, #tpu.memory_space<vmem>>, vector<16xf32>,
      tpu.vector_store %arg7[%parallel_loop3A_123], %parallel_loop3A_118 {strides = array<i32>} : memref<32768xf32, #tpu.memory_space<vmem>>, vector<16xf32>,
      %parallel_loop3A_125 = arith.constant 0 : i32
      %parallel_loop3A_126 = arith.addi %parallel_loop3A_57, %parallel_loop3A_125 : i32
      %parallel_loop3A_127 = arith.constant 80 : i32
      %parallel_loop3A_128 = arith.addi %parallel_loop3A_126, %parallel_loop3A_127 : i32
      %parallel_loop3A_129 = arith.index_cast %parallel_loop3A_128 : i32 to index
      %parallel_loop3A_130 = tpu.vector_load %arg6[%parallel_loop3A_129] {strides = array<i32>} : memref<32768xi32, #tpu.memory_space<vmem>>, vector<16xi32>,
      %parallel_loop3A_131 = tpu.vector_load_idx %arg5[%parallel_loop3A_130] : memref<2048xf32, #tpu.memory_space<vmem>>[vector<16xi32>], vector<16xf32>,
      %parallel_loop3A_132 = arith.constant 0 : i32
      %parallel_loop3A_133 = arith.addi %parallel_loop3A_132, %parallel_loop3A_59 : i32
      %parallel_loop3A_134 = arith.constant 80 : i32
      %parallel_loop3A_135 = arith.addi %parallel_loop3A_133, %parallel_loop3A_134 : i32
      %parallel_loop3A_136 = arith.index_cast %parallel_loop3A_135 : i32 to index
      %parallel_loop3A_137 = tpu.vector_load %arg7[%parallel_loop3A_136] {strides = array<i32>} : memref<32768xf32, #tpu.memory_space<vmem>>, vector<16xf32>,
      tpu.vector_store %arg7[%parallel_loop3A_136], %parallel_loop3A_131 {strides = array<i32>} : memref<32768xf32, #tpu.memory_space<vmem>>, vector<16xf32>,
      %parallel_loop3A_138 = arith.constant 0 : i32
      %parallel_loop3A_139 = arith.addi %parallel_loop3A_57, %parallel_loop3A_138 : i32
      %parallel_loop3A_140 = arith.constant 96 : i32
      %parallel_loop3A_141 = arith.addi %parallel_loop3A_139, %parallel_loop3A_140 : i32
      %parallel_loop3A_142 = arith.index_cast %parallel_loop3A_141 : i32 to index
      %parallel_loop3A_143 = tpu.vector_load %arg6[%parallel_loop3A_142] {strides = array<i32>} : memref<32768xi32, #tpu.memory_space<vmem>>, vector<16xi32>,
      %parallel_loop3A_144 = tpu.vector_load_idx %arg5[%parallel_loop3A_143] : memref<2048xf32, #tpu.memory_space<vmem>>[vector<16xi32>], vector<16xf32>,
      %parallel_loop3A_145 = arith.constant 0 : i32
      %parallel_loop3A_146 = arith.addi %parallel_loop3A_145, %parallel_loop3A_59 : i32
      %parallel_loop3A_147 = arith.constant 96 : i32
      %parallel_loop3A_148 = arith.addi %parallel_loop3A_146, %parallel_loop3A_147 : i32
      %parallel_loop3A_149 = arith.index_cast %parallel_loop3A_148 : i32 to index
      %parallel_loop3A_150 = tpu.vector_load %arg7[%parallel_loop3A_149] {strides = array<i32>} : memref<32768xf32, #tpu.memory_space<vmem>>, vector<16xf32>,
      tpu.vector_store %arg7[%parallel_loop3A_149], %parallel_loop3A_144 {strides = array<i32>} : memref<32768xf32, #tpu.memory_space<vmem>>, vector<16xf32>,
      %parallel_loop3A_151 = arith.constant 0 : i32
      %parallel_loop3A_152 = arith.addi %parallel_loop3A_57, %parallel_loop3A_151 : i32
      %parallel_loop3A_153 = arith.constant 112 : i32
      %parallel_loop3A_154 = arith.addi %parallel_loop3A_152, %parallel_loop3A_153 : i32
      %parallel_loop3A_155 = arith.index_cast %parallel_loop3A_154 : i32 to index
      %parallel_loop3A_156 = tpu.vector_load %arg6[%parallel_loop3A_155] {strides = array<i32>} : memref<32768xi32, #tpu.memory_space<vmem>>, vector<16xi32>,
      %parallel_loop3A_157 = tpu.vector_load_idx %arg5[%parallel_loop3A_156] : memref<2048xf32, #tpu.memory_space<vmem>>[vector<16xi32>], vector<16xf32>,
      %parallel_loop3A_158 = arith.constant 0 : i32
      %parallel_loop3A_159 = arith.addi %parallel_loop3A_158, %parallel_loop3A_59 : i32
      %parallel_loop3A_160 = arith.constant 112 : i32
      %parallel_loop3A_161 = arith.addi %parallel_loop3A_159, %parallel_loop3A_160 : i32
      %parallel_loop3A_162 = arith.index_cast %parallel_loop3A_161 : i32 to index
      %parallel_loop3A_163 = tpu.vector_load %arg7[%parallel_loop3A_162] {strides = array<i32>} : memref<32768xf32, #tpu.memory_space<vmem>>, vector<16xf32>,
      tpu.vector_store %arg7[%parallel_loop3A_162], %parallel_loop3A_157 {strides = array<i32>} : memref<32768xf32, #tpu.memory_space<vmem>>, vector<16xf32>,
      %parallel_loop3A_164 = arith.constant 128 : i32
      %parallel_loop3A_165 = arith.addi %parallel_loop3A_57, %parallel_loop3A_164 : i32
      %parallel_loop3A_166 = arith.constant 0 : i32
      %parallel_loop3A_167 = arith.addi %parallel_loop3A_165, %parallel_loop3A_166 : i32
      %parallel_loop3A_168 = arith.index_cast %parallel_loop3A_167 : i32 to index
      %parallel_loop3A_169 = tpu.vector_load %arg6[%parallel_loop3A_168] {strides = array<i32>} : memref<32768xi32, #tpu.memory_space<vmem>>, vector<16xi32>,
      %parallel_loop3A_170 = tpu.vector_load_idx %arg5[%parallel_loop3A_169] : memref<2048xf32, #tpu.memory_space<vmem>>[vector<16xi32>], vector<16xf32>,
      %parallel_loop3A_171 = arith.constant 4096 : i32
      %parallel_loop3A_172 = arith.addi %parallel_loop3A_171, %parallel_loop3A_59 : i32
      %parallel_loop3A_173 = arith.constant 0 : i32
      %parallel_loop3A_174 = arith.addi %parallel_loop3A_172, %parallel_loop3A_173 : i32
      %parallel_loop3A_175 = arith.index_cast %parallel_loop3A_174 : i32 to index
      %parallel_loop3A_176 = tpu.vector_load %arg7[%parallel_loop3A_175] {strides = array<i32>} : memref<32768xf32, #tpu.memory_space<vmem>>, vector<16xf32>,
      tpu.vector_store %arg7[%parallel_loop3A_175], %parallel_loop3A_170 {strides = array<i32>} : memref<32768xf32, #tpu.memory_space<vmem>>, vector<16xf32>,
      %parallel_loop3A_177 = arith.constant 128 : i32
      %parallel_loop3A_178 = arith.addi %parallel_loop3A_57, %parallel_loop3A_177 : i32
      %parallel_loop3A_179 = arith.constant 16 : i32
      %parallel_loop3A_180 = arith.addi %parallel_loop3A_178, %parallel_loop3A_179 : i32
      %parallel_loop3A_181 = arith.index_cast %parallel_loop3A_180 : i32 to index
      %parallel_loop3A_182 = tpu.vector_load %arg6[%parallel_loop3A_181] {strides = array<i32>} : memref<32768xi32, #tpu.memory_space<vmem>>, vector<16xi32>,
      %parallel_loop3A_183 = tpu.vector_load_idx %arg5[%parallel_loop3A_182] : memref<2048xf32, #tpu.memory_space<vmem>>[vector<16xi32>], vector<16xf32>,
      %parallel_loop3A_184 = arith.constant 4096 : i32
      %parallel_loop3A_185 = arith.addi %parallel_loop3A_184, %parallel_loop3A_59 : i32
      %parallel_loop3A_186 = arith.constant 16 : i32
      %parallel_loop3A_187 = arith.addi %parallel_loop3A_185, %parallel_loop3A_186 : i32
      %parallel_loop3A_188 = arith.index_cast %parallel_loop3A_187 : i32 to index
      %parallel_loop3A_189 = tpu.vector_load %arg7[%parallel_loop3A_188] {strides = array<i32>} : memref<32768xf32, #tpu.memory_space<vmem>>, vector<16xf32>,
      tpu.vector_store %arg7[%parallel_loop3A_188], %parallel_loop3A_183 {strides = array<i32>} : memref<32768xf32, #tpu.memory_space<vmem>>, vector<16xf32>,
      %parallel_loop3A_190 = arith.constant 128 : i32
      %parallel_loop3A_191 = arith.addi %parallel_loop3A_57, %parallel_loop3A_190 : i32
      %parallel_loop3A_192 = arith.constant 32 : i32
      %parallel_loop3A_193 = arith.addi %parallel_loop3A_191, %parallel_loop3A_192 : i32
      %parallel_loop3A_194 = arith.index_cast %parallel_loop3A_193 : i32 to index
      %parallel_loop3A_195 = tpu.vector_load %arg6[%parallel_loop3A_194] {strides = array<i32>} : memref<32768xi32, #tpu.memory_space<vmem>>, vector<16xi32>,
      %parallel_loop3A_196 = tpu.vector_load_idx %arg5[%parallel_loop3A_195] : memref<2048xf32, #tpu.memory_space<vmem>>[vector<16xi32>], vector<16xf32>,
      %parallel_loop3A_197 = arith.constant 4096 : i32
      %parallel_loop3A_198 = arith.addi %parallel_loop3A_197, %parallel_loop3A_59 : i32
      %parallel_loop3A_199 = arith.constant 32 : i32
      %parallel_loop3A_200 = arith.addi %parallel_loop3A_198, %parallel_loop3A_199 : i32
      %parallel_loop3A_201 = arith.index_cast %parallel_loop3A_200 : i32 to index
      %parallel_loop3A_202 = tpu.vector_load %arg7[%parallel_loop3A_201] {strides = array<i32>} : memref<32768xf32, #tpu.memory_space<vmem>>, vector<16xf32>,
      tpu.vector_store %arg7[%parallel_loop3A_201], %parallel_loop3A_196 {strides = array<i32>} : memref<32768xf32, #tpu.memory_space<vmem>>, vector<16xf32>,
      %parallel_loop3A_203 = arith.constant 128 : i32
      %parallel_loop3A_204 = arith.addi %parallel_loop3A_57, %parallel_loop3A_203 : i32
      %parallel_loop3A_205 = arith.constant 48 : i32
      %parallel_loop3A_206 = arith.addi %parallel_loop3A_204, %parallel_loop3A_205 : i32
      %parallel_loop3A_207 = arith.index_cast %parallel_loop3A_206 : i32 to index
      %parallel_loop3A_208 = tpu.vector_load %arg6[%parallel_loop3A_207] {strides = array<i32>} : memref<32768xi32, #tpu.memory_space<vmem>>, vector<16xi32>,
      %parallel_loop3A_209 = tpu.vector_load_idx %arg5[%parallel_loop3A_208] : memref<2048xf32, #tpu.memory_space<vmem>>[vector<16xi32>], vector<16xf32>,
      %parallel_loop3A_210 = arith.constant 4096 : i32
      %parallel_loop3A_211 = arith.addi %parallel_loop3A_210, %parallel_loop3A_59 : i32
      %parallel_loop3A_212 = arith.constant 48 : i32
      %parallel_loop3A_213 = arith.addi %parallel_loop3A_211, %parallel_loop3A_212 : i32
      %parallel_loop3A_214 = arith.index_cast %parallel_loop3A_213 : i32 to index
      %parallel_loop3A_215 = tpu.vector_load %arg7[%parallel_loop3A_214] {strides = array<i32>} : memref<32768xf32, #tpu.memory_space<vmem>>, vector<16xf32>,
      tpu.vector_store %arg7[%parallel_loop3A_214], %parallel_loop3A_209 {strides = array<i32>} : memref<32768xf32, #tpu.memory_space<vmem>>, vector<16xf32>,
      %parallel_loop3A_216 = arith.constant 128 : i32
      %parallel_loop3A_217 = arith.addi %parallel_loop3A_57, %parallel_loop3A_216 : i32
      %parallel_loop3A_218 = arith.constant 64 : i32
      %parallel_loop3A_219 = arith.addi %parallel_loop3A_217, %parallel_loop3A_218 : i32
      %parallel_loop3A_220 = arith.index_cast %parallel_loop3A_219 : i32 to index
      %parallel_loop3A_221 = tpu.vector_load %arg6[%parallel_loop3A_220] {strides = array<i32>} : memref<32768xi32, #tpu.memory_space<vmem>>, vector<16xi32>,
      %parallel_loop3A_222 = tpu.vector_load_idx %arg5[%parallel_loop3A_221] : memref<2048xf32, #tpu.memory_space<vmem>>[vector<16xi32>], vector<16xf32>,
      %parallel_loop3A_223 = arith.constant 4096 : i32
      %parallel_loop3A_224 = arith.addi %parallel_loop3A_223, %parallel_loop3A_59 : i32
      %parallel_loop3A_225 = arith.constant 64 : i32
      %parallel_loop3A_226 = arith.addi %parallel_loop3A_224, %parallel_loop3A_225 : i32
      %parallel_loop3A_227 = arith.index_cast %parallel_loop3A_226 : i32 to index
      %parallel_loop3A_228 = tpu.vector_load %arg7[%parallel_loop3A_227] {strides = array<i32>} : memref<32768xf32, #tpu.memory_space<vmem>>, vector<16xf32>,
      tpu.vector_store %arg7[%parallel_loop3A_227], %parallel_loop3A_222 {strides = array<i32>} : memref<32768xf32, #tpu.memory_space<vmem>>, vector<16xf32>,
      %parallel_loop3A_229 = arith.constant 128 : i32
      %parallel_loop3A_230 = arith.addi %parallel_loop3A_57, %parallel_loop3A_229 : i32
      %parallel_loop3A_231 = arith.constant 80 : i32
      %parallel_loop3A_232 = arith.addi %parallel_loop3A_230, %parallel_loop3A_231 : i32
      %parallel_loop3A_233 = arith.index_cast %parallel_loop3A_232 : i32 to index
      %parallel_loop3A_234 = tpu.vector_load %arg6[%parallel_loop3A_233] {strides = array<i32>} : memref<32768xi32, #tpu.memory_space<vmem>>, vector<16xi32>,
      %parallel_loop3A_235 = tpu.vector_load_idx %arg5[%parallel_loop3A_234] : memref<2048xf32, #tpu.memory_space<vmem>>[vector<16xi32>], vector<16xf32>,
      %parallel_loop3A_236 = arith.constant 4096 : i32
      %parallel_loop3A_237 = arith.addi %parallel_loop3A_236, %parallel_loop3A_59 : i32
      %parallel_loop3A_238 = arith.constant 80 : i32
      %parallel_loop3A_239 = arith.addi %parallel_loop3A_237, %parallel_loop3A_238 : i32
      %parallel_loop3A_240 = arith.index_cast %parallel_loop3A_239 : i32 to index
      %parallel_loop3A_241 = tpu.vector_load %arg7[%parallel_loop3A_240] {strides = array<i32>} : memref<32768xf32, #tpu.memory_space<vmem>>, vector<16xf32>,
      tpu.vector_store %arg7[%parallel_loop3A_240], %parallel_loop3A_235 {strides = array<i32>} : memref<32768xf32, #tpu.memory_space<vmem>>, vector<16xf32>,
      %parallel_loop3A_242 = arith.constant 128 : i32
      %parallel_loop3A_243 = arith.addi %parallel_loop3A_57, %parallel_loop3A_242 : i32
      %parallel_loop3A_244 = arith.constant 96 : i32
      %parallel_loop3A_245 = arith.addi %parallel_loop3A_243, %parallel_loop3A_244 : i32
      %parallel_loop3A_246 = arith.index_cast %parallel_loop3A_245 : i32 to index
      %parallel_loop3A_247 = tpu.vector_load %arg6[%parallel_loop3A_246] {strides = array<i32>} : memref<32768xi32, #tpu.memory_space<vmem>>, vector<16xi32>,
      %parallel_loop3A_248 = tpu.vector_load_idx %arg5[%parallel_loop3A_247] : memref<2048xf32, #tpu.memory_space<vmem>>[vector<16xi32>], vector<16xf32>,
      %parallel_loop3A_249 = arith.constant 4096 : i32
      %parallel_loop3A_250 = arith.addi %parallel_loop3A_249, %parallel_loop3A_59 : i32
      %parallel_loop3A_251 = arith.constant 96 : i32
      %parallel_loop3A_252 = arith.addi %parallel_loop3A_250, %parallel_loop3A_251 : i32
      %parallel_loop3A_253 = arith.index_cast %parallel_loop3A_252 : i32 to index
      %parallel_loop3A_254 = tpu.vector_load %arg7[%parallel_loop3A_253] {strides = array<i32>} : memref<32768xf32, #tpu.memory_space<vmem>>, vector<16xf32>,
      tpu.vector_store %arg7[%parallel_loop3A_253], %parallel_loop3A_248 {strides = array<i32>} : memref<32768xf32, #tpu.memory_space<vmem>>, vector<16xf32>,
      %parallel_loop3A_255 = arith.constant 128 : i32
      %parallel_loop3A_256 = arith.addi %parallel_loop3A_57, %parallel_loop3A_255 : i32
      %parallel_loop3A_257 = arith.constant 112 : i32
      %parallel_loop3A_258 = arith.addi %parallel_loop3A_256, %parallel_loop3A_257 : i32
      %parallel_loop3A_259 = arith.index_cast %parallel_loop3A_258 : i32 to index
      %parallel_loop3A_260 = tpu.vector_load %arg6[%parallel_loop3A_259] {strides = array<i32>} : memref<32768xi32, #tpu.memory_space<vmem>>, vector<16xi32>,
      %parallel_loop3A_261 = tpu.vector_load_idx %arg5[%parallel_loop3A_260] : memref<2048xf32, #tpu.memory_space<vmem>>[vector<16xi32>], vector<16xf32>,
      %parallel_loop3A_262 = arith.constant 4096 : i32
      %parallel_loop3A_263 = arith.addi %parallel_loop3A_262, %parallel_loop3A_59 : i32
      %parallel_loop3A_264 = arith.constant 112 : i32
      %parallel_loop3A_265 = arith.addi %parallel_loop3A_263, %parallel_loop3A_264 : i32
      %parallel_loop3A_266 = arith.index_cast %parallel_loop3A_265 : i32 to index
      %parallel_loop3A_267 = tpu.vector_load %arg7[%parallel_loop3A_266] {strides = array<i32>} : memref<32768xf32, #tpu.memory_space<vmem>>, vector<16xf32>,
      tpu.vector_store %arg7[%parallel_loop3A_266], %parallel_loop3A_261 {strides = array<i32>} : memref<32768xf32, #tpu.memory_space<vmem>>, vector<16xf32>,
      %parallel_loop3A_268 = arith.constant 256 : i32
      %parallel_loop3A_269 = arith.addi %parallel_loop3A_57, %parallel_loop3A_268 : i32
      %parallel_loop3A_270 = arith.constant 0 : i32
      %parallel_loop3A_271 = arith.addi %parallel_loop3A_269, %parallel_loop3A_270 : i32
      %parallel_loop3A_272 = arith.index_cast %parallel_loop3A_271 : i32 to index
      %parallel_loop3A_273 = tpu.vector_load %arg6[%parallel_loop3A_272] {strides = array<i32>} : memref<32768xi32, #tpu.memory_space<vmem>>, vector<16xi32>,
      %parallel_loop3A_274 = tpu.vector_load_idx %arg5[%parallel_loop3A_273] : memref<2048xf32, #tpu.memory_space<vmem>>[vector<16xi32>], vector<16xf32>,
      %parallel_loop3A_275 = arith.constant 8192 : i32
      %parallel_loop3A_276 = arith.addi %parallel_loop3A_275, %parallel_loop3A_59 : i32
      %parallel_loop3A_277 = arith.constant 0 : i32
      %parallel_loop3A_278 = arith.addi %parallel_loop3A_276, %parallel_loop3A_277 : i32
      %parallel_loop3A_279 = arith.index_cast %parallel_loop3A_278 : i32 to index
      %parallel_loop3A_280 = tpu.vector_load %arg7[%parallel_loop3A_279] {strides = array<i32>} : memref<32768xf32, #tpu.memory_space<vmem>>, vector<16xf32>,
      tpu.vector_store %arg7[%parallel_loop3A_279], %parallel_loop3A_274 {strides = array<i32>} : memref<32768xf32, #tpu.memory_space<vmem>>, vector<16xf32>,
      %parallel_loop3A_281 = arith.constant 256 : i32
      %parallel_loop3A_282 = arith.addi %parallel_loop3A_57, %parallel_loop3A_281 : i32
      %parallel_loop3A_283 = arith.constant 16 : i32
      %parallel_loop3A_284 = arith.addi %parallel_loop3A_282, %parallel_loop3A_283 : i32
      %parallel_loop3A_285 = arith.index_cast %parallel_loop3A_284 : i32 to index
      %parallel_loop3A_286 = tpu.vector_load %arg6[%parallel_loop3A_285] {strides = array<i32>} : memref<32768xi32, #tpu.memory_space<vmem>>, vector<16xi32>,
      %parallel_loop3A_287 = tpu.vector_load_idx %arg5[%parallel_loop3A_286] : memref<2048xf32, #tpu.memory_space<vmem>>[vector<16xi32>], vector<16xf32>,
      %parallel_loop3A_288 = arith.constant 8192 : i32
      %parallel_loop3A_289 = arith.addi %parallel_loop3A_288, %parallel_loop3A_59 : i32
      %parallel_loop3A_290 = arith.constant 16 : i32
      %parallel_loop3A_291 = arith.addi %parallel_loop3A_289, %parallel_loop3A_290 : i32
      %parallel_loop3A_292 = arith.index_cast %parallel_loop3A_291 : i32 to index
      %parallel_loop3A_293 = tpu.vector_load %arg7[%parallel_loop3A_292] {strides = array<i32>} : memref<32768xf32, #tpu.memory_space<vmem>>, vector<16xf32>,
      tpu.vector_store %arg7[%parallel_loop3A_292], %parallel_loop3A_287 {strides = array<i32>} : memref<32768xf32, #tpu.memory_space<vmem>>, vector<16xf32>,
      %parallel_loop3A_294 = arith.constant 256 : i32
      %parallel_loop3A_295 = arith.addi %parallel_loop3A_57, %parallel_loop3A_294 : i32
      %parallel_loop3A_296 = arith.constant 32 : i32
      %parallel_loop3A_297 = arith.addi %parallel_loop3A_295, %parallel_loop3A_296 : i32
      %parallel_loop3A_298 = arith.index_cast %parallel_loop3A_297 : i32 to index
      %parallel_loop3A_299 = tpu.vector_load %arg6[%parallel_loop3A_298] {strides = array<i32>} : memref<32768xi32, #tpu.memory_space<vmem>>, vector<16xi32>,
      %parallel_loop3A_300 = tpu.vector_load_idx %arg5[%parallel_loop3A_299] : memref<2048xf32, #tpu.memory_space<vmem>>[vector<16xi32>], vector<16xf32>,
      %parallel_loop3A_301 = arith.constant 8192 : i32
      %parallel_loop3A_302 = arith.addi %parallel_loop3A_301, %parallel_loop3A_59 : i32
      %parallel_loop3A_303 = arith.constant 32 : i32
      %parallel_loop3A_304 = arith.addi %parallel_loop3A_302, %parallel_loop3A_303 : i32
      %parallel_loop3A_305 = arith.index_cast %parallel_loop3A_304 : i32 to index
      %parallel_loop3A_306 = tpu.vector_load %arg7[%parallel_loop3A_305] {strides = array<i32>} : memref<32768xf32, #tpu.memory_space<vmem>>, vector<16xf32>,
      tpu.vector_store %arg7[%parallel_loop3A_305], %parallel_loop3A_300 {strides = array<i32>} : memref<32768xf32, #tpu.memory_space<vmem>>, vector<16xf32>,
      %parallel_loop3A_307 = arith.constant 256 : i32
      %parallel_loop3A_308 = arith.addi %parallel_loop3A_57, %parallel_loop3A_307 : i32
      %parallel_loop3A_309 = arith.constant 48 : i32
      %parallel_loop3A_310 = arith.addi %parallel_loop3A_308, %parallel_loop3A_309 : i32
      %parallel_loop3A_311 = arith.index_cast %parallel_loop3A_310 : i32 to index
      %parallel_loop3A_312 = tpu.vector_load %arg6[%parallel_loop3A_311] {strides = array<i32>} : memref<32768xi32, #tpu.memory_space<vmem>>, vector<16xi32>,
      %parallel_loop3A_313 = tpu.vector_load_idx %arg5[%parallel_loop3A_312] : memref<2048xf32, #tpu.memory_space<vmem>>[vector<16xi32>], vector<16xf32>,
      %parallel_loop3A_314 = arith.constant 8192 : i32
      %parallel_loop3A_315 = arith.addi %parallel_loop3A_314, %parallel_loop3A_59 : i32
      %parallel_loop3A_316 = arith.constant 48 : i32
      %parallel_loop3A_317 = arith.addi %parallel_loop3A_315, %parallel_loop3A_316 : i32
      %parallel_loop3A_318 = arith.index_cast %parallel_loop3A_317 : i32 to index
      %parallel_loop3A_319 = tpu.vector_load %arg7[%parallel_loop3A_318] {strides = array<i32>} : memref<32768xf32, #tpu.memory_space<vmem>>, vector<16xf32>,
      tpu.vector_store %arg7[%parallel_loop3A_318], %parallel_loop3A_313 {strides = array<i32>} : memref<32768xf32, #tpu.memory_space<vmem>>, vector<16xf32>,
      %parallel_loop3A_320 = arith.constant 256 : i32
      %parallel_loop3A_321 = arith.addi %parallel_loop3A_57, %parallel_loop3A_320 : i32
      %parallel_loop3A_322 = arith.constant 64 : i32
      %parallel_loop3A_323 = arith.addi %parallel_loop3A_321, %parallel_loop3A_322 : i32
      %parallel_loop3A_324 = arith.index_cast %parallel_loop3A_323 : i32 to index
      %parallel_loop3A_325 = tpu.vector_load %arg6[%parallel_loop3A_324] {strides = array<i32>} : memref<32768xi32, #tpu.memory_space<vmem>>, vector<16xi32>,
      %parallel_loop3A_326 = tpu.vector_load_idx %arg5[%parallel_loop3A_325] : memref<2048xf32, #tpu.memory_space<vmem>>[vector<16xi32>], vector<16xf32>,
      %parallel_loop3A_327 = arith.constant 8192 : i32
      %parallel_loop3A_328 = arith.addi %parallel_loop3A_327, %parallel_loop3A_59 : i32
      %parallel_loop3A_329 = arith.constant 64 : i32
      %parallel_loop3A_330 = arith.addi %parallel_loop3A_328, %parallel_loop3A_329 : i32
      %parallel_loop3A_331 = arith.index_cast %parallel_loop3A_330 : i32 to index
      %parallel_loop3A_332 = tpu.vector_load %arg7[%parallel_loop3A_331] {strides = array<i32>} : memref<32768xf32, #tpu.memory_space<vmem>>, vector<16xf32>,
      tpu.vector_store %arg7[%parallel_loop3A_331], %parallel_loop3A_326 {strides = array<i32>} : memref<32768xf32, #tpu.memory_space<vmem>>, vector<16xf32>,
      %parallel_loop3A_333 = arith.constant 256 : i32
      %parallel_loop3A_334 = arith.addi %parallel_loop3A_57, %parallel_loop3A_333 : i32
      %parallel_loop3A_335 = arith.constant 80 : i32
      %parallel_loop3A_336 = arith.addi %parallel_loop3A_334, %parallel_loop3A_335 : i32
      %parallel_loop3A_337 = arith.index_cast %parallel_loop3A_336 : i32 to index
      %parallel_loop3A_338 = tpu.vector_load %arg6[%parallel_loop3A_337] {strides = array<i32>} : memref<32768xi32, #tpu.memory_space<vmem>>, vector<16xi32>,
      %parallel_loop3A_339 = tpu.vector_load_idx %arg5[%parallel_loop3A_338] : memref<2048xf32, #tpu.memory_space<vmem>>[vector<16xi32>], vector<16xf32>,
      %parallel_loop3A_340 = arith.constant 8192 : i32
      %parallel_loop3A_341 = arith.addi %parallel_loop3A_340, %parallel_loop3A_59 : i32
      %parallel_loop3A_342 = arith.constant 80 : i32
      %parallel_loop3A_343 = arith.addi %parallel_loop3A_341, %parallel_loop3A_342 : i32
      %parallel_loop3A_344 = arith.index_cast %parallel_loop3A_343 : i32 to index
      %parallel_loop3A_345 = tpu.vector_load %arg7[%parallel_loop3A_344] {strides = array<i32>} : memref<32768xf32, #tpu.memory_space<vmem>>, vector<16xf32>,
      tpu.vector_store %arg7[%parallel_loop3A_344], %parallel_loop3A_339 {strides = array<i32>} : memref<32768xf32, #tpu.memory_space<vmem>>, vector<16xf32>,
      %parallel_loop3A_346 = arith.constant 256 : i32
      %parallel_loop3A_347 = arith.addi %parallel_loop3A_57, %parallel_loop3A_346 : i32
      %parallel_loop3A_348 = arith.constant 96 : i32
      %parallel_loop3A_349 = arith.addi %parallel_loop3A_347, %parallel_loop3A_348 : i32
      %parallel_loop3A_350 = arith.index_cast %parallel_loop3A_349 : i32 to index
      %parallel_loop3A_351 = tpu.vector_load %arg6[%parallel_loop3A_350] {strides = array<i32>} : memref<32768xi32, #tpu.memory_space<vmem>>, vector<16xi32>,
      %parallel_loop3A_352 = tpu.vector_load_idx %arg5[%parallel_loop3A_351] : memref<2048xf32, #tpu.memory_space<vmem>>[vector<16xi32>], vector<16xf32>,
      %parallel_loop3A_353 = arith.constant 8192 : i32
      %parallel_loop3A_354 = arith.addi %parallel_loop3A_353, %parallel_loop3A_59 : i32
      %parallel_loop3A_355 = arith.constant 96 : i32
      %parallel_loop3A_356 = arith.addi %parallel_loop3A_354, %parallel_loop3A_355 : i32
      %parallel_loop3A_357 = arith.index_cast %parallel_loop3A_356 : i32 to index
      %parallel_loop3A_358 = tpu.vector_load %arg7[%parallel_loop3A_357] {strides = array<i32>} : memref<32768xf32, #tpu.memory_space<vmem>>, vector<16xf32>,
      tpu.vector_store %arg7[%parallel_loop3A_357], %parallel_loop3A_352 {strides = array<i32>} : memref<32768xf32, #tpu.memory_space<vmem>>, vector<16xf32>,
      %parallel_loop3A_359 = arith.constant 256 : i32
      %parallel_loop3A_360 = arith.addi %parallel_loop3A_57, %parallel_loop3A_359 : i32
      %parallel_loop3A_361 = arith.constant 112 : i32
      %parallel_loop3A_362 = arith.addi %parallel_loop3A_360, %parallel_loop3A_361 : i32
      %parallel_loop3A_363 = arith.index_cast %parallel_loop3A_362 : i32 to index
      %parallel_loop3A_364 = tpu.vector_load %arg6[%parallel_loop3A_363] {strides = array<i32>} : memref<32768xi32, #tpu.memory_space<vmem>>, vector<16xi32>,
      %parallel_loop3A_365 = tpu.vector_load_idx %arg5[%parallel_loop3A_364] : memref<2048xf32, #tpu.memory_space<vmem>>[vector<16xi32>], vector<16xf32>,
      %parallel_loop3A_366 = arith.constant 8192 : i32
      %parallel_loop3A_367 = arith.addi %parallel_loop3A_366, %parallel_loop3A_59 : i32
      %parallel_loop3A_368 = arith.constant 112 : i32
      %parallel_loop3A_369 = arith.addi %parallel_loop3A_367, %parallel_loop3A_368 : i32
      %parallel_loop3A_370 = arith.index_cast %parallel_loop3A_369 : i32 to index
      %parallel_loop3A_371 = tpu.vector_load %arg7[%parallel_loop3A_370] {strides = array<i32>} : memref<32768xf32, #tpu.memory_space<vmem>>, vector<16xf32>,
      tpu.vector_store %arg7[%parallel_loop3A_370], %parallel_loop3A_365 {strides = array<i32>} : memref<32768xf32, #tpu.memory_space<vmem>>, vector<16xf32>,
      %parallel_loop3A_372 = arith.constant 384 : i32
      %parallel_loop3A_373 = arith.addi %parallel_loop3A_57, %parallel_loop3A_372 : i32
      %parallel_loop3A_374 = arith.constant 0 : i32
      %parallel_loop3A_375 = arith.addi %parallel_loop3A_373, %parallel_loop3A_374 : i32
      %parallel_loop3A_376 = arith.index_cast %parallel_loop3A_375 : i32 to index
      %parallel_loop3A_377 = tpu.vector_load %arg6[%parallel_loop3A_376] {strides = array<i32>} : memref<32768xi32, #tpu.memory_space<vmem>>, vector<16xi32>,
      %parallel_loop3A_378 = tpu.vector_load_idx %arg5[%parallel_loop3A_377] : memref<2048xf32, #tpu.memory_space<vmem>>[vector<16xi32>], vector<16xf32>,
      %parallel_loop3A_379 = arith.constant 12288 : i32
      %parallel_loop3A_380 = arith.addi %parallel_loop3A_379, %parallel_loop3A_59 : i32
      %parallel_loop3A_381 = arith.constant 0 : i32
      %parallel_loop3A_382 = arith.addi %parallel_loop3A_380, %parallel_loop3A_381 : i32
      %parallel_loop3A_383 = arith.index_cast %parallel_loop3A_382 : i32 to index
      %parallel_loop3A_384 = tpu.vector_load %arg7[%parallel_loop3A_383] {strides = array<i32>} : memref<32768xf32, #tpu.memory_space<vmem>>, vector<16xf32>,
      tpu.vector_store %arg7[%parallel_loop3A_383], %parallel_loop3A_378 {strides = array<i32>} : memref<32768xf32, #tpu.memory_space<vmem>>, vector<16xf32>,
      %parallel_loop3A_385 = arith.constant 384 : i32
      %parallel_loop3A_386 = arith.addi %parallel_loop3A_57, %parallel_loop3A_385 : i32
      %parallel_loop3A_387 = arith.constant 16 : i32
      %parallel_loop3A_388 = arith.addi %parallel_loop3A_386, %parallel_loop3A_387 : i32
      %parallel_loop3A_389 = arith.index_cast %parallel_loop3A_388 : i32 to index
      %parallel_loop3A_390 = tpu.vector_load %arg6[%parallel_loop3A_389] {strides = array<i32>} : memref<32768xi32, #tpu.memory_space<vmem>>, vector<16xi32>,
      %parallel_loop3A_391 = tpu.vector_load_idx %arg5[%parallel_loop3A_390] : memref<2048xf32, #tpu.memory_space<vmem>>[vector<16xi32>], vector<16xf32>,
      %parallel_loop3A_392 = arith.constant 12288 : i32
      %parallel_loop3A_393 = arith.addi %parallel_loop3A_392, %parallel_loop3A_59 : i32
      %parallel_loop3A_394 = arith.constant 16 : i32
      %parallel_loop3A_395 = arith.addi %parallel_loop3A_393, %parallel_loop3A_394 : i32
      %parallel_loop3A_396 = arith.index_cast %parallel_loop3A_395 : i32 to index
      %parallel_loop3A_397 = tpu.vector_load %arg7[%parallel_loop3A_396] {strides = array<i32>} : memref<32768xf32, #tpu.memory_space<vmem>>, vector<16xf32>,
      tpu.vector_store %arg7[%parallel_loop3A_396], %parallel_loop3A_391 {strides = array<i32>} : memref<32768xf32, #tpu.memory_space<vmem>>, vector<16xf32>,
      %parallel_loop3A_398 = arith.constant 384 : i32
      %parallel_loop3A_399 = arith.addi %parallel_loop3A_57, %parallel_loop3A_398 : i32
      %parallel_loop3A_400 = arith.constant 32 : i32
      %parallel_loop3A_401 = arith.addi %parallel_loop3A_399, %parallel_loop3A_400 : i32
      %parallel_loop3A_402 = arith.index_cast %parallel_loop3A_401 : i32 to index
      %parallel_loop3A_403 = tpu.vector_load %arg6[%parallel_loop3A_402] {strides = array<i32>} : memref<32768xi32, #tpu.memory_space<vmem>>, vector<16xi32>,
      %parallel_loop3A_404 = tpu.vector_load_idx %arg5[%parallel_loop3A_403] : memref<2048xf32, #tpu.memory_space<vmem>>[vector<16xi32>], vector<16xf32>,
      %parallel_loop3A_405 = arith.constant 12288 : i32
      %parallel_loop3A_406 = arith.addi %parallel_loop3A_405, %parallel_loop3A_59 : i32
      %parallel_loop3A_407 = arith.constant 32 : i32
      %parallel_loop3A_408 = arith.addi %parallel_loop3A_406, %parallel_loop3A_407 : i32
      %parallel_loop3A_409 = arith.index_cast %parallel_loop3A_408 : i32 to index
      %parallel_loop3A_410 = tpu.vector_load %arg7[%parallel_loop3A_409] {strides = array<i32>} : memref<32768xf32, #tpu.memory_space<vmem>>, vector<16xf32>,
      tpu.vector_store %arg7[%parallel_loop3A_409], %parallel_loop3A_404 {strides = array<i32>} : memref<32768xf32, #tpu.memory_space<vmem>>, vector<16xf32>,
      %parallel_loop3A_411 = arith.constant 384 : i32
      %parallel_loop3A_412 = arith.addi %parallel_loop3A_57, %parallel_loop3A_411 : i32
      %parallel_loop3A_413 = arith.constant 48 : i32
      %parallel_loop3A_414 = arith.addi %parallel_loop3A_412, %parallel_loop3A_413 : i32
      %parallel_loop3A_415 = arith.index_cast %parallel_loop3A_414 : i32 to index
      %parallel_loop3A_416 = tpu.vector_load %arg6[%parallel_loop3A_415] {strides = array<i32>} : memref<32768xi32, #tpu.memory_space<vmem>>, vector<16xi32>,
      %parallel_loop3A_417 = tpu.vector_load_idx %arg5[%parallel_loop3A_416] : memref<2048xf32, #tpu.memory_space<vmem>>[vector<16xi32>], vector<16xf32>,
      %parallel_loop3A_418 = arith.constant 12288 : i32
      %parallel_loop3A_419 = arith.addi %parallel_loop3A_418, %parallel_loop3A_59 : i32
      %parallel_loop3A_420 = arith.constant 48 : i32
      %parallel_loop3A_421 = arith.addi %parallel_loop3A_419, %parallel_loop3A_420 : i32
      %parallel_loop3A_422 = arith.index_cast %parallel_loop3A_421 : i32 to index
      %parallel_loop3A_423 = tpu.vector_load %arg7[%parallel_loop3A_422] {strides = array<i32>} : memref<32768xf32, #tpu.memory_space<vmem>>, vector<16xf32>,
      tpu.vector_store %arg7[%parallel_loop3A_422], %parallel_loop3A_417 {strides = array<i32>} : memref<32768xf32, #tpu.memory_space<vmem>>, vector<16xf32>,
      %parallel_loop3A_424 = arith.constant 384 : i32
      %parallel_loop3A_425 = arith.addi %parallel_loop3A_57, %parallel_loop3A_424 : i32
      %parallel_loop3A_426 = arith.constant 64 : i32
      %parallel_loop3A_427 = arith.addi %parallel_loop3A_425, %parallel_loop3A_426 : i32
      %parallel_loop3A_428 = arith.index_cast %parallel_loop3A_427 : i32 to index
      %parallel_loop3A_429 = tpu.vector_load %arg6[%parallel_loop3A_428] {strides = array<i32>} : memref<32768xi32, #tpu.memory_space<vmem>>, vector<16xi32>,
      %parallel_loop3A_430 = tpu.vector_load_idx %arg5[%parallel_loop3A_429] : memref<2048xf32, #tpu.memory_space<vmem>>[vector<16xi32>], vector<16xf32>,
      %parallel_loop3A_431 = arith.constant 12288 : i32
      %parallel_loop3A_432 = arith.addi %parallel_loop3A_431, %parallel_loop3A_59 : i32
      %parallel_loop3A_433 = arith.constant 64 : i32
      %parallel_loop3A_434 = arith.addi %parallel_loop3A_432, %parallel_loop3A_433 : i32
      %parallel_loop3A_435 = arith.index_cast %parallel_loop3A_434 : i32 to index
      %parallel_loop3A_436 = tpu.vector_load %arg7[%parallel_loop3A_435] {strides = array<i32>} : memref<32768xf32, #tpu.memory_space<vmem>>, vector<16xf32>,
      tpu.vector_store %arg7[%parallel_loop3A_435], %parallel_loop3A_430 {strides = array<i32>} : memref<32768xf32, #tpu.memory_space<vmem>>, vector<16xf32>,
      %parallel_loop3A_437 = arith.constant 384 : i32
      %parallel_loop3A_438 = arith.addi %parallel_loop3A_57, %parallel_loop3A_437 : i32
      %parallel_loop3A_439 = arith.constant 80 : i32
      %parallel_loop3A_440 = arith.addi %parallel_loop3A_438, %parallel_loop3A_439 : i32
      %parallel_loop3A_441 = arith.index_cast %parallel_loop3A_440 : i32 to index
      %parallel_loop3A_442 = tpu.vector_load %arg6[%parallel_loop3A_441] {strides = array<i32>} : memref<32768xi32, #tpu.memory_space<vmem>>, vector<16xi32>,
      %parallel_loop3A_443 = tpu.vector_load_idx %arg5[%parallel_loop3A_442] : memref<2048xf32, #tpu.memory_space<vmem>>[vector<16xi32>], vector<16xf32>,
      %parallel_loop3A_444 = arith.constant 12288 : i32
      %parallel_loop3A_445 = arith.addi %parallel_loop3A_444, %parallel_loop3A_59 : i32
      %parallel_loop3A_446 = arith.constant 80 : i32
      %parallel_loop3A_447 = arith.addi %parallel_loop3A_445, %parallel_loop3A_446 : i32
      %parallel_loop3A_448 = arith.index_cast %parallel_loop3A_447 : i32 to index
      %parallel_loop3A_449 = tpu.vector_load %arg7[%parallel_loop3A_448] {strides = array<i32>} : memref<32768xf32, #tpu.memory_space<vmem>>, vector<16xf32>,
      tpu.vector_store %arg7[%parallel_loop3A_448], %parallel_loop3A_443 {strides = array<i32>} : memref<32768xf32, #tpu.memory_space<vmem>>, vector<16xf32>,
      %parallel_loop3A_450 = arith.constant 384 : i32
      %parallel_loop3A_451 = arith.addi %parallel_loop3A_57, %parallel_loop3A_450 : i32
      %parallel_loop3A_452 = arith.constant 96 : i32
      %parallel_loop3A_453 = arith.addi %parallel_loop3A_451, %parallel_loop3A_452 : i32
      %parallel_loop3A_454 = arith.index_cast %parallel_loop3A_453 : i32 to index
      %parallel_loop3A_455 = tpu.vector_load %arg6[%parallel_loop3A_454] {strides = array<i32>} : memref<32768xi32, #tpu.memory_space<vmem>>, vector<16xi32>,
      %parallel_loop3A_456 = tpu.vector_load_idx %arg5[%parallel_loop3A_455] : memref<2048xf32, #tpu.memory_space<vmem>>[vector<16xi32>], vector<16xf32>,
      %parallel_loop3A_457 = arith.constant 12288 : i32
      %parallel_loop3A_458 = arith.addi %parallel_loop3A_457, %parallel_loop3A_59 : i32
      %parallel_loop3A_459 = arith.constant 96 : i32
      %parallel_loop3A_460 = arith.addi %parallel_loop3A_458, %parallel_loop3A_459 : i32
      %parallel_loop3A_461 = arith.index_cast %parallel_loop3A_460 : i32 to index
      %parallel_loop3A_462 = tpu.vector_load %arg7[%parallel_loop3A_461] {strides = array<i32>} : memref<32768xf32, #tpu.memory_space<vmem>>, vector<16xf32>,
      tpu.vector_store %arg7[%parallel_loop3A_461], %parallel_loop3A_456 {strides = array<i32>} : memref<32768xf32, #tpu.memory_space<vmem>>, vector<16xf32>,
      %parallel_loop3A_463 = arith.constant 384 : i32
      %parallel_loop3A_464 = arith.addi %parallel_loop3A_57, %parallel_loop3A_463 : i32
      %parallel_loop3A_465 = arith.constant 112 : i32
      %parallel_loop3A_466 = arith.addi %parallel_loop3A_464, %parallel_loop3A_465 : i32
      %parallel_loop3A_467 = arith.index_cast %parallel_loop3A_466 : i32 to index
      %parallel_loop3A_468 = tpu.vector_load %arg6[%parallel_loop3A_467] {strides = array<i32>} : memref<32768xi32, #tpu.memory_space<vmem>>, vector<16xi32>,
      %parallel_loop3A_469 = tpu.vector_load_idx %arg5[%parallel_loop3A_468] : memref<2048xf32, #tpu.memory_space<vmem>>[vector<16xi32>], vector<16xf32>,
      %parallel_loop3A_470 = arith.constant 12288 : i32
      %parallel_loop3A_471 = arith.addi %parallel_loop3A_470, %parallel_loop3A_59 : i32
      %parallel_loop3A_472 = arith.constant 112 : i32
      %parallel_loop3A_473 = arith.addi %parallel_loop3A_471, %parallel_loop3A_472 : i32
      %parallel_loop3A_474 = arith.index_cast %parallel_loop3A_473 : i32 to index
      %parallel_loop3A_475 = tpu.vector_load %arg7[%parallel_loop3A_474] {strides = array<i32>} : memref<32768xf32, #tpu.memory_space<vmem>>, vector<16xf32>,
      tpu.vector_store %arg7[%parallel_loop3A_474], %parallel_loop3A_469 {strides = array<i32>} : memref<32768xf32, #tpu.memory_space<vmem>>, vector<16xf32>,
      %parallel_loop3A_476 = arith.constant 512 : i32
      %parallel_loop3A_477 = arith.addi %parallel_loop3A_57, %parallel_loop3A_476 : i32
      %parallel_loop3A_478 = arith.constant 0 : i32
      %parallel_loop3A_479 = arith.addi %parallel_loop3A_477, %parallel_loop3A_478 : i32
      %parallel_loop3A_480 = arith.index_cast %parallel_loop3A_479 : i32 to index
      %parallel_loop3A_481 = tpu.vector_load %arg6[%parallel_loop3A_480] {strides = array<i32>} : memref<32768xi32, #tpu.memory_space<vmem>>, vector<16xi32>,
      %parallel_loop3A_482 = tpu.vector_load_idx %arg5[%parallel_loop3A_481] : memref<2048xf32, #tpu.memory_space<vmem>>[vector<16xi32>], vector<16xf32>,
      %parallel_loop3A_483 = arith.constant 16384 : i32
      %parallel_loop3A_484 = arith.addi %parallel_loop3A_483, %parallel_loop3A_59 : i32
      %parallel_loop3A_485 = arith.constant 0 : i32
      %parallel_loop3A_486 = arith.addi %parallel_loop3A_484, %parallel_loop3A_485 : i32
      %parallel_loop3A_487 = arith.index_cast %parallel_loop3A_486 : i32 to index
      %parallel_loop3A_488 = tpu.vector_load %arg7[%parallel_loop3A_487] {strides = array<i32>} : memref<32768xf32, #tpu.memory_space<vmem>>, vector<16xf32>,
      tpu.vector_store %arg7[%parallel_loop3A_487], %parallel_loop3A_482 {strides = array<i32>} : memref<32768xf32, #tpu.memory_space<vmem>>, vector<16xf32>,
      %parallel_loop3A_489 = arith.constant 512 : i32
      %parallel_loop3A_490 = arith.addi %parallel_loop3A_57, %parallel_loop3A_489 : i32
      %parallel_loop3A_491 = arith.constant 16 : i32
      %parallel_loop3A_492 = arith.addi %parallel_loop3A_490, %parallel_loop3A_491 : i32
      %parallel_loop3A_493 = arith.index_cast %parallel_loop3A_492 : i32 to index
      %parallel_loop3A_494 = tpu.vector_load %arg6[%parallel_loop3A_493] {strides = array<i32>} : memref<32768xi32, #tpu.memory_space<vmem>>, vector<16xi32>,
      %parallel_loop3A_495 = tpu.vector_load_idx %arg5[%parallel_loop3A_494] : memref<2048xf32, #tpu.memory_space<vmem>>[vector<16xi32>], vector<16xf32>,
      %parallel_loop3A_496 = arith.constant 16384 : i32
      %parallel_loop3A_497 = arith.addi %parallel_loop3A_496, %parallel_loop3A_59 : i32
      %parallel_loop3A_498 = arith.constant 16 : i32
      %parallel_loop3A_499 = arith.addi %parallel_loop3A_497, %parallel_loop3A_498 : i32
      %parallel_loop3A_500 = arith.index_cast %parallel_loop3A_499 : i32 to index
      %parallel_loop3A_501 = tpu.vector_load %arg7[%parallel_loop3A_500] {strides = array<i32>} : memref<32768xf32, #tpu.memory_space<vmem>>, vector<16xf32>,
      tpu.vector_store %arg7[%parallel_loop3A_500], %parallel_loop3A_495 {strides = array<i32>} : memref<32768xf32, #tpu.memory_space<vmem>>, vector<16xf32>,
      %parallel_loop3A_502 = arith.constant 512 : i32
      %parallel_loop3A_503 = arith.addi %parallel_loop3A_57, %parallel_loop3A_502 : i32
      %parallel_loop3A_504 = arith.constant 32 : i32
      %parallel_loop3A_505 = arith.addi %parallel_loop3A_503, %parallel_loop3A_504 : i32
      %parallel_loop3A_506 = arith.index_cast %parallel_loop3A_505 : i32 to index
      %parallel_loop3A_507 = tpu.vector_load %arg6[%parallel_loop3A_506] {strides = array<i32>} : memref<32768xi32, #tpu.memory_space<vmem>>, vector<16xi32>,
      %parallel_loop3A_508 = tpu.vector_load_idx %arg5[%parallel_loop3A_507] : memref<2048xf32, #tpu.memory_space<vmem>>[vector<16xi32>], vector<16xf32>,
      %parallel_loop3A_509 = arith.constant 16384 : i32
      %parallel_loop3A_510 = arith.addi %parallel_loop3A_509, %parallel_loop3A_59 : i32
      %parallel_loop3A_511 = arith.constant 32 : i32
      %parallel_loop3A_512 = arith.addi %parallel_loop3A_510, %parallel_loop3A_511 : i32
      %parallel_loop3A_513 = arith.index_cast %parallel_loop3A_512 : i32 to index
      %parallel_loop3A_514 = tpu.vector_load %arg7[%parallel_loop3A_513] {strides = array<i32>} : memref<32768xf32, #tpu.memory_space<vmem>>, vector<16xf32>,
      tpu.vector_store %arg7[%parallel_loop3A_513], %parallel_loop3A_508 {strides = array<i32>} : memref<32768xf32, #tpu.memory_space<vmem>>, vector<16xf32>,
      %parallel_loop3A_515 = arith.constant 512 : i32
      %parallel_loop3A_516 = arith.addi %parallel_loop3A_57, %parallel_loop3A_515 : i32
      %parallel_loop3A_517 = arith.constant 48 : i32
      %parallel_loop3A_518 = arith.addi %parallel_loop3A_516, %parallel_loop3A_517 : i32
      %parallel_loop3A_519 = arith.index_cast %parallel_loop3A_518 : i32 to index
      %parallel_loop3A_520 = tpu.vector_load %arg6[%parallel_loop3A_519] {strides = array<i32>} : memref<32768xi32, #tpu.memory_space<vmem>>, vector<16xi32>,
      %parallel_loop3A_521 = tpu.vector_load_idx %arg5[%parallel_loop3A_520] : memref<2048xf32, #tpu.memory_space<vmem>>[vector<16xi32>], vector<16xf32>,
      %parallel_loop3A_522 = arith.constant 16384 : i32
      %parallel_loop3A_523 = arith.addi %parallel_loop3A_522, %parallel_loop3A_59 : i32
      %parallel_loop3A_524 = arith.constant 48 : i32
      %parallel_loop3A_525 = arith.addi %parallel_loop3A_523, %parallel_loop3A_524 : i32
      %parallel_loop3A_526 = arith.index_cast %parallel_loop3A_525 : i32 to index
      %parallel_loop3A_527 = tpu.vector_load %arg7[%parallel_loop3A_526] {strides = array<i32>} : memref<32768xf32, #tpu.memory_space<vmem>>, vector<16xf32>,
      tpu.vector_store %arg7[%parallel_loop3A_526], %parallel_loop3A_521 {strides = array<i32>} : memref<32768xf32, #tpu.memory_space<vmem>>, vector<16xf32>,
      %parallel_loop3A_528 = arith.constant 512 : i32
      %parallel_loop3A_529 = arith.addi %parallel_loop3A_57, %parallel_loop3A_528 : i32
      %parallel_loop3A_530 = arith.constant 64 : i32
      %parallel_loop3A_531 = arith.addi %parallel_loop3A_529, %parallel_loop3A_530 : i32
      %parallel_loop3A_532 = arith.index_cast %parallel_loop3A_531 : i32 to index
      %parallel_loop3A_533 = tpu.vector_load %arg6[%parallel_loop3A_532] {strides = array<i32>} : memref<32768xi32, #tpu.memory_space<vmem>>, vector<16xi32>,
      %parallel_loop3A_534 = tpu.vector_load_idx %arg5[%parallel_loop3A_533] : memref<2048xf32, #tpu.memory_space<vmem>>[vector<16xi32>], vector<16xf32>,
      %parallel_loop3A_535 = arith.constant 16384 : i32
      %parallel_loop3A_536 = arith.addi %parallel_loop3A_535, %parallel_loop3A_59 : i32
      %parallel_loop3A_537 = arith.constant 64 : i32
      %parallel_loop3A_538 = arith.addi %parallel_loop3A_536, %parallel_loop3A_537 : i32
      %parallel_loop3A_539 = arith.index_cast %parallel_loop3A_538 : i32 to index
      %parallel_loop3A_540 = tpu.vector_load %arg7[%parallel_loop3A_539] {strides = array<i32>} : memref<32768xf32, #tpu.memory_space<vmem>>, vector<16xf32>,
      tpu.vector_store %arg7[%parallel_loop3A_539], %parallel_loop3A_534 {strides = array<i32>} : memref<32768xf32, #tpu.memory_space<vmem>>, vector<16xf32>,
      %parallel_loop3A_541 = arith.constant 512 : i32
      %parallel_loop3A_542 = arith.addi %parallel_loop3A_57, %parallel_loop3A_541 : i32
      %parallel_loop3A_543 = arith.constant 80 : i32
      %parallel_loop3A_544 = arith.addi %parallel_loop3A_542, %parallel_loop3A_543 : i32
      %parallel_loop3A_545 = arith.index_cast %parallel_loop3A_544 : i32 to index
      %parallel_loop3A_546 = tpu.vector_load %arg6[%parallel_loop3A_545] {strides = array<i32>} : memref<32768xi32, #tpu.memory_space<vmem>>, vector<16xi32>,
      %parallel_loop3A_547 = tpu.vector_load_idx %arg5[%parallel_loop3A_546] : memref<2048xf32, #tpu.memory_space<vmem>>[vector<16xi32>], vector<16xf32>,
      %parallel_loop3A_548 = arith.constant 16384 : i32
      %parallel_loop3A_549 = arith.addi %parallel_loop3A_548, %parallel_loop3A_59 : i32
      %parallel_loop3A_550 = arith.constant 80 : i32
      %parallel_loop3A_551 = arith.addi %parallel_loop3A_549, %parallel_loop3A_550 : i32
      %parallel_loop3A_552 = arith.index_cast %parallel_loop3A_551 : i32 to index
      %parallel_loop3A_553 = tpu.vector_load %arg7[%parallel_loop3A_552] {strides = array<i32>} : memref<32768xf32, #tpu.memory_space<vmem>>, vector<16xf32>,
      tpu.vector_store %arg7[%parallel_loop3A_552], %parallel_loop3A_547 {strides = array<i32>} : memref<32768xf32, #tpu.memory_space<vmem>>, vector<16xf32>,
      %parallel_loop3A_554 = arith.constant 512 : i32
      %parallel_loop3A_555 = arith.addi %parallel_loop3A_57, %parallel_loop3A_554 : i32
      %parallel_loop3A_556 = arith.constant 96 : i32
      %parallel_loop3A_557 = arith.addi %parallel_loop3A_555, %parallel_loop3A_556 : i32
      %parallel_loop3A_558 = arith.index_cast %parallel_loop3A_557 : i32 to index
      %parallel_loop3A_559 = tpu.vector_load %arg6[%parallel_loop3A_558] {strides = array<i32>} : memref<32768xi32, #tpu.memory_space<vmem>>, vector<16xi32>,
      %parallel_loop3A_560 = tpu.vector_load_idx %arg5[%parallel_loop3A_559] : memref<2048xf32, #tpu.memory_space<vmem>>[vector<16xi32>], vector<16xf32>,
      %parallel_loop3A_561 = arith.constant 16384 : i32
      %parallel_loop3A_562 = arith.addi %parallel_loop3A_561, %parallel_loop3A_59 : i32
      %parallel_loop3A_563 = arith.constant 96 : i32
      %parallel_loop3A_564 = arith.addi %parallel_loop3A_562, %parallel_loop3A_563 : i32
      %parallel_loop3A_565 = arith.index_cast %parallel_loop3A_564 : i32 to index
      %parallel_loop3A_566 = tpu.vector_load %arg7[%parallel_loop3A_565] {strides = array<i32>} : memref<32768xf32, #tpu.memory_space<vmem>>, vector<16xf32>,
      tpu.vector_store %arg7[%parallel_loop3A_565], %parallel_loop3A_560 {strides = array<i32>} : memref<32768xf32, #tpu.memory_space<vmem>>, vector<16xf32>,
      %parallel_loop3A_567 = arith.constant 512 : i32
      %parallel_loop3A_568 = arith.addi %parallel_loop3A_57, %parallel_loop3A_567 : i32
      %parallel_loop3A_569 = arith.constant 112 : i32
      %parallel_loop3A_570 = arith.addi %parallel_loop3A_568, %parallel_loop3A_569 : i32
      %parallel_loop3A_571 = arith.index_cast %parallel_loop3A_570 : i32 to index
      %parallel_loop3A_572 = tpu.vector_load %arg6[%parallel_loop3A_571] {strides = array<i32>} : memref<32768xi32, #tpu.memory_space<vmem>>, vector<16xi32>,
      %parallel_loop3A_573 = tpu.vector_load_idx %arg5[%parallel_loop3A_572] : memref<2048xf32, #tpu.memory_space<vmem>>[vector<16xi32>], vector<16xf32>,
      %parallel_loop3A_574 = arith.constant 16384 : i32
      %parallel_loop3A_575 = arith.addi %parallel_loop3A_574, %parallel_loop3A_59 : i32
      %parallel_loop3A_576 = arith.constant 112 : i32
      %parallel_loop3A_577 = arith.addi %parallel_loop3A_575, %parallel_loop3A_576 : i32
      %parallel_loop3A_578 = arith.index_cast %parallel_loop3A_577 : i32 to index
      %parallel_loop3A_579 = tpu.vector_load %arg7[%parallel_loop3A_578] {strides = array<i32>} : memref<32768xf32, #tpu.memory_space<vmem>>, vector<16xf32>,
      tpu.vector_store %arg7[%parallel_loop3A_578], %parallel_loop3A_573 {strides = array<i32>} : memref<32768xf32, #tpu.memory_space<vmem>>, vector<16xf32>,
      %parallel_loop3A_580 = arith.constant 640 : i32
      %parallel_loop3A_581 = arith.addi %parallel_loop3A_57, %parallel_loop3A_580 : i32
      %parallel_loop3A_582 = arith.constant 0 : i32
      %parallel_loop3A_583 = arith.addi %parallel_loop3A_581, %parallel_loop3A_582 : i32
      %parallel_loop3A_584 = arith.index_cast %parallel_loop3A_583 : i32 to index
      %parallel_loop3A_585 = tpu.vector_load %arg6[%parallel_loop3A_584] {strides = array<i32>} : memref<32768xi32, #tpu.memory_space<vmem>>, vector<16xi32>,
      %parallel_loop3A_586 = tpu.vector_load_idx %arg5[%parallel_loop3A_585] : memref<2048xf32, #tpu.memory_space<vmem>>[vector<16xi32>], vector<16xf32>,
      %parallel_loop3A_587 = arith.constant 20480 : i32
      %parallel_loop3A_588 = arith.addi %parallel_loop3A_587, %parallel_loop3A_59 : i32
      %parallel_loop3A_589 = arith.constant 0 : i32
      %parallel_loop3A_590 = arith.addi %parallel_loop3A_588, %parallel_loop3A_589 : i32
      %parallel_loop3A_591 = arith.index_cast %parallel_loop3A_590 : i32 to index
      %parallel_loop3A_592 = tpu.vector_load %arg7[%parallel_loop3A_591] {strides = array<i32>} : memref<32768xf32, #tpu.memory_space<vmem>>, vector<16xf32>,
      tpu.vector_store %arg7[%parallel_loop3A_591], %parallel_loop3A_586 {strides = array<i32>} : memref<32768xf32, #tpu.memory_space<vmem>>, vector<16xf32>,
      %parallel_loop3A_593 = arith.constant 640 : i32
      %parallel_loop3A_594 = arith.addi %parallel_loop3A_57, %parallel_loop3A_593 : i32
      %parallel_loop3A_595 = arith.constant 16 : i32
      %parallel_loop3A_596 = arith.addi %parallel_loop3A_594, %parallel_loop3A_595 : i32
      %parallel_loop3A_597 = arith.index_cast %parallel_loop3A_596 : i32 to index
      %parallel_loop3A_598 = tpu.vector_load %arg6[%parallel_loop3A_597] {strides = array<i32>} : memref<32768xi32, #tpu.memory_space<vmem>>, vector<16xi32>,
      %parallel_loop3A_599 = tpu.vector_load_idx %arg5[%parallel_loop3A_598] : memref<2048xf32, #tpu.memory_space<vmem>>[vector<16xi32>], vector<16xf32>,
      %parallel_loop3A_600 = arith.constant 20480 : i32
      %parallel_loop3A_601 = arith.addi %parallel_loop3A_600, %parallel_loop3A_59 : i32
      %parallel_loop3A_602 = arith.constant 16 : i32
      %parallel_loop3A_603 = arith.addi %parallel_loop3A_601, %parallel_loop3A_602 : i32
      %parallel_loop3A_604 = arith.index_cast %parallel_loop3A_603 : i32 to index
      %parallel_loop3A_605 = tpu.vector_load %arg7[%parallel_loop3A_604] {strides = array<i32>} : memref<32768xf32, #tpu.memory_space<vmem>>, vector<16xf32>,
      tpu.vector_store %arg7[%parallel_loop3A_604], %parallel_loop3A_599 {strides = array<i32>} : memref<32768xf32, #tpu.memory_space<vmem>>, vector<16xf32>,
      %parallel_loop3A_606 = arith.constant 640 : i32
      %parallel_loop3A_607 = arith.addi %parallel_loop3A_57, %parallel_loop3A_606 : i32
      %parallel_loop3A_608 = arith.constant 32 : i32
      %parallel_loop3A_609 = arith.addi %parallel_loop3A_607, %parallel_loop3A_608 : i32
      %parallel_loop3A_610 = arith.index_cast %parallel_loop3A_609 : i32 to index
      %parallel_loop3A_611 = tpu.vector_load %arg6[%parallel_loop3A_610] {strides = array<i32>} : memref<32768xi32, #tpu.memory_space<vmem>>, vector<16xi32>,
      %parallel_loop3A_612 = tpu.vector_load_idx %arg5[%parallel_loop3A_611] : memref<2048xf32, #tpu.memory_space<vmem>>[vector<16xi32>], vector<16xf32>,
      %parallel_loop3A_613 = arith.constant 20480 : i32
      %parallel_loop3A_614 = arith.addi %parallel_loop3A_613, %parallel_loop3A_59 : i32
      %parallel_loop3A_615 = arith.constant 32 : i32
      %parallel_loop3A_616 = arith.addi %parallel_loop3A_614, %parallel_loop3A_615 : i32
      %parallel_loop3A_617 = arith.index_cast %parallel_loop3A_616 : i32 to index
      %parallel_loop3A_618 = tpu.vector_load %arg7[%parallel_loop3A_617] {strides = array<i32>} : memref<32768xf32, #tpu.memory_space<vmem>>, vector<16xf32>,
      tpu.vector_store %arg7[%parallel_loop3A_617], %parallel_loop3A_612 {strides = array<i32>} : memref<32768xf32, #tpu.memory_space<vmem>>, vector<16xf32>,
      %parallel_loop3A_619 = arith.constant 640 : i32
      %parallel_loop3A_620 = arith.addi %parallel_loop3A_57, %parallel_loop3A_619 : i32
      %parallel_loop3A_621 = arith.constant 48 : i32
      %parallel_loop3A_622 = arith.addi %parallel_loop3A_620, %parallel_loop3A_621 : i32
      %parallel_loop3A_623 = arith.index_cast %parallel_loop3A_622 : i32 to index
      %parallel_loop3A_624 = tpu.vector_load %arg6[%parallel_loop3A_623] {strides = array<i32>} : memref<32768xi32, #tpu.memory_space<vmem>>, vector<16xi32>,
      %parallel_loop3A_625 = tpu.vector_load_idx %arg5[%parallel_loop3A_624] : memref<2048xf32, #tpu.memory_space<vmem>>[vector<16xi32>], vector<16xf32>,
      %parallel_loop3A_626 = arith.constant 20480 : i32
      %parallel_loop3A_627 = arith.addi %parallel_loop3A_626, %parallel_loop3A_59 : i32
      %parallel_loop3A_628 = arith.constant 48 : i32
      %parallel_loop3A_629 = arith.addi %parallel_loop3A_627, %parallel_loop3A_628 : i32
      %parallel_loop3A_630 = arith.index_cast %parallel_loop3A_629 : i32 to index
      %parallel_loop3A_631 = tpu.vector_load %arg7[%parallel_loop3A_630] {strides = array<i32>} : memref<32768xf32, #tpu.memory_space<vmem>>, vector<16xf32>,
      tpu.vector_store %arg7[%parallel_loop3A_630], %parallel_loop3A_625 {strides = array<i32>} : memref<32768xf32, #tpu.memory_space<vmem>>, vector<16xf32>,
      %parallel_loop3A_632 = arith.constant 640 : i32
      %parallel_loop3A_633 = arith.addi %parallel_loop3A_57, %parallel_loop3A_632 : i32
      %parallel_loop3A_634 = arith.constant 64 : i32
      %parallel_loop3A_635 = arith.addi %parallel_loop3A_633, %parallel_loop3A_634 : i32
      %parallel_loop3A_636 = arith.index_cast %parallel_loop3A_635 : i32 to index
      %parallel_loop3A_637 = tpu.vector_load %arg6[%parallel_loop3A_636] {strides = array<i32>} : memref<32768xi32, #tpu.memory_space<vmem>>, vector<16xi32>,
      %parallel_loop3A_638 = tpu.vector_load_idx %arg5[%parallel_loop3A_637] : memref<2048xf32, #tpu.memory_space<vmem>>[vector<16xi32>], vector<16xf32>,
      %parallel_loop3A_639 = arith.constant 20480 : i32
      %parallel_loop3A_640 = arith.addi %parallel_loop3A_639, %parallel_loop3A_59 : i32
      %parallel_loop3A_641 = arith.constant 64 : i32
      %parallel_loop3A_642 = arith.addi %parallel_loop3A_640, %parallel_loop3A_641 : i32
      %parallel_loop3A_643 = arith.index_cast %parallel_loop3A_642 : i32 to index
      %parallel_loop3A_644 = tpu.vector_load %arg7[%parallel_loop3A_643] {strides = array<i32>} : memref<32768xf32, #tpu.memory_space<vmem>>, vector<16xf32>,
      tpu.vector_store %arg7[%parallel_loop3A_643], %parallel_loop3A_638 {strides = array<i32>} : memref<32768xf32, #tpu.memory_space<vmem>>, vector<16xf32>,
      %parallel_loop3A_645 = arith.constant 640 : i32
      %parallel_loop3A_646 = arith.addi %parallel_loop3A_57, %parallel_loop3A_645 : i32
      %parallel_loop3A_647 = arith.constant 80 : i32
      %parallel_loop3A_648 = arith.addi %parallel_loop3A_646, %parallel_loop3A_647 : i32
      %parallel_loop3A_649 = arith.index_cast %parallel_loop3A_648 : i32 to index
      %parallel_loop3A_650 = tpu.vector_load %arg6[%parallel_loop3A_649] {strides = array<i32>} : memref<32768xi32, #tpu.memory_space<vmem>>, vector<16xi32>,
      %parallel_loop3A_651 = tpu.vector_load_idx %arg5[%parallel_loop3A_650] : memref<2048xf32, #tpu.memory_space<vmem>>[vector<16xi32>], vector<16xf32>,
      %parallel_loop3A_652 = arith.constant 20480 : i32
      %parallel_loop3A_653 = arith.addi %parallel_loop3A_652, %parallel_loop3A_59 : i32
      %parallel_loop3A_654 = arith.constant 80 : i32
      %parallel_loop3A_655 = arith.addi %parallel_loop3A_653, %parallel_loop3A_654 : i32
      %parallel_loop3A_656 = arith.index_cast %parallel_loop3A_655 : i32 to index
      %parallel_loop3A_657 = tpu.vector_load %arg7[%parallel_loop3A_656] {strides = array<i32>} : memref<32768xf32, #tpu.memory_space<vmem>>, vector<16xf32>,
      tpu.vector_store %arg7[%parallel_loop3A_656], %parallel_loop3A_651 {strides = array<i32>} : memref<32768xf32, #tpu.memory_space<vmem>>, vector<16xf32>,
      %parallel_loop3A_658 = arith.constant 640 : i32
      %parallel_loop3A_659 = arith.addi %parallel_loop3A_57, %parallel_loop3A_658 : i32
      %parallel_loop3A_660 = arith.constant 96 : i32
      %parallel_loop3A_661 = arith.addi %parallel_loop3A_659, %parallel_loop3A_660 : i32
      %parallel_loop3A_662 = arith.index_cast %parallel_loop3A_661 : i32 to index
      %parallel_loop3A_663 = tpu.vector_load %arg6[%parallel_loop3A_662] {strides = array<i32>} : memref<32768xi32, #tpu.memory_space<vmem>>, vector<16xi32>,
      %parallel_loop3A_664 = tpu.vector_load_idx %arg5[%parallel_loop3A_663] : memref<2048xf32, #tpu.memory_space<vmem>>[vector<16xi32>], vector<16xf32>,
      %parallel_loop3A_665 = arith.constant 20480 : i32
      %parallel_loop3A_666 = arith.addi %parallel_loop3A_665, %parallel_loop3A_59 : i32
      %parallel_loop3A_667 = arith.constant 96 : i32
      %parallel_loop3A_668 = arith.addi %parallel_loop3A_666, %parallel_loop3A_667 : i32
      %parallel_loop3A_669 = arith.index_cast %parallel_loop3A_668 : i32 to index
      %parallel_loop3A_670 = tpu.vector_load %arg7[%parallel_loop3A_669] {strides = array<i32>} : memref<32768xf32, #tpu.memory_space<vmem>>, vector<16xf32>,
      tpu.vector_store %arg7[%parallel_loop3A_669], %parallel_loop3A_664 {strides = array<i32>} : memref<32768xf32, #tpu.memory_space<vmem>>, vector<16xf32>,
      %parallel_loop3A_671 = arith.constant 640 : i32
      %parallel_loop3A_672 = arith.addi %parallel_loop3A_57, %parallel_loop3A_671 : i32
      %parallel_loop3A_673 = arith.constant 112 : i32
      %parallel_loop3A_674 = arith.addi %parallel_loop3A_672, %parallel_loop3A_673 : i32
      %parallel_loop3A_675 = arith.index_cast %parallel_loop3A_674 : i32 to index
      %parallel_loop3A_676 = tpu.vector_load %arg6[%parallel_loop3A_675] {strides = array<i32>} : memref<32768xi32, #tpu.memory_space<vmem>>, vector<16xi32>,
      %parallel_loop3A_677 = tpu.vector_load_idx %arg5[%parallel_loop3A_676] : memref<2048xf32, #tpu.memory_space<vmem>>[vector<16xi32>], vector<16xf32>,
      %parallel_loop3A_678 = arith.constant 20480 : i32
      %parallel_loop3A_679 = arith.addi %parallel_loop3A_678, %parallel_loop3A_59 : i32
      %parallel_loop3A_680 = arith.constant 112 : i32
      %parallel_loop3A_681 = arith.addi %parallel_loop3A_679, %parallel_loop3A_680 : i32
      %parallel_loop3A_682 = arith.index_cast %parallel_loop3A_681 : i32 to index
      %parallel_loop3A_683 = tpu.vector_load %arg7[%parallel_loop3A_682] {strides = array<i32>} : memref<32768xf32, #tpu.memory_space<vmem>>, vector<16xf32>,
      tpu.vector_store %arg7[%parallel_loop3A_682], %parallel_loop3A_677 {strides = array<i32>} : memref<32768xf32, #tpu.memory_space<vmem>>, vector<16xf32>,
      %parallel_loop3A_684 = arith.constant 768 : i32
      %parallel_loop3A_685 = arith.addi %parallel_loop3A_57, %parallel_loop3A_684 : i32
      %parallel_loop3A_686 = arith.constant 0 : i32
      %parallel_loop3A_687 = arith.addi %parallel_loop3A_685, %parallel_loop3A_686 : i32
      %parallel_loop3A_688 = arith.index_cast %parallel_loop3A_687 : i32 to index
      %parallel_loop3A_689 = tpu.vector_load %arg6[%parallel_loop3A_688] {strides = array<i32>} : memref<32768xi32, #tpu.memory_space<vmem>>, vector<16xi32>,
      %parallel_loop3A_690 = tpu.vector_load_idx %arg5[%parallel_loop3A_689] : memref<2048xf32, #tpu.memory_space<vmem>>[vector<16xi32>], vector<16xf32>,
      %parallel_loop3A_691 = arith.constant 24576 : i32
      %parallel_loop3A_692 = arith.addi %parallel_loop3A_691, %parallel_loop3A_59 : i32
      %parallel_loop3A_693 = arith.constant 0 : i32
      %parallel_loop3A_694 = arith.addi %parallel_loop3A_692, %parallel_loop3A_693 : i32
      %parallel_loop3A_695 = arith.index_cast %parallel_loop3A_694 : i32 to index
      %parallel_loop3A_696 = tpu.vector_load %arg7[%parallel_loop3A_695] {strides = array<i32>} : memref<32768xf32, #tpu.memory_space<vmem>>, vector<16xf32>,
      tpu.vector_store %arg7[%parallel_loop3A_695], %parallel_loop3A_690 {strides = array<i32>} : memref<32768xf32, #tpu.memory_space<vmem>>, vector<16xf32>,
      %parallel_loop3A_697 = arith.constant 768 : i32
      %parallel_loop3A_698 = arith.addi %parallel_loop3A_57, %parallel_loop3A_697 : i32
      %parallel_loop3A_699 = arith.constant 16 : i32
      %parallel_loop3A_700 = arith.addi %parallel_loop3A_698, %parallel_loop3A_699 : i32
      %parallel_loop3A_701 = arith.index_cast %parallel_loop3A_700 : i32 to index
      %parallel_loop3A_702 = tpu.vector_load %arg6[%parallel_loop3A_701] {strides = array<i32>} : memref<32768xi32, #tpu.memory_space<vmem>>, vector<16xi32>,
      %parallel_loop3A_703 = tpu.vector_load_idx %arg5[%parallel_loop3A_702] : memref<2048xf32, #tpu.memory_space<vmem>>[vector<16xi32>], vector<16xf32>,
      %parallel_loop3A_704 = arith.constant 24576 : i32
      %parallel_loop3A_705 = arith.addi %parallel_loop3A_704, %parallel_loop3A_59 : i32
      %parallel_loop3A_706 = arith.constant 16 : i32
      %parallel_loop3A_707 = arith.addi %parallel_loop3A_705, %parallel_loop3A_706 : i32
      %parallel_loop3A_708 = arith.index_cast %parallel_loop3A_707 : i32 to index
      %parallel_loop3A_709 = tpu.vector_load %arg7[%parallel_loop3A_708] {strides = array<i32>} : memref<32768xf32, #tpu.memory_space<vmem>>, vector<16xf32>,
      tpu.vector_store %arg7[%parallel_loop3A_708], %parallel_loop3A_703 {strides = array<i32>} : memref<32768xf32, #tpu.memory_space<vmem>>, vector<16xf32>,
      %parallel_loop3A_710 = arith.constant 768 : i32
      %parallel_loop3A_711 = arith.addi %parallel_loop3A_57, %parallel_loop3A_710 : i32
      %parallel_loop3A_712 = arith.constant 32 : i32
      %parallel_loop3A_713 = arith.addi %parallel_loop3A_711, %parallel_loop3A_712 : i32
      %parallel_loop3A_714 = arith.index_cast %parallel_loop3A_713 : i32 to index
      %parallel_loop3A_715 = tpu.vector_load %arg6[%parallel_loop3A_714] {strides = array<i32>} : memref<32768xi32, #tpu.memory_space<vmem>>, vector<16xi32>,
      %parallel_loop3A_716 = tpu.vector_load_idx %arg5[%parallel_loop3A_715] : memref<2048xf32, #tpu.memory_space<vmem>>[vector<16xi32>], vector<16xf32>,
      %parallel_loop3A_717 = arith.constant 24576 : i32
      %parallel_loop3A_718 = arith.addi %parallel_loop3A_717, %parallel_loop3A_59 : i32
      %parallel_loop3A_719 = arith.constant 32 : i32
      %parallel_loop3A_720 = arith.addi %parallel_loop3A_718, %parallel_loop3A_719 : i32
      %parallel_loop3A_721 = arith.index_cast %parallel_loop3A_720 : i32 to index
      %parallel_loop3A_722 = tpu.vector_load %arg7[%parallel_loop3A_721] {strides = array<i32>} : memref<32768xf32, #tpu.memory_space<vmem>>, vector<16xf32>,
      tpu.vector_store %arg7[%parallel_loop3A_721], %parallel_loop3A_716 {strides = array<i32>} : memref<32768xf32, #tpu.memory_space<vmem>>, vector<16xf32>,
      %parallel_loop3A_723 = arith.constant 768 : i32
      %parallel_loop3A_724 = arith.addi %parallel_loop3A_57, %parallel_loop3A_723 : i32
      %parallel_loop3A_725 = arith.constant 48 : i32
      %parallel_loop3A_726 = arith.addi %parallel_loop3A_724, %parallel_loop3A_725 : i32
      %parallel_loop3A_727 = arith.index_cast %parallel_loop3A_726 : i32 to index
      %parallel_loop3A_728 = tpu.vector_load %arg6[%parallel_loop3A_727] {strides = array<i32>} : memref<32768xi32, #tpu.memory_space<vmem>>, vector<16xi32>,
      %parallel_loop3A_729 = tpu.vector_load_idx %arg5[%parallel_loop3A_728] : memref<2048xf32, #tpu.memory_space<vmem>>[vector<16xi32>], vector<16xf32>,
      %parallel_loop3A_730 = arith.constant 24576 : i32
      %parallel_loop3A_731 = arith.addi %parallel_loop3A_730, %parallel_loop3A_59 : i32
      %parallel_loop3A_732 = arith.constant 48 : i32
      %parallel_loop3A_733 = arith.addi %parallel_loop3A_731, %parallel_loop3A_732 : i32
      %parallel_loop3A_734 = arith.index_cast %parallel_loop3A_733 : i32 to index
      %parallel_loop3A_735 = tpu.vector_load %arg7[%parallel_loop3A_734] {strides = array<i32>} : memref<32768xf32, #tpu.memory_space<vmem>>, vector<16xf32>,
      tpu.vector_store %arg7[%parallel_loop3A_734], %parallel_loop3A_729 {strides = array<i32>} : memref<32768xf32, #tpu.memory_space<vmem>>, vector<16xf32>,
      %parallel_loop3A_736 = arith.constant 768 : i32
      %parallel_loop3A_737 = arith.addi %parallel_loop3A_57, %parallel_loop3A_736 : i32
      %parallel_loop3A_738 = arith.constant 64 : i32
      %parallel_loop3A_739 = arith.addi %parallel_loop3A_737, %parallel_loop3A_738 : i32
      %parallel_loop3A_740 = arith.index_cast %parallel_loop3A_739 : i32 to index
      %parallel_loop3A_741 = tpu.vector_load %arg6[%parallel_loop3A_740] {strides = array<i32>} : memref<32768xi32, #tpu.memory_space<vmem>>, vector<16xi32>,
      %parallel_loop3A_742 = tpu.vector_load_idx %arg5[%parallel_loop3A_741] : memref<2048xf32, #tpu.memory_space<vmem>>[vector<16xi32>], vector<16xf32>,
      %parallel_loop3A_743 = arith.constant 24576 : i32
      %parallel_loop3A_744 = arith.addi %parallel_loop3A_743, %parallel_loop3A_59 : i32
      %parallel_loop3A_745 = arith.constant 64 : i32
      %parallel_loop3A_746 = arith.addi %parallel_loop3A_744, %parallel_loop3A_745 : i32
      %parallel_loop3A_747 = arith.index_cast %parallel_loop3A_746 : i32 to index
      %parallel_loop3A_748 = tpu.vector_load %arg7[%parallel_loop3A_747] {strides = array<i32>} : memref<32768xf32, #tpu.memory_space<vmem>>, vector<16xf32>,
      tpu.vector_store %arg7[%parallel_loop3A_747], %parallel_loop3A_742 {strides = array<i32>} : memref<32768xf32, #tpu.memory_space<vmem>>, vector<16xf32>,
      %parallel_loop3A_749 = arith.constant 768 : i32
      %parallel_loop3A_750 = arith.addi %parallel_loop3A_57, %parallel_loop3A_749 : i32
      %parallel_loop3A_751 = arith.constant 80 : i32
      %parallel_loop3A_752 = arith.addi %parallel_loop3A_750, %parallel_loop3A_751 : i32
      %parallel_loop3A_753 = arith.index_cast %parallel_loop3A_752 : i32 to index
      %parallel_loop3A_754 = tpu.vector_load %arg6[%parallel_loop3A_753] {strides = array<i32>} : memref<32768xi32, #tpu.memory_space<vmem>>, vector<16xi32>,
      %parallel_loop3A_755 = tpu.vector_load_idx %arg5[%parallel_loop3A_754] : memref<2048xf32, #tpu.memory_space<vmem>>[vector<16xi32>], vector<16xf32>,
      %parallel_loop3A_756 = arith.constant 24576 : i32
      %parallel_loop3A_757 = arith.addi %parallel_loop3A_756, %parallel_loop3A_59 : i32
      %parallel_loop3A_758 = arith.constant 80 : i32
      %parallel_loop3A_759 = arith.addi %parallel_loop3A_757, %parallel_loop3A_758 : i32
      %parallel_loop3A_760 = arith.index_cast %parallel_loop3A_759 : i32 to index
      %parallel_loop3A_761 = tpu.vector_load %arg7[%parallel_loop3A_760] {strides = array<i32>} : memref<32768xf32, #tpu.memory_space<vmem>>, vector<16xf32>,
      tpu.vector_store %arg7[%parallel_loop3A_760], %parallel_loop3A_755 {strides = array<i32>} : memref<32768xf32, #tpu.memory_space<vmem>>, vector<16xf32>,
      %parallel_loop3A_762 = arith.constant 768 : i32
      %parallel_loop3A_763 = arith.addi %parallel_loop3A_57, %parallel_loop3A_762 : i32
      %parallel_loop3A_764 = arith.constant 96 : i32
      %parallel_loop3A_765 = arith.addi %parallel_loop3A_763, %parallel_loop3A_764 : i32
      %parallel_loop3A_766 = arith.index_cast %parallel_loop3A_765 : i32 to index
      %parallel_loop3A_767 = tpu.vector_load %arg6[%parallel_loop3A_766] {strides = array<i32>} : memref<32768xi32, #tpu.memory_space<vmem>>, vector<16xi32>,
      %parallel_loop3A_768 = tpu.vector_load_idx %arg5[%parallel_loop3A_767] : memref<2048xf32, #tpu.memory_space<vmem>>[vector<16xi32>], vector<16xf32>,
      %parallel_loop3A_769 = arith.constant 24576 : i32
      %parallel_loop3A_770 = arith.addi %parallel_loop3A_769, %parallel_loop3A_59 : i32
      %parallel_loop3A_771 = arith.constant 96 : i32
      %parallel_loop3A_772 = arith.addi %parallel_loop3A_770, %parallel_loop3A_771 : i32
      %parallel_loop3A_773 = arith.index_cast %parallel_loop3A_772 : i32 to index
      %parallel_loop3A_774 = tpu.vector_load %arg7[%parallel_loop3A_773] {strides = array<i32>} : memref<32768xf32, #tpu.memory_space<vmem>>, vector<16xf32>,
      tpu.vector_store %arg7[%parallel_loop3A_773], %parallel_loop3A_768 {strides = array<i32>} : memref<32768xf32, #tpu.memory_space<vmem>>, vector<16xf32>,
      %parallel_loop3A_775 = arith.constant 768 : i32
      %parallel_loop3A_776 = arith.addi %parallel_loop3A_57, %parallel_loop3A_775 : i32
      %parallel_loop3A_777 = arith.constant 112 : i32
      %parallel_loop3A_778 = arith.addi %parallel_loop3A_776, %parallel_loop3A_777 : i32
      %parallel_loop3A_779 = arith.index_cast %parallel_loop3A_778 : i32 to index
      %parallel_loop3A_780 = tpu.vector_load %arg6[%parallel_loop3A_779] {strides = array<i32>} : memref<32768xi32, #tpu.memory_space<vmem>>, vector<16xi32>,
      %parallel_loop3A_781 = tpu.vector_load_idx %arg5[%parallel_loop3A_780] : memref<2048xf32, #tpu.memory_space<vmem>>[vector<16xi32>], vector<16xf32>,
      %parallel_loop3A_782 = arith.constant 24576 : i32
      %parallel_loop3A_783 = arith.addi %parallel_loop3A_782, %parallel_loop3A_59 : i32
      %parallel_loop3A_784 = arith.constant 112 : i32
      %parallel_loop3A_785 = arith.addi %parallel_loop3A_783, %parallel_loop3A_784 : i32
      %parallel_loop3A_786 = arith.index_cast %parallel_loop3A_785 : i32 to index
      %parallel_loop3A_787 = tpu.vector_load %arg7[%parallel_loop3A_786] {strides = array<i32>} : memref<32768xf32, #tpu.memory_space<vmem>>, vector<16xf32>,
      tpu.vector_store %arg7[%parallel_loop3A_786], %parallel_loop3A_781 {strides = array<i32>} : memref<32768xf32, #tpu.memory_space<vmem>>, vector<16xf32>,
      %parallel_loop3A_788 = arith.constant 896 : i32
      %parallel_loop3A_789 = arith.addi %parallel_loop3A_57, %parallel_loop3A_788 : i32
      %parallel_loop3A_790 = arith.constant 0 : i32
      %parallel_loop3A_791 = arith.addi %parallel_loop3A_789, %parallel_loop3A_790 : i32
      %parallel_loop3A_792 = arith.index_cast %parallel_loop3A_791 : i32 to index
      %parallel_loop3A_793 = tpu.vector_load %arg6[%parallel_loop3A_792] {strides = array<i32>} : memref<32768xi32, #tpu.memory_space<vmem>>, vector<16xi32>,
      %parallel_loop3A_794 = tpu.vector_load_idx %arg5[%parallel_loop3A_793] : memref<2048xf32, #tpu.memory_space<vmem>>[vector<16xi32>], vector<16xf32>,
      %parallel_loop3A_795 = arith.constant 28672 : i32
      %parallel_loop3A_796 = arith.addi %parallel_loop3A_795, %parallel_loop3A_59 : i32
      %parallel_loop3A_797 = arith.constant 0 : i32
      %parallel_loop3A_798 = arith.addi %parallel_loop3A_796, %parallel_loop3A_797 : i32
      %parallel_loop3A_799 = arith.index_cast %parallel_loop3A_798 : i32 to index
      %parallel_loop3A_800 = tpu.vector_load %arg7[%parallel_loop3A_799] {strides = array<i32>} : memref<32768xf32, #tpu.memory_space<vmem>>, vector<16xf32>,
      tpu.vector_store %arg7[%parallel_loop3A_799], %parallel_loop3A_794 {strides = array<i32>} : memref<32768xf32, #tpu.memory_space<vmem>>, vector<16xf32>,
      %parallel_loop3A_801 = arith.constant 896 : i32
      %parallel_loop3A_802 = arith.addi %parallel_loop3A_57, %parallel_loop3A_801 : i32
      %parallel_loop3A_803 = arith.constant 16 : i32
      %parallel_loop3A_804 = arith.addi %parallel_loop3A_802, %parallel_loop3A_803 : i32
      %parallel_loop3A_805 = arith.index_cast %parallel_loop3A_804 : i32 to index
      %parallel_loop3A_806 = tpu.vector_load %arg6[%parallel_loop3A_805] {strides = array<i32>} : memref<32768xi32, #tpu.memory_space<vmem>>, vector<16xi32>,
      %parallel_loop3A_807 = tpu.vector_load_idx %arg5[%parallel_loop3A_806] : memref<2048xf32, #tpu.memory_space<vmem>>[vector<16xi32>], vector<16xf32>,
      %parallel_loop3A_808 = arith.constant 28672 : i32
      %parallel_loop3A_809 = arith.addi %parallel_loop3A_808, %parallel_loop3A_59 : i32
      %parallel_loop3A_810 = arith.constant 16 : i32
      %parallel_loop3A_811 = arith.addi %parallel_loop3A_809, %parallel_loop3A_810 : i32
      %parallel_loop3A_812 = arith.index_cast %parallel_loop3A_811 : i32 to index
      %parallel_loop3A_813 = tpu.vector_load %arg7[%parallel_loop3A_812] {strides = array<i32>} : memref<32768xf32, #tpu.memory_space<vmem>>, vector<16xf32>,
      tpu.vector_store %arg7[%parallel_loop3A_812], %parallel_loop3A_807 {strides = array<i32>} : memref<32768xf32, #tpu.memory_space<vmem>>, vector<16xf32>,
      %parallel_loop3A_814 = arith.constant 896 : i32
      %parallel_loop3A_815 = arith.addi %parallel_loop3A_57, %parallel_loop3A_814 : i32
      %parallel_loop3A_816 = arith.constant 32 : i32
      %parallel_loop3A_817 = arith.addi %parallel_loop3A_815, %parallel_loop3A_816 : i32
      %parallel_loop3A_818 = arith.index_cast %parallel_loop3A_817 : i32 to index
      %parallel_loop3A_819 = tpu.vector_load %arg6[%parallel_loop3A_818] {strides = array<i32>} : memref<32768xi32, #tpu.memory_space<vmem>>, vector<16xi32>,
      %parallel_loop3A_820 = tpu.vector_load_idx %arg5[%parallel_loop3A_819] : memref<2048xf32, #tpu.memory_space<vmem>>[vector<16xi32>], vector<16xf32>,
      %parallel_loop3A_821 = arith.constant 28672 : i32
      %parallel_loop3A_822 = arith.addi %parallel_loop3A_821, %parallel_loop3A_59 : i32
      %parallel_loop3A_823 = arith.constant 32 : i32
      %parallel_loop3A_824 = arith.addi %parallel_loop3A_822, %parallel_loop3A_823 : i32
      %parallel_loop3A_825 = arith.index_cast %parallel_loop3A_824 : i32 to index
      %parallel_loop3A_826 = tpu.vector_load %arg7[%parallel_loop3A_825] {strides = array<i32>} : memref<32768xf32, #tpu.memory_space<vmem>>, vector<16xf32>,
      tpu.vector_store %arg7[%parallel_loop3A_825], %parallel_loop3A_820 {strides = array<i32>} : memref<32768xf32, #tpu.memory_space<vmem>>, vector<16xf32>,
      %parallel_loop3A_827 = arith.constant 896 : i32
      %parallel_loop3A_828 = arith.addi %parallel_loop3A_57, %parallel_loop3A_827 : i32
      %parallel_loop3A_829 = arith.constant 48 : i32
      %parallel_loop3A_830 = arith.addi %parallel_loop3A_828, %parallel_loop3A_829 : i32
      %parallel_loop3A_831 = arith.index_cast %parallel_loop3A_830 : i32 to index
      %parallel_loop3A_832 = tpu.vector_load %arg6[%parallel_loop3A_831] {strides = array<i32>} : memref<32768xi32, #tpu.memory_space<vmem>>, vector<16xi32>,
      %parallel_loop3A_833 = tpu.vector_load_idx %arg5[%parallel_loop3A_832] : memref<2048xf32, #tpu.memory_space<vmem>>[vector<16xi32>], vector<16xf32>,
      %parallel_loop3A_834 = arith.constant 28672 : i32
      %parallel_loop3A_835 = arith.addi %parallel_loop3A_834, %parallel_loop3A_59 : i32
      %parallel_loop3A_836 = arith.constant 48 : i32
      %parallel_loop3A_837 = arith.addi %parallel_loop3A_835, %parallel_loop3A_836 : i32
      %parallel_loop3A_838 = arith.index_cast %parallel_loop3A_837 : i32 to index
      %parallel_loop3A_839 = tpu.vector_load %arg7[%parallel_loop3A_838] {strides = array<i32>} : memref<32768xf32, #tpu.memory_space<vmem>>, vector<16xf32>,
      tpu.vector_store %arg7[%parallel_loop3A_838], %parallel_loop3A_833 {strides = array<i32>} : memref<32768xf32, #tpu.memory_space<vmem>>, vector<16xf32>,
      %parallel_loop3A_840 = arith.constant 896 : i32
      %parallel_loop3A_841 = arith.addi %parallel_loop3A_57, %parallel_loop3A_840 : i32
      %parallel_loop3A_842 = arith.constant 64 : i32
      %parallel_loop3A_843 = arith.addi %parallel_loop3A_841, %parallel_loop3A_842 : i32
      %parallel_loop3A_844 = arith.index_cast %parallel_loop3A_843 : i32 to index
      %parallel_loop3A_845 = tpu.vector_load %arg6[%parallel_loop3A_844] {strides = array<i32>} : memref<32768xi32, #tpu.memory_space<vmem>>, vector<16xi32>,
      %parallel_loop3A_846 = tpu.vector_load_idx %arg5[%parallel_loop3A_845] : memref<2048xf32, #tpu.memory_space<vmem>>[vector<16xi32>], vector<16xf32>,
      %parallel_loop3A_847 = arith.constant 28672 : i32
      %parallel_loop3A_848 = arith.addi %parallel_loop3A_847, %parallel_loop3A_59 : i32
      %parallel_loop3A_849 = arith.constant 64 : i32
      %parallel_loop3A_850 = arith.addi %parallel_loop3A_848, %parallel_loop3A_849 : i32
      %parallel_loop3A_851 = arith.index_cast %parallel_loop3A_850 : i32 to index
      %parallel_loop3A_852 = tpu.vector_load %arg7[%parallel_loop3A_851] {strides = array<i32>} : memref<32768xf32, #tpu.memory_space<vmem>>, vector<16xf32>,
      tpu.vector_store %arg7[%parallel_loop3A_851], %parallel_loop3A_846 {strides = array<i32>} : memref<32768xf32, #tpu.memory_space<vmem>>, vector<16xf32>,
      %parallel_loop3A_853 = arith.constant 896 : i32
      %parallel_loop3A_854 = arith.addi %parallel_loop3A_57, %parallel_loop3A_853 : i32
      %parallel_loop3A_855 = arith.constant 80 : i32
      %parallel_loop3A_856 = arith.addi %parallel_loop3A_854, %parallel_loop3A_855 : i32
      %parallel_loop3A_857 = arith.index_cast %parallel_loop3A_856 : i32 to index
      %parallel_loop3A_858 = tpu.vector_load %arg6[%parallel_loop3A_857] {strides = array<i32>} : memref<32768xi32, #tpu.memory_space<vmem>>, vector<16xi32>,
      %parallel_loop3A_859 = tpu.vector_load_idx %arg5[%parallel_loop3A_858] : memref<2048xf32, #tpu.memory_space<vmem>>[vector<16xi32>], vector<16xf32>,
      %parallel_loop3A_860 = arith.constant 28672 : i32
      %parallel_loop3A_861 = arith.addi %parallel_loop3A_860, %parallel_loop3A_59 : i32
      %parallel_loop3A_862 = arith.constant 80 : i32
      %parallel_loop3A_863 = arith.addi %parallel_loop3A_861, %parallel_loop3A_862 : i32
      %parallel_loop3A_864 = arith.index_cast %parallel_loop3A_863 : i32 to index
      %parallel_loop3A_865 = tpu.vector_load %arg7[%parallel_loop3A_864] {strides = array<i32>} : memref<32768xf32, #tpu.memory_space<vmem>>, vector<16xf32>,
      tpu.vector_store %arg7[%parallel_loop3A_864], %parallel_loop3A_859 {strides = array<i32>} : memref<32768xf32, #tpu.memory_space<vmem>>, vector<16xf32>,
      %parallel_loop3A_866 = arith.constant 896 : i32
      %parallel_loop3A_867 = arith.addi %parallel_loop3A_57, %parallel_loop3A_866 : i32
      %parallel_loop3A_868 = arith.constant 96 : i32
      %parallel_loop3A_869 = arith.addi %parallel_loop3A_867, %parallel_loop3A_868 : i32
      %parallel_loop3A_870 = arith.index_cast %parallel_loop3A_869 : i32 to index
      %parallel_loop3A_871 = tpu.vector_load %arg6[%parallel_loop3A_870] {strides = array<i32>} : memref<32768xi32, #tpu.memory_space<vmem>>, vector<16xi32>,
      %parallel_loop3A_872 = tpu.vector_load_idx %arg5[%parallel_loop3A_871] : memref<2048xf32, #tpu.memory_space<vmem>>[vector<16xi32>], vector<16xf32>,
      %parallel_loop3A_873 = arith.constant 28672 : i32
      %parallel_loop3A_874 = arith.addi %parallel_loop3A_873, %parallel_loop3A_59 : i32
      %parallel_loop3A_875 = arith.constant 96 : i32
      %parallel_loop3A_876 = arith.addi %parallel_loop3A_874, %parallel_loop3A_875 : i32
      %parallel_loop3A_877 = arith.index_cast %parallel_loop3A_876 : i32 to index
      %parallel_loop3A_878 = tpu.vector_load %arg7[%parallel_loop3A_877] {strides = array<i32>} : memref<32768xf32, #tpu.memory_space<vmem>>, vector<16xf32>,
      tpu.vector_store %arg7[%parallel_loop3A_877], %parallel_loop3A_872 {strides = array<i32>} : memref<32768xf32, #tpu.memory_space<vmem>>, vector<16xf32>,
      %parallel_loop3A_879 = arith.constant 896 : i32
      %parallel_loop3A_880 = arith.addi %parallel_loop3A_57, %parallel_loop3A_879 : i32
      %parallel_loop3A_881 = arith.constant 112 : i32
      %parallel_loop3A_882 = arith.addi %parallel_loop3A_880, %parallel_loop3A_881 : i32
      %parallel_loop3A_883 = arith.index_cast %parallel_loop3A_882 : i32 to index
      %parallel_loop3A_884 = tpu.vector_load %arg6[%parallel_loop3A_883] {strides = array<i32>} : memref<32768xi32, #tpu.memory_space<vmem>>, vector<16xi32>,
      %parallel_loop3A_885 = tpu.vector_load_idx %arg5[%parallel_loop3A_884] : memref<2048xf32, #tpu.memory_space<vmem>>[vector<16xi32>], vector<16xf32>,
      %parallel_loop3A_886 = arith.constant 28672 : i32
      %parallel_loop3A_887 = arith.addi %parallel_loop3A_886, %parallel_loop3A_59 : i32
      %parallel_loop3A_888 = arith.constant 112 : i32
      %parallel_loop3A_889 = arith.addi %parallel_loop3A_887, %parallel_loop3A_888 : i32
      %parallel_loop3A_890 = arith.index_cast %parallel_loop3A_889 : i32 to index
      %parallel_loop3A_891 = tpu.vector_load %arg7[%parallel_loop3A_890] {strides = array<i32>} : memref<32768xf32, #tpu.memory_space<vmem>>, vector<16xf32>,
      tpu.vector_store %arg7[%parallel_loop3A_890], %parallel_loop3A_885 {strides = array<i32>} : memref<32768xf32, #tpu.memory_space<vmem>>, vector<16xf32>,
    } {sc.loop_unroll_factor = 2 : i64, sc.parallel_access}
    %mul3A_5 = arith.constant 32 : i32
    %mul3A_6 = arith.muli %mul3A_5, %add3A : i32
    %add3A_7 = arith.constant 0 : i32
    %add3A_8 = arith.addi %add3A_7, %mul3A_6 : i32
    %mul3A_9 = arith.constant 128 : i32
    %mul3A_10 = arith.muli %add3A_8, %mul3A_9 : i32
    "tpu.region"() ({
      %run_scoped3A = tpu.sem_alloc : memref<!tpu.dma_semaphore, #tpu.memory_space<semaphore_mem>>
      %dma_start3A = arith.constant 0 : i32
      %dma_start3A_55 = tpu.memref_slice %arg7[%dma_start3A] : memref<32768xf32, #tpu.memory_space<vmem>> -> memref<4096xf32, #tpu.memory_space<vmem>>
      %dma_start3A_56 = tpu.memref_slice %arg4[%mul3A_10] : memref<1056768xf32, #tpu.memory_space<hbm>> -> memref<4096xf32, #tpu.memory_space<hbm>>
      %dma_start3A_57 = tpu.memref_slice %arg4[%mul3A_10] : memref<1056768xf32, #tpu.memory_space<hbm>> -> memref<4096xf32, #tpu.memory_space<hbm>>
      %dma_start3A_58 = arith.constant 0 : i32
      %dma_start3A_59 = tpu.memref_slice %arg7[%dma_start3A_58] : memref<32768xf32, #tpu.memory_space<vmem>> -> memref<4096xf32, #tpu.memory_space<vmem>>
      tpu.enqueue_dma source(%dma_start3A_59 : memref<4096xf32, #tpu.memory_space<vmem>>) target(%dma_start3A_57 : memref<4096xf32, #tpu.memory_space<hbm>>) target_semaphore(%run_scoped3A : memref<!tpu.dma_semaphore, #tpu.memory_space<semaphore_mem>>)
      %dma_wait3A = arith.constant 0 : i32
      %dma_wait3A_60 = tpu.memref_slice %arg7[%dma_wait3A] : memref<32768xf32, #tpu.memory_space<vmem>> -> memref<4096xf32, #tpu.memory_space<vmem>>
      %dma_wait3A_61 = tpu.memref_slice %arg4[%mul3A_10] : memref<1056768xf32, #tpu.memory_space<hbm>> -> memref<4096xf32, #tpu.memory_space<hbm>>
      %dma_wait3A_62 = tpu.memref_slice %arg4[%mul3A_10] : memref<1056768xf32, #tpu.memory_space<hbm>> -> memref<4096xf32, #tpu.memory_space<hbm>>
      %dma_wait3A_63 = arith.constant 0 : i32
      %dma_wait3A_64 = tpu.memref_slice %arg7[%dma_wait3A_63] : memref<32768xf32, #tpu.memory_space<vmem>> -> memref<4096xf32, #tpu.memory_space<vmem>>
      tpu.wait_dma2 semaphore(%run_scoped3A : memref<!tpu.dma_semaphore, #tpu.memory_space<semaphore_mem>>) src(%dma_wait3A_64 : memref<4096xf32, #tpu.memory_space<vmem>>) dst(%dma_wait3A_62 : memref<4096xf32, #tpu.memory_space<hbm>>)
      tpu.yield
    }) : () -> ()
    %mul3A_11 = arith.constant 32 : i32
    %mul3A_12 = arith.muli %mul3A_11, %add3A : i32
    %add3A_13 = arith.constant 1032 : i32
    %add3A_14 = arith.addi %add3A_13, %mul3A_12 : i32
    %mul3A_15 = arith.constant 128 : i32
    %mul3A_16 = arith.muli %add3A_14, %mul3A_15 : i32
    "tpu.region"() ({
      %run_scoped3A = tpu.sem_alloc : memref<!tpu.dma_semaphore, #tpu.memory_space<semaphore_mem>>
      %dma_start3A = arith.constant 4096 : i32
      %dma_start3A_55 = tpu.memref_slice %arg7[%dma_start3A] : memref<32768xf32, #tpu.memory_space<vmem>> -> memref<4096xf32, #tpu.memory_space<vmem>>
      %dma_start3A_56 = tpu.memref_slice %arg4[%mul3A_16] : memref<1056768xf32, #tpu.memory_space<hbm>> -> memref<4096xf32, #tpu.memory_space<hbm>>
      %dma_start3A_57 = tpu.memref_slice %arg4[%mul3A_16] : memref<1056768xf32, #tpu.memory_space<hbm>> -> memref<4096xf32, #tpu.memory_space<hbm>>
      %dma_start3A_58 = arith.constant 4096 : i32
      %dma_start3A_59 = tpu.memref_slice %arg7[%dma_start3A_58] : memref<32768xf32, #tpu.memory_space<vmem>> -> memref<4096xf32, #tpu.memory_space<vmem>>
      tpu.enqueue_dma source(%dma_start3A_59 : memref<4096xf32, #tpu.memory_space<vmem>>) target(%dma_start3A_57 : memref<4096xf32, #tpu.memory_space<hbm>>) target_semaphore(%run_scoped3A : memref<!tpu.dma_semaphore, #tpu.memory_space<semaphore_mem>>)
      %dma_wait3A = arith.constant 4096 : i32
      %dma_wait3A_60 = tpu.memref_slice %arg7[%dma_wait3A] : memref<32768xf32, #tpu.memory_space<vmem>> -> memref<4096xf32, #tpu.memory_space<vmem>>
      %dma_wait3A_61 = tpu.memref_slice %arg4[%mul3A_16] : memref<1056768xf32, #tpu.memory_space<hbm>> -> memref<4096xf32, #tpu.memory_space<hbm>>
      %dma_wait3A_62 = tpu.memref_slice %arg4[%mul3A_16] : memref<1056768xf32, #tpu.memory_space<hbm>> -> memref<4096xf32, #tpu.memory_space<hbm>>
      %dma_wait3A_63 = arith.constant 4096 : i32
      %dma_wait3A_64 = tpu.memref_slice %arg7[%dma_wait3A_63] : memref<32768xf32, #tpu.memory_space<vmem>> -> memref<4096xf32, #tpu.memory_space<vmem>>
      tpu.wait_dma2 semaphore(%run_scoped3A : memref<!tpu.dma_semaphore, #tpu.memory_space<semaphore_mem>>) src(%dma_wait3A_64 : memref<4096xf32, #tpu.memory_space<vmem>>) dst(%dma_wait3A_62 : memref<4096xf32, #tpu.memory_space<hbm>>)
      tpu.yield
    }) : () -> ()
    %mul3A_17 = arith.constant 32 : i32
    %mul3A_18 = arith.muli %mul3A_17, %add3A : i32
    %add3A_19 = arith.constant 2064 : i32
    %add3A_20 = arith.addi %add3A_19, %mul3A_18 : i32
    %mul3A_21 = arith.constant 128 : i32
    %mul3A_22 = arith.muli %add3A_20, %mul3A_21 : i32
    "tpu.region"() ({
      %run_scoped3A = tpu.sem_alloc : memref<!tpu.dma_semaphore, #tpu.memory_space<semaphore_mem>>
      %dma_start3A = arith.constant 8192 : i32
      %dma_start3A_55 = tpu.memref_slice %arg7[%dma_start3A] : memref<32768xf32, #tpu.memory_space<vmem>> -> memref<4096xf32, #tpu.memory_space<vmem>>
      %dma_start3A_56 = tpu.memref_slice %arg4[%mul3A_22] : memref<1056768xf32, #tpu.memory_space<hbm>> -> memref<4096xf32, #tpu.memory_space<hbm>>
      %dma_start3A_57 = tpu.memref_slice %arg4[%mul3A_22] : memref<1056768xf32, #tpu.memory_space<hbm>> -> memref<4096xf32, #tpu.memory_space<hbm>>
      %dma_start3A_58 = arith.constant 8192 : i32
      %dma_start3A_59 = tpu.memref_slice %arg7[%dma_start3A_58] : memref<32768xf32, #tpu.memory_space<vmem>> -> memref<4096xf32, #tpu.memory_space<vmem>>
      tpu.enqueue_dma source(%dma_start3A_59 : memref<4096xf32, #tpu.memory_space<vmem>>) target(%dma_start3A_57 : memref<4096xf32, #tpu.memory_space<hbm>>) target_semaphore(%run_scoped3A : memref<!tpu.dma_semaphore, #tpu.memory_space<semaphore_mem>>)
      %dma_wait3A = arith.constant 8192 : i32
      %dma_wait3A_60 = tpu.memref_slice %arg7[%dma_wait3A] : memref<32768xf32, #tpu.memory_space<vmem>> -> memref<4096xf32, #tpu.memory_space<vmem>>
      %dma_wait3A_61 = tpu.memref_slice %arg4[%mul3A_22] : memref<1056768xf32, #tpu.memory_space<hbm>> -> memref<4096xf32, #tpu.memory_space<hbm>>
      %dma_wait3A_62 = tpu.memref_slice %arg4[%mul3A_22] : memref<1056768xf32, #tpu.memory_space<hbm>> -> memref<4096xf32, #tpu.memory_space<hbm>>
      %dma_wait3A_63 = arith.constant 8192 : i32
      %dma_wait3A_64 = tpu.memref_slice %arg7[%dma_wait3A_63] : memref<32768xf32, #tpu.memory_space<vmem>> -> memref<4096xf32, #tpu.memory_space<vmem>>
      tpu.wait_dma2 semaphore(%run_scoped3A : memref<!tpu.dma_semaphore, #tpu.memory_space<semaphore_mem>>) src(%dma_wait3A_64 : memref<4096xf32, #tpu.memory_space<vmem>>) dst(%dma_wait3A_62 : memref<4096xf32, #tpu.memory_space<hbm>>)
      tpu.yield
    }) : () -> ()
    %mul3A_23 = arith.constant 32 : i32
    %mul3A_24 = arith.muli %mul3A_23, %add3A : i32
    %add3A_25 = arith.constant 3096 : i32
    %add3A_26 = arith.addi %add3A_25, %mul3A_24 : i32
    %mul3A_27 = arith.constant 128 : i32
    %mul3A_28 = arith.muli %add3A_26, %mul3A_27 : i32
    "tpu.region"() ({
      %run_scoped3A = tpu.sem_alloc : memref<!tpu.dma_semaphore, #tpu.memory_space<semaphore_mem>>
      %dma_start3A = arith.constant 12288 : i32
      %dma_start3A_55 = tpu.memref_slice %arg7[%dma_start3A] : memref<32768xf32, #tpu.memory_space<vmem>> -> memref<4096xf32, #tpu.memory_space<vmem>>
      %dma_start3A_56 = tpu.memref_slice %arg4[%mul3A_28] : memref<1056768xf32, #tpu.memory_space<hbm>> -> memref<4096xf32, #tpu.memory_space<hbm>>
      %dma_start3A_57 = tpu.memref_slice %arg4[%mul3A_28] : memref<1056768xf32, #tpu.memory_space<hbm>> -> memref<4096xf32, #tpu.memory_space<hbm>>
      %dma_start3A_58 = arith.constant 12288 : i32
      %dma_start3A_59 = tpu.memref_slice %arg7[%dma_start3A_58] : memref<32768xf32, #tpu.memory_space<vmem>> -> memref<4096xf32, #tpu.memory_space<vmem>>
      tpu.enqueue_dma source(%dma_start3A_59 : memref<4096xf32, #tpu.memory_space<vmem>>) target(%dma_start3A_57 : memref<4096xf32, #tpu.memory_space<hbm>>) target_semaphore(%run_scoped3A : memref<!tpu.dma_semaphore, #tpu.memory_space<semaphore_mem>>)
      %dma_wait3A = arith.constant 12288 : i32
      %dma_wait3A_60 = tpu.memref_slice %arg7[%dma_wait3A] : memref<32768xf32, #tpu.memory_space<vmem>> -> memref<4096xf32, #tpu.memory_space<vmem>>
      %dma_wait3A_61 = tpu.memref_slice %arg4[%mul3A_28] : memref<1056768xf32, #tpu.memory_space<hbm>> -> memref<4096xf32, #tpu.memory_space<hbm>>
      %dma_wait3A_62 = tpu.memref_slice %arg4[%mul3A_28] : memref<1056768xf32, #tpu.memory_space<hbm>> -> memref<4096xf32, #tpu.memory_space<hbm>>
      %dma_wait3A_63 = arith.constant 12288 : i32
      %dma_wait3A_64 = tpu.memref_slice %arg7[%dma_wait3A_63] : memref<32768xf32, #tpu.memory_space<vmem>> -> memref<4096xf32, #tpu.memory_space<vmem>>
      tpu.wait_dma2 semaphore(%run_scoped3A : memref<!tpu.dma_semaphore, #tpu.memory_space<semaphore_mem>>) src(%dma_wait3A_64 : memref<4096xf32, #tpu.memory_space<vmem>>) dst(%dma_wait3A_62 : memref<4096xf32, #tpu.memory_space<hbm>>)
      tpu.yield
    }) : () -> ()
    %mul3A_29 = arith.constant 32 : i32
    %mul3A_30 = arith.muli %mul3A_29, %add3A : i32
    %add3A_31 = arith.constant 4128 : i32
    %add3A_32 = arith.addi %add3A_31, %mul3A_30 : i32
    %mul3A_33 = arith.constant 128 : i32
    %mul3A_34 = arith.muli %add3A_32, %mul3A_33 : i32
    "tpu.region"() ({
      %run_scoped3A = tpu.sem_alloc : memref<!tpu.dma_semaphore, #tpu.memory_space<semaphore_mem>>
      %dma_start3A = arith.constant 16384 : i32
      %dma_start3A_55 = tpu.memref_slice %arg7[%dma_start3A] : memref<32768xf32, #tpu.memory_space<vmem>> -> memref<4096xf32, #tpu.memory_space<vmem>>
      %dma_start3A_56 = tpu.memref_slice %arg4[%mul3A_34] : memref<1056768xf32, #tpu.memory_space<hbm>> -> memref<4096xf32, #tpu.memory_space<hbm>>
      %dma_start3A_57 = tpu.memref_slice %arg4[%mul3A_34] : memref<1056768xf32, #tpu.memory_space<hbm>> -> memref<4096xf32, #tpu.memory_space<hbm>>
      %dma_start3A_58 = arith.constant 16384 : i32
      %dma_start3A_59 = tpu.memref_slice %arg7[%dma_start3A_58] : memref<32768xf32, #tpu.memory_space<vmem>> -> memref<4096xf32, #tpu.memory_space<vmem>>
      tpu.enqueue_dma source(%dma_start3A_59 : memref<4096xf32, #tpu.memory_space<vmem>>) target(%dma_start3A_57 : memref<4096xf32, #tpu.memory_space<hbm>>) target_semaphore(%run_scoped3A : memref<!tpu.dma_semaphore, #tpu.memory_space<semaphore_mem>>)
      %dma_wait3A = arith.constant 16384 : i32
      %dma_wait3A_60 = tpu.memref_slice %arg7[%dma_wait3A] : memref<32768xf32, #tpu.memory_space<vmem>> -> memref<4096xf32, #tpu.memory_space<vmem>>
      %dma_wait3A_61 = tpu.memref_slice %arg4[%mul3A_34] : memref<1056768xf32, #tpu.memory_space<hbm>> -> memref<4096xf32, #tpu.memory_space<hbm>>
      %dma_wait3A_62 = tpu.memref_slice %arg4[%mul3A_34] : memref<1056768xf32, #tpu.memory_space<hbm>> -> memref<4096xf32, #tpu.memory_space<hbm>>
      %dma_wait3A_63 = arith.constant 16384 : i32
      %dma_wait3A_64 = tpu.memref_slice %arg7[%dma_wait3A_63] : memref<32768xf32, #tpu.memory_space<vmem>> -> memref<4096xf32, #tpu.memory_space<vmem>>
      tpu.wait_dma2 semaphore(%run_scoped3A : memref<!tpu.dma_semaphore, #tpu.memory_space<semaphore_mem>>) src(%dma_wait3A_64 : memref<4096xf32, #tpu.memory_space<vmem>>) dst(%dma_wait3A_62 : memref<4096xf32, #tpu.memory_space<hbm>>)
      tpu.yield
    }) : () -> ()
    %mul3A_35 = arith.constant 32 : i32
    %mul3A_36 = arith.muli %mul3A_35, %add3A : i32
    %add3A_37 = arith.constant 5160 : i32
    %add3A_38 = arith.addi %add3A_37, %mul3A_36 : i32
    %mul3A_39 = arith.constant 128 : i32
    %mul3A_40 = arith.muli %add3A_38, %mul3A_39 : i32
    "tpu.region"() ({
      %run_scoped3A = tpu.sem_alloc : memref<!tpu.dma_semaphore, #tpu.memory_space<semaphore_mem>>
      %dma_start3A = arith.constant 20480 : i32
      %dma_start3A_55 = tpu.memref_slice %arg7[%dma_start3A] : memref<32768xf32, #tpu.memory_space<vmem>> -> memref<4096xf32, #tpu.memory_space<vmem>>
      %dma_start3A_56 = tpu.memref_slice %arg4[%mul3A_40] : memref<1056768xf32, #tpu.memory_space<hbm>> -> memref<4096xf32, #tpu.memory_space<hbm>>
      %dma_start3A_57 = tpu.memref_slice %arg4[%mul3A_40] : memref<1056768xf32, #tpu.memory_space<hbm>> -> memref<4096xf32, #tpu.memory_space<hbm>>
      %dma_start3A_58 = arith.constant 20480 : i32
      %dma_start3A_59 = tpu.memref_slice %arg7[%dma_start3A_58] : memref<32768xf32, #tpu.memory_space<vmem>> -> memref<4096xf32, #tpu.memory_space<vmem>>
      tpu.enqueue_dma source(%dma_start3A_59 : memref<4096xf32, #tpu.memory_space<vmem>>) target(%dma_start3A_57 : memref<4096xf32, #tpu.memory_space<hbm>>) target_semaphore(%run_scoped3A : memref<!tpu.dma_semaphore, #tpu.memory_space<semaphore_mem>>)
      %dma_wait3A = arith.constant 20480 : i32
      %dma_wait3A_60 = tpu.memref_slice %arg7[%dma_wait3A] : memref<32768xf32, #tpu.memory_space<vmem>> -> memref<4096xf32, #tpu.memory_space<vmem>>
      %dma_wait3A_61 = tpu.memref_slice %arg4[%mul3A_40] : memref<1056768xf32, #tpu.memory_space<hbm>> -> memref<4096xf32, #tpu.memory_space<hbm>>
      %dma_wait3A_62 = tpu.memref_slice %arg4[%mul3A_40] : memref<1056768xf32, #tpu.memory_space<hbm>> -> memref<4096xf32, #tpu.memory_space<hbm>>
      %dma_wait3A_63 = arith.constant 20480 : i32
      %dma_wait3A_64 = tpu.memref_slice %arg7[%dma_wait3A_63] : memref<32768xf32, #tpu.memory_space<vmem>> -> memref<4096xf32, #tpu.memory_space<vmem>>
      tpu.wait_dma2 semaphore(%run_scoped3A : memref<!tpu.dma_semaphore, #tpu.memory_space<semaphore_mem>>) src(%dma_wait3A_64 : memref<4096xf32, #tpu.memory_space<vmem>>) dst(%dma_wait3A_62 : memref<4096xf32, #tpu.memory_space<hbm>>)
      tpu.yield
    }) : () -> ()
    %mul3A_41 = arith.constant 32 : i32
    %mul3A_42 = arith.muli %mul3A_41, %add3A : i32
    %add3A_43 = arith.constant 6192 : i32
    %add3A_44 = arith.addi %add3A_43, %mul3A_42 : i32
    %mul3A_45 = arith.constant 128 : i32
    %mul3A_46 = arith.muli %add3A_44, %mul3A_45 : i32
    "tpu.region"() ({
      %run_scoped3A = tpu.sem_alloc : memref<!tpu.dma_semaphore, #tpu.memory_space<semaphore_mem>>
      %dma_start3A = arith.constant 24576 : i32
      %dma_start3A_55 = tpu.memref_slice %arg7[%dma_start3A] : memref<32768xf32, #tpu.memory_space<vmem>> -> memref<4096xf32, #tpu.memory_space<vmem>>
      %dma_start3A_56 = tpu.memref_slice %arg4[%mul3A_46] : memref<1056768xf32, #tpu.memory_space<hbm>> -> memref<4096xf32, #tpu.memory_space<hbm>>
      %dma_start3A_57 = tpu.memref_slice %arg4[%mul3A_46] : memref<1056768xf32, #tpu.memory_space<hbm>> -> memref<4096xf32, #tpu.memory_space<hbm>>
      %dma_start3A_58 = arith.constant 24576 : i32
      %dma_start3A_59 = tpu.memref_slice %arg7[%dma_start3A_58] : memref<32768xf32, #tpu.memory_space<vmem>> -> memref<4096xf32, #tpu.memory_space<vmem>>
      tpu.enqueue_dma source(%dma_start3A_59 : memref<4096xf32, #tpu.memory_space<vmem>>) target(%dma_start3A_57 : memref<4096xf32, #tpu.memory_space<hbm>>) target_semaphore(%run_scoped3A : memref<!tpu.dma_semaphore, #tpu.memory_space<semaphore_mem>>)
      %dma_wait3A = arith.constant 24576 : i32
      %dma_wait3A_60 = tpu.memref_slice %arg7[%dma_wait3A] : memref<32768xf32, #tpu.memory_space<vmem>> -> memref<4096xf32, #tpu.memory_space<vmem>>
      %dma_wait3A_61 = tpu.memref_slice %arg4[%mul3A_46] : memref<1056768xf32, #tpu.memory_space<hbm>> -> memref<4096xf32, #tpu.memory_space<hbm>>
      %dma_wait3A_62 = tpu.memref_slice %arg4[%mul3A_46] : memref<1056768xf32, #tpu.memory_space<hbm>> -> memref<4096xf32, #tpu.memory_space<hbm>>
      %dma_wait3A_63 = arith.constant 24576 : i32
      %dma_wait3A_64 = tpu.memref_slice %arg7[%dma_wait3A_63] : memref<32768xf32, #tpu.memory_space<vmem>> -> memref<4096xf32, #tpu.memory_space<vmem>>
      tpu.wait_dma2 semaphore(%run_scoped3A : memref<!tpu.dma_semaphore, #tpu.memory_space<semaphore_mem>>) src(%dma_wait3A_64 : memref<4096xf32, #tpu.memory_space<vmem>>) dst(%dma_wait3A_62 : memref<4096xf32, #tpu.memory_space<hbm>>)
      tpu.yield
    }) : () -> ()
    %mul3A_47 = arith.constant 32 : i32
    %mul3A_48 = arith.muli %mul3A_47, %add3A : i32
    %add3A_49 = arith.constant 7224 : i32
    %add3A_50 = arith.addi %add3A_49, %mul3A_48 : i32
    %mul3A_51 = arith.constant 128 : i32
    %mul3A_52 = arith.muli %add3A_50, %mul3A_51 : i32
    "tpu.region"() ({
      %run_scoped3A = tpu.sem_alloc : memref<!tpu.dma_semaphore, #tpu.memory_space<semaphore_mem>>
      %dma_start3A = arith.constant 28672 : i32
      %dma_start3A_55 = tpu.memref_slice %arg7[%dma_start3A] : memref<32768xf32, #tpu.memory_space<vmem>> -> memref<4096xf32, #tpu.memory_space<vmem>>
      %dma_start3A_56 = tpu.memref_slice %arg4[%mul3A_52] : memref<1056768xf32, #tpu.memory_space<hbm>> -> memref<4096xf32, #tpu.memory_space<hbm>>
      %dma_start3A_57 = tpu.memref_slice %arg4[%mul3A_52] : memref<1056768xf32, #tpu.memory_space<hbm>> -> memref<4096xf32, #tpu.memory_space<hbm>>
      %dma_start3A_58 = arith.constant 28672 : i32
      %dma_start3A_59 = tpu.memref_slice %arg7[%dma_start3A_58] : memref<32768xf32, #tpu.memory_space<vmem>> -> memref<4096xf32, #tpu.memory_space<vmem>>
      tpu.enqueue_dma source(%dma_start3A_59 : memref<4096xf32, #tpu.memory_space<vmem>>) target(%dma_start3A_57 : memref<4096xf32, #tpu.memory_space<hbm>>) target_semaphore(%run_scoped3A : memref<!tpu.dma_semaphore, #tpu.memory_space<semaphore_mem>>)
      %dma_wait3A = arith.constant 28672 : i32
      %dma_wait3A_60 = tpu.memref_slice %arg7[%dma_wait3A] : memref<32768xf32, #tpu.memory_space<vmem>> -> memref<4096xf32, #tpu.memory_space<vmem>>
      %dma_wait3A_61 = tpu.memref_slice %arg4[%mul3A_52] : memref<1056768xf32, #tpu.memory_space<hbm>> -> memref<4096xf32, #tpu.memory_space<hbm>>
      %dma_wait3A_62 = tpu.memref_slice %arg4[%mul3A_52] : memref<1056768xf32, #tpu.memory_space<hbm>> -> memref<4096xf32, #tpu.memory_space<hbm>>
      %dma_wait3A_63 = arith.constant 28672 : i32
      %dma_wait3A_64 = tpu.memref_slice %arg7[%dma_wait3A_63] : memref<32768xf32, #tpu.memory_space<vmem>> -> memref<4096xf32, #tpu.memory_space<vmem>>
      tpu.wait_dma2 semaphore(%run_scoped3A : memref<!tpu.dma_semaphore, #tpu.memory_space<semaphore_mem>>) src(%dma_wait3A_64 : memref<4096xf32, #tpu.memory_space<vmem>>) dst(%dma_wait3A_62 : memref<4096xf32, #tpu.memory_space<hbm>>)
      tpu.yield
    }) : () -> ()
    %lt3A = arith.constant 8 : i32
    %lt3A_53 = arith.cmpi slt, %add3A, %lt3A : i32
    %convert_element_type3A = arith.extui %lt3A_53 : i1 to i32
    %cond3A = arith.constant 0 : i32
    %cond3A_54 = arith.cmpi ne, %convert_element_type3A, %cond3A : i32
    scf.if %cond3A_54 {
      %mul3A_55 = arith.constant 128 : i32
      %mul3A_56 = arith.muli %mul3A_55, %add3A : i32
      %add3A_57 = arith.constant 1048576 : i32
      %add3A_58 = arith.addi %add3A_57, %mul3A_56 : i32
      "tpu.region"() ({
        %run_scoped3A = tpu.sem_alloc : memref<!tpu.dma_semaphore, #tpu.memory_space<semaphore_mem>>
        %dma_start3A = tpu.memref_slice %arg3[%add3A_58] : memref<1049600xi32, #tpu.memory_space<hbm>> -> memref<128xi32, #tpu.memory_space<hbm>>
        %dma_start3A_215 = tpu.memref_slice %arg3[%add3A_58] : memref<1049600xi32, #tpu.memory_space<hbm>> -> memref<128xi32, #tpu.memory_space<hbm>>
        tpu.enqueue_dma source(%dma_start3A_215 : memref<128xi32, #tpu.memory_space<hbm>>) target(%arg8 : memref<128xi32, #tpu.memory_space<vmem>>) target_semaphore(%run_scoped3A : memref<!tpu.dma_semaphore, #tpu.memory_space<semaphore_mem>>)
        %dma_wait3A = tpu.memref_slice %arg3[%add3A_58] : memref<1049600xi32, #tpu.memory_space<hbm>> -> memref<128xi32, #tpu.memory_space<hbm>>
        %dma_wait3A_216 = tpu.memref_slice %arg3[%add3A_58] : memref<1049600xi32, #tpu.memory_space<hbm>> -> memref<128xi32, #tpu.memory_space<hbm>>
        tpu.wait_dma2 semaphore(%run_scoped3A : memref<!tpu.dma_semaphore, #tpu.memory_space<semaphore_mem>>) src(%dma_wait3A_216 : memref<128xi32, #tpu.memory_space<hbm>>) dst(%arg8 : memref<128xi32, #tpu.memory_space<vmem>>)
        tpu.yield
      }) : () -> ()
      %get3A = arith.constant 0 : index
      %get3A_59 = tpu.vector_load %arg8[%get3A] {strides = array<i32>} : memref<128xi32, #tpu.memory_space<vmem>>, vector<16xi32>,
      %gather3A = tpu.vector_load_idx %arg5[%get3A_59] : memref<2048xf32, #tpu.memory_space<vmem>>[vector<16xi32>], vector<16xf32>,
      %swap3A = arith.constant 0 : index
      %swap3A_60 = tpu.vector_load %arg9[%swap3A] {strides = array<i32>} : memref<1024xf32, #tpu.memory_space<vmem>>, vector<16xf32>,
      tpu.vector_store %arg9[%swap3A], %gather3A {strides = array<i32>} : memref<1024xf32, #tpu.memory_space<vmem>>, vector<16xf32>,
      %get3A_61 = arith.constant 16 : index
      %get3A_62 = tpu.vector_load %arg8[%get3A_61] {strides = array<i32>} : memref<128xi32, #tpu.memory_space<vmem>>, vector<16xi32>,
      %gather3A_63 = tpu.vector_load_idx %arg5[%get3A_62] : memref<2048xf32, #tpu.memory_space<vmem>>[vector<16xi32>], vector<16xf32>,
      %swap3A_64 = arith.constant 16 : index
      %swap3A_65 = tpu.vector_load %arg9[%swap3A_64] {strides = array<i32>} : memref<1024xf32, #tpu.memory_space<vmem>>, vector<16xf32>,
      tpu.vector_store %arg9[%swap3A_64], %gather3A_63 {strides = array<i32>} : memref<1024xf32, #tpu.memory_space<vmem>>, vector<16xf32>,
      %get3A_66 = arith.constant 32 : index
      %get3A_67 = tpu.vector_load %arg8[%get3A_66] {strides = array<i32>} : memref<128xi32, #tpu.memory_space<vmem>>, vector<16xi32>,
      %gather3A_68 = tpu.vector_load_idx %arg5[%get3A_67] : memref<2048xf32, #tpu.memory_space<vmem>>[vector<16xi32>], vector<16xf32>,
      %swap3A_69 = arith.constant 32 : index
      %swap3A_70 = tpu.vector_load %arg9[%swap3A_69] {strides = array<i32>} : memref<1024xf32, #tpu.memory_space<vmem>>, vector<16xf32>,
      tpu.vector_store %arg9[%swap3A_69], %gather3A_68 {strides = array<i32>} : memref<1024xf32, #tpu.memory_space<vmem>>, vector<16xf32>,
      %get3A_71 = arith.constant 48 : index
      %get3A_72 = tpu.vector_load %arg8[%get3A_71] {strides = array<i32>} : memref<128xi32, #tpu.memory_space<vmem>>, vector<16xi32>,
      %gather3A_73 = tpu.vector_load_idx %arg5[%get3A_72] : memref<2048xf32, #tpu.memory_space<vmem>>[vector<16xi32>], vector<16xf32>,
      %swap3A_74 = arith.constant 48 : index
      %swap3A_75 = tpu.vector_load %arg9[%swap3A_74] {strides = array<i32>} : memref<1024xf32, #tpu.memory_space<vmem>>, vector<16xf32>,
      tpu.vector_store %arg9[%swap3A_74], %gather3A_73 {strides = array<i32>} : memref<1024xf32, #tpu.memory_space<vmem>>, vector<16xf32>,
      %get3A_76 = arith.constant 64 : index
      %get3A_77 = tpu.vector_load %arg8[%get3A_76] {strides = array<i32>} : memref<128xi32, #tpu.memory_space<vmem>>, vector<16xi32>,
      %gather3A_78 = tpu.vector_load_idx %arg5[%get3A_77] : memref<2048xf32, #tpu.memory_space<vmem>>[vector<16xi32>], vector<16xf32>,
      %swap3A_79 = arith.constant 64 : index
      %swap3A_80 = tpu.vector_load %arg9[%swap3A_79] {strides = array<i32>} : memref<1024xf32, #tpu.memory_space<vmem>>, vector<16xf32>,
      tpu.vector_store %arg9[%swap3A_79], %gather3A_78 {strides = array<i32>} : memref<1024xf32, #tpu.memory_space<vmem>>, vector<16xf32>,
      %get3A_81 = arith.constant 80 : index
      %get3A_82 = tpu.vector_load %arg8[%get3A_81] {strides = array<i32>} : memref<128xi32, #tpu.memory_space<vmem>>, vector<16xi32>,
      %gather3A_83 = tpu.vector_load_idx %arg5[%get3A_82] : memref<2048xf32, #tpu.memory_space<vmem>>[vector<16xi32>], vector<16xf32>,
      %swap3A_84 = arith.constant 80 : index
      %swap3A_85 = tpu.vector_load %arg9[%swap3A_84] {strides = array<i32>} : memref<1024xf32, #tpu.memory_space<vmem>>, vector<16xf32>,
      tpu.vector_store %arg9[%swap3A_84], %gather3A_83 {strides = array<i32>} : memref<1024xf32, #tpu.memory_space<vmem>>, vector<16xf32>,
      %get3A_86 = arith.constant 96 : index
      %get3A_87 = tpu.vector_load %arg8[%get3A_86] {strides = array<i32>} : memref<128xi32, #tpu.memory_space<vmem>>, vector<16xi32>,
      %gather3A_88 = tpu.vector_load_idx %arg5[%get3A_87] : memref<2048xf32, #tpu.memory_space<vmem>>[vector<16xi32>], vector<16xf32>,
      %swap3A_89 = arith.constant 96 : index
      %swap3A_90 = tpu.vector_load %arg9[%swap3A_89] {strides = array<i32>} : memref<1024xf32, #tpu.memory_space<vmem>>, vector<16xf32>,
      tpu.vector_store %arg9[%swap3A_89], %gather3A_88 {strides = array<i32>} : memref<1024xf32, #tpu.memory_space<vmem>>, vector<16xf32>,
      %get3A_91 = arith.constant 112 : index
      %get3A_92 = tpu.vector_load %arg8[%get3A_91] {strides = array<i32>} : memref<128xi32, #tpu.memory_space<vmem>>, vector<16xi32>,
      %gather3A_93 = tpu.vector_load_idx %arg5[%get3A_92] : memref<2048xf32, #tpu.memory_space<vmem>>[vector<16xi32>], vector<16xf32>,
      %swap3A_94 = arith.constant 112 : index
      %swap3A_95 = tpu.vector_load %arg9[%swap3A_94] {strides = array<i32>} : memref<1024xf32, #tpu.memory_space<vmem>>, vector<16xf32>,
      tpu.vector_store %arg9[%swap3A_94], %gather3A_93 {strides = array<i32>} : memref<1024xf32, #tpu.memory_space<vmem>>, vector<16xf32>,
      %broadcast_in_dim3A = arith.constant 0.000000e+00 : f32
      %broadcast_in_dim3A_96 = vector.broadcast %broadcast_in_dim3A : f32 to vector<16xf32>
      %swap3A_97 = arith.constant 128 : index
      %swap3A_98 = tpu.vector_load %arg9[%swap3A_97] {strides = array<i32>} : memref<1024xf32, #tpu.memory_space<vmem>>, vector<16xf32>,
      tpu.vector_store %arg9[%swap3A_97], %broadcast_in_dim3A_96 {strides = array<i32>} : memref<1024xf32, #tpu.memory_space<vmem>>, vector<16xf32>,
      %swap3A_99 = arith.constant 144 : index
      %swap3A_100 = tpu.vector_load %arg9[%swap3A_99] {strides = array<i32>} : memref<1024xf32, #tpu.memory_space<vmem>>, vector<16xf32>,
      tpu.vector_store %arg9[%swap3A_99], %broadcast_in_dim3A_96 {strides = array<i32>} : memref<1024xf32, #tpu.memory_space<vmem>>, vector<16xf32>,
      %swap3A_101 = arith.constant 160 : index
      %swap3A_102 = tpu.vector_load %arg9[%swap3A_101] {strides = array<i32>} : memref<1024xf32, #tpu.memory_space<vmem>>, vector<16xf32>,
      tpu.vector_store %arg9[%swap3A_101], %broadcast_in_dim3A_96 {strides = array<i32>} : memref<1024xf32, #tpu.memory_space<vmem>>, vector<16xf32>,
      %swap3A_103 = arith.constant 176 : index
      %swap3A_104 = tpu.vector_load %arg9[%swap3A_103] {strides = array<i32>} : memref<1024xf32, #tpu.memory_space<vmem>>, vector<16xf32>,
      tpu.vector_store %arg9[%swap3A_103], %broadcast_in_dim3A_96 {strides = array<i32>} : memref<1024xf32, #tpu.memory_space<vmem>>, vector<16xf32>,
      %swap3A_105 = arith.constant 192 : index
      %swap3A_106 = tpu.vector_load %arg9[%swap3A_105] {strides = array<i32>} : memref<1024xf32, #tpu.memory_space<vmem>>, vector<16xf32>,
      tpu.vector_store %arg9[%swap3A_105], %broadcast_in_dim3A_96 {strides = array<i32>} : memref<1024xf32, #tpu.memory_space<vmem>>, vector<16xf32>,
      %swap3A_107 = arith.constant 208 : index
      %swap3A_108 = tpu.vector_load %arg9[%swap3A_107] {strides = array<i32>} : memref<1024xf32, #tpu.memory_space<vmem>>, vector<16xf32>,
      tpu.vector_store %arg9[%swap3A_107], %broadcast_in_dim3A_96 {strides = array<i32>} : memref<1024xf32, #tpu.memory_space<vmem>>, vector<16xf32>,
      %swap3A_109 = arith.constant 224 : index
      %swap3A_110 = tpu.vector_load %arg9[%swap3A_109] {strides = array<i32>} : memref<1024xf32, #tpu.memory_space<vmem>>, vector<16xf32>,
      tpu.vector_store %arg9[%swap3A_109], %broadcast_in_dim3A_96 {strides = array<i32>} : memref<1024xf32, #tpu.memory_space<vmem>>, vector<16xf32>,
      %swap3A_111 = arith.constant 240 : index
      %swap3A_112 = tpu.vector_load %arg9[%swap3A_111] {strides = array<i32>} : memref<1024xf32, #tpu.memory_space<vmem>>, vector<16xf32>,
      tpu.vector_store %arg9[%swap3A_111], %broadcast_in_dim3A_96 {strides = array<i32>} : memref<1024xf32, #tpu.memory_space<vmem>>, vector<16xf32>,
      %swap3A_113 = arith.constant 256 : index
      %swap3A_114 = tpu.vector_load %arg9[%swap3A_113] {strides = array<i32>} : memref<1024xf32, #tpu.memory_space<vmem>>, vector<16xf32>,
      tpu.vector_store %arg9[%swap3A_113], %broadcast_in_dim3A_96 {strides = array<i32>} : memref<1024xf32, #tpu.memory_space<vmem>>, vector<16xf32>,
      %swap3A_115 = arith.constant 272 : index
      %swap3A_116 = tpu.vector_load %arg9[%swap3A_115] {strides = array<i32>} : memref<1024xf32, #tpu.memory_space<vmem>>, vector<16xf32>,
      tpu.vector_store %arg9[%swap3A_115], %broadcast_in_dim3A_96 {strides = array<i32>} : memref<1024xf32, #tpu.memory_space<vmem>>, vector<16xf32>,
      %swap3A_117 = arith.constant 288 : index
      %swap3A_118 = tpu.vector_load %arg9[%swap3A_117] {strides = array<i32>} : memref<1024xf32, #tpu.memory_space<vmem>>, vector<16xf32>,
      tpu.vector_store %arg9[%swap3A_117], %broadcast_in_dim3A_96 {strides = array<i32>} : memref<1024xf32, #tpu.memory_space<vmem>>, vector<16xf32>,
      %swap3A_119 = arith.constant 304 : index
      %swap3A_120 = tpu.vector_load %arg9[%swap3A_119] {strides = array<i32>} : memref<1024xf32, #tpu.memory_space<vmem>>, vector<16xf32>,
      tpu.vector_store %arg9[%swap3A_119], %broadcast_in_dim3A_96 {strides = array<i32>} : memref<1024xf32, #tpu.memory_space<vmem>>, vector<16xf32>,
      %swap3A_121 = arith.constant 320 : index
      %swap3A_122 = tpu.vector_load %arg9[%swap3A_121] {strides = array<i32>} : memref<1024xf32, #tpu.memory_space<vmem>>, vector<16xf32>,
      tpu.vector_store %arg9[%swap3A_121], %broadcast_in_dim3A_96 {strides = array<i32>} : memref<1024xf32, #tpu.memory_space<vmem>>, vector<16xf32>,
      %swap3A_123 = arith.constant 336 : index
      %swap3A_124 = tpu.vector_load %arg9[%swap3A_123] {strides = array<i32>} : memref<1024xf32, #tpu.memory_space<vmem>>, vector<16xf32>,
      tpu.vector_store %arg9[%swap3A_123], %broadcast_in_dim3A_96 {strides = array<i32>} : memref<1024xf32, #tpu.memory_space<vmem>>, vector<16xf32>,
      %swap3A_125 = arith.constant 352 : index
      %swap3A_126 = tpu.vector_load %arg9[%swap3A_125] {strides = array<i32>} : memref<1024xf32, #tpu.memory_space<vmem>>, vector<16xf32>,
      tpu.vector_store %arg9[%swap3A_125], %broadcast_in_dim3A_96 {strides = array<i32>} : memref<1024xf32, #tpu.memory_space<vmem>>, vector<16xf32>,
      %swap3A_127 = arith.constant 368 : index
      %swap3A_128 = tpu.vector_load %arg9[%swap3A_127] {strides = array<i32>} : memref<1024xf32, #tpu.memory_space<vmem>>, vector<16xf32>,
      tpu.vector_store %arg9[%swap3A_127], %broadcast_in_dim3A_96 {strides = array<i32>} : memref<1024xf32, #tpu.memory_space<vmem>>, vector<16xf32>,
      %swap3A_129 = arith.constant 384 : index
      %swap3A_130 = tpu.vector_load %arg9[%swap3A_129] {strides = array<i32>} : memref<1024xf32, #tpu.memory_space<vmem>>, vector<16xf32>,
      tpu.vector_store %arg9[%swap3A_129], %broadcast_in_dim3A_96 {strides = array<i32>} : memref<1024xf32, #tpu.memory_space<vmem>>, vector<16xf32>,
      %swap3A_131 = arith.constant 400 : index
      %swap3A_132 = tpu.vector_load %arg9[%swap3A_131] {strides = array<i32>} : memref<1024xf32, #tpu.memory_space<vmem>>, vector<16xf32>,
      tpu.vector_store %arg9[%swap3A_131], %broadcast_in_dim3A_96 {strides = array<i32>} : memref<1024xf32, #tpu.memory_space<vmem>>, vector<16xf32>,
      %swap3A_133 = arith.constant 416 : index
      %swap3A_134 = tpu.vector_load %arg9[%swap3A_133] {strides = array<i32>} : memref<1024xf32, #tpu.memory_space<vmem>>, vector<16xf32>,
      tpu.vector_store %arg9[%swap3A_133], %broadcast_in_dim3A_96 {strides = array<i32>} : memref<1024xf32, #tpu.memory_space<vmem>>, vector<16xf32>,
      %swap3A_135 = arith.constant 432 : index
      %swap3A_136 = tpu.vector_load %arg9[%swap3A_135] {strides = array<i32>} : memref<1024xf32, #tpu.memory_space<vmem>>, vector<16xf32>,
      tpu.vector_store %arg9[%swap3A_135], %broadcast_in_dim3A_96 {strides = array<i32>} : memref<1024xf32, #tpu.memory_space<vmem>>, vector<16xf32>,
      %swap3A_137 = arith.constant 448 : index
      %swap3A_138 = tpu.vector_load %arg9[%swap3A_137] {strides = array<i32>} : memref<1024xf32, #tpu.memory_space<vmem>>, vector<16xf32>,
      tpu.vector_store %arg9[%swap3A_137], %broadcast_in_dim3A_96 {strides = array<i32>} : memref<1024xf32, #tpu.memory_space<vmem>>, vector<16xf32>,
      %swap3A_139 = arith.constant 464 : index
      %swap3A_140 = tpu.vector_load %arg9[%swap3A_139] {strides = array<i32>} : memref<1024xf32, #tpu.memory_space<vmem>>, vector<16xf32>,
      tpu.vector_store %arg9[%swap3A_139], %broadcast_in_dim3A_96 {strides = array<i32>} : memref<1024xf32, #tpu.memory_space<vmem>>, vector<16xf32>,
      %swap3A_141 = arith.constant 480 : index
      %swap3A_142 = tpu.vector_load %arg9[%swap3A_141] {strides = array<i32>} : memref<1024xf32, #tpu.memory_space<vmem>>, vector<16xf32>,
      tpu.vector_store %arg9[%swap3A_141], %broadcast_in_dim3A_96 {strides = array<i32>} : memref<1024xf32, #tpu.memory_space<vmem>>, vector<16xf32>,
      %swap3A_143 = arith.constant 496 : index
      %swap3A_144 = tpu.vector_load %arg9[%swap3A_143] {strides = array<i32>} : memref<1024xf32, #tpu.memory_space<vmem>>, vector<16xf32>,
      tpu.vector_store %arg9[%swap3A_143], %broadcast_in_dim3A_96 {strides = array<i32>} : memref<1024xf32, #tpu.memory_space<vmem>>, vector<16xf32>,
      %swap3A_145 = arith.constant 512 : index
      %swap3A_146 = tpu.vector_load %arg9[%swap3A_145] {strides = array<i32>} : memref<1024xf32, #tpu.memory_space<vmem>>, vector<16xf32>,
      tpu.vector_store %arg9[%swap3A_145], %broadcast_in_dim3A_96 {strides = array<i32>} : memref<1024xf32, #tpu.memory_space<vmem>>, vector<16xf32>,
      %swap3A_147 = arith.constant 528 : index
      %swap3A_148 = tpu.vector_load %arg9[%swap3A_147] {strides = array<i32>} : memref<1024xf32, #tpu.memory_space<vmem>>, vector<16xf32>,
      tpu.vector_store %arg9[%swap3A_147], %broadcast_in_dim3A_96 {strides = array<i32>} : memref<1024xf32, #tpu.memory_space<vmem>>, vector<16xf32>,
      %swap3A_149 = arith.constant 544 : index
      %swap3A_150 = tpu.vector_load %arg9[%swap3A_149] {strides = array<i32>} : memref<1024xf32, #tpu.memory_space<vmem>>, vector<16xf32>,
      tpu.vector_store %arg9[%swap3A_149], %broadcast_in_dim3A_96 {strides = array<i32>} : memref<1024xf32, #tpu.memory_space<vmem>>, vector<16xf32>,
      %swap3A_151 = arith.constant 560 : index
      %swap3A_152 = tpu.vector_load %arg9[%swap3A_151] {strides = array<i32>} : memref<1024xf32, #tpu.memory_space<vmem>>, vector<16xf32>,
      tpu.vector_store %arg9[%swap3A_151], %broadcast_in_dim3A_96 {strides = array<i32>} : memref<1024xf32, #tpu.memory_space<vmem>>, vector<16xf32>,
      %swap3A_153 = arith.constant 576 : index
      %swap3A_154 = tpu.vector_load %arg9[%swap3A_153] {strides = array<i32>} : memref<1024xf32, #tpu.memory_space<vmem>>, vector<16xf32>,
      tpu.vector_store %arg9[%swap3A_153], %broadcast_in_dim3A_96 {strides = array<i32>} : memref<1024xf32, #tpu.memory_space<vmem>>, vector<16xf32>,
      %swap3A_155 = arith.constant 592 : index
      %swap3A_156 = tpu.vector_load %arg9[%swap3A_155] {strides = array<i32>} : memref<1024xf32, #tpu.memory_space<vmem>>, vector<16xf32>,
      tpu.vector_store %arg9[%swap3A_155], %broadcast_in_dim3A_96 {strides = array<i32>} : memref<1024xf32, #tpu.memory_space<vmem>>, vector<16xf32>,
      %swap3A_157 = arith.constant 608 : index
      %swap3A_158 = tpu.vector_load %arg9[%swap3A_157] {strides = array<i32>} : memref<1024xf32, #tpu.memory_space<vmem>>, vector<16xf32>,
      tpu.vector_store %arg9[%swap3A_157], %broadcast_in_dim3A_96 {strides = array<i32>} : memref<1024xf32, #tpu.memory_space<vmem>>, vector<16xf32>,
      %swap3A_159 = arith.constant 624 : index
      %swap3A_160 = tpu.vector_load %arg9[%swap3A_159] {strides = array<i32>} : memref<1024xf32, #tpu.memory_space<vmem>>, vector<16xf32>,
      tpu.vector_store %arg9[%swap3A_159], %broadcast_in_dim3A_96 {strides = array<i32>} : memref<1024xf32, #tpu.memory_space<vmem>>, vector<16xf32>,
      %swap3A_161 = arith.constant 640 : index
      %swap3A_162 = tpu.vector_load %arg9[%swap3A_161] {strides = array<i32>} : memref<1024xf32, #tpu.memory_space<vmem>>, vector<16xf32>,
      tpu.vector_store %arg9[%swap3A_161], %broadcast_in_dim3A_96 {strides = array<i32>} : memref<1024xf32, #tpu.memory_space<vmem>>, vector<16xf32>,
      %swap3A_163 = arith.constant 656 : index
      %swap3A_164 = tpu.vector_load %arg9[%swap3A_163] {strides = array<i32>} : memref<1024xf32, #tpu.memory_space<vmem>>, vector<16xf32>,
      tpu.vector_store %arg9[%swap3A_163], %broadcast_in_dim3A_96 {strides = array<i32>} : memref<1024xf32, #tpu.memory_space<vmem>>, vector<16xf32>,
      %swap3A_165 = arith.constant 672 : index
      %swap3A_166 = tpu.vector_load %arg9[%swap3A_165] {strides = array<i32>} : memref<1024xf32, #tpu.memory_space<vmem>>, vector<16xf32>,
      tpu.vector_store %arg9[%swap3A_165], %broadcast_in_dim3A_96 {strides = array<i32>} : memref<1024xf32, #tpu.memory_space<vmem>>, vector<16xf32>,
      %swap3A_167 = arith.constant 688 : index
      %swap3A_168 = tpu.vector_load %arg9[%swap3A_167] {strides = array<i32>} : memref<1024xf32, #tpu.memory_space<vmem>>, vector<16xf32>,
      tpu.vector_store %arg9[%swap3A_167], %broadcast_in_dim3A_96 {strides = array<i32>} : memref<1024xf32, #tpu.memory_space<vmem>>, vector<16xf32>,
      %swap3A_169 = arith.constant 704 : index
      %swap3A_170 = tpu.vector_load %arg9[%swap3A_169] {strides = array<i32>} : memref<1024xf32, #tpu.memory_space<vmem>>, vector<16xf32>,
      tpu.vector_store %arg9[%swap3A_169], %broadcast_in_dim3A_96 {strides = array<i32>} : memref<1024xf32, #tpu.memory_space<vmem>>, vector<16xf32>,
      %swap3A_171 = arith.constant 720 : index
      %swap3A_172 = tpu.vector_load %arg9[%swap3A_171] {strides = array<i32>} : memref<1024xf32, #tpu.memory_space<vmem>>, vector<16xf32>,
      tpu.vector_store %arg9[%swap3A_171], %broadcast_in_dim3A_96 {strides = array<i32>} : memref<1024xf32, #tpu.memory_space<vmem>>, vector<16xf32>,
      %swap3A_173 = arith.constant 736 : index
      %swap3A_174 = tpu.vector_load %arg9[%swap3A_173] {strides = array<i32>} : memref<1024xf32, #tpu.memory_space<vmem>>, vector<16xf32>,
      tpu.vector_store %arg9[%swap3A_173], %broadcast_in_dim3A_96 {strides = array<i32>} : memref<1024xf32, #tpu.memory_space<vmem>>, vector<16xf32>,
      %swap3A_175 = arith.constant 752 : index
      %swap3A_176 = tpu.vector_load %arg9[%swap3A_175] {strides = array<i32>} : memref<1024xf32, #tpu.memory_space<vmem>>, vector<16xf32>,
      tpu.vector_store %arg9[%swap3A_175], %broadcast_in_dim3A_96 {strides = array<i32>} : memref<1024xf32, #tpu.memory_space<vmem>>, vector<16xf32>,
      %swap3A_177 = arith.constant 768 : index
      %swap3A_178 = tpu.vector_load %arg9[%swap3A_177] {strides = array<i32>} : memref<1024xf32, #tpu.memory_space<vmem>>, vector<16xf32>,
      tpu.vector_store %arg9[%swap3A_177], %broadcast_in_dim3A_96 {strides = array<i32>} : memref<1024xf32, #tpu.memory_space<vmem>>, vector<16xf32>,
      %swap3A_179 = arith.constant 784 : index
      %swap3A_180 = tpu.vector_load %arg9[%swap3A_179] {strides = array<i32>} : memref<1024xf32, #tpu.memory_space<vmem>>, vector<16xf32>,
      tpu.vector_store %arg9[%swap3A_179], %broadcast_in_dim3A_96 {strides = array<i32>} : memref<1024xf32, #tpu.memory_space<vmem>>, vector<16xf32>,
      %swap3A_181 = arith.constant 800 : index
      %swap3A_182 = tpu.vector_load %arg9[%swap3A_181] {strides = array<i32>} : memref<1024xf32, #tpu.memory_space<vmem>>, vector<16xf32>,
      tpu.vector_store %arg9[%swap3A_181], %broadcast_in_dim3A_96 {strides = array<i32>} : memref<1024xf32, #tpu.memory_space<vmem>>, vector<16xf32>,
      %swap3A_183 = arith.constant 816 : index
      %swap3A_184 = tpu.vector_load %arg9[%swap3A_183] {strides = array<i32>} : memref<1024xf32, #tpu.memory_space<vmem>>, vector<16xf32>,
      tpu.vector_store %arg9[%swap3A_183], %broadcast_in_dim3A_96 {strides = array<i32>} : memref<1024xf32, #tpu.memory_space<vmem>>, vector<16xf32>,
      %swap3A_185 = arith.constant 832 : index
      %swap3A_186 = tpu.vector_load %arg9[%swap3A_185] {strides = array<i32>} : memref<1024xf32, #tpu.memory_space<vmem>>, vector<16xf32>,
      tpu.vector_store %arg9[%swap3A_185], %broadcast_in_dim3A_96 {strides = array<i32>} : memref<1024xf32, #tpu.memory_space<vmem>>, vector<16xf32>,
      %swap3A_187 = arith.constant 848 : index
      %swap3A_188 = tpu.vector_load %arg9[%swap3A_187] {strides = array<i32>} : memref<1024xf32, #tpu.memory_space<vmem>>, vector<16xf32>,
      tpu.vector_store %arg9[%swap3A_187], %broadcast_in_dim3A_96 {strides = array<i32>} : memref<1024xf32, #tpu.memory_space<vmem>>, vector<16xf32>,
      %swap3A_189 = arith.constant 864 : index
      %swap3A_190 = tpu.vector_load %arg9[%swap3A_189] {strides = array<i32>} : memref<1024xf32, #tpu.memory_space<vmem>>, vector<16xf32>,
      tpu.vector_store %arg9[%swap3A_189], %broadcast_in_dim3A_96 {strides = array<i32>} : memref<1024xf32, #tpu.memory_space<vmem>>, vector<16xf32>,
      %swap3A_191 = arith.constant 880 : index
      %swap3A_192 = tpu.vector_load %arg9[%swap3A_191] {strides = array<i32>} : memref<1024xf32, #tpu.memory_space<vmem>>, vector<16xf32>,
      tpu.vector_store %arg9[%swap3A_191], %broadcast_in_dim3A_96 {strides = array<i32>} : memref<1024xf32, #tpu.memory_space<vmem>>, vector<16xf32>,
      %swap3A_193 = arith.constant 896 : index
      %swap3A_194 = tpu.vector_load %arg9[%swap3A_193] {strides = array<i32>} : memref<1024xf32, #tpu.memory_space<vmem>>, vector<16xf32>,
      tpu.vector_store %arg9[%swap3A_193], %broadcast_in_dim3A_96 {strides = array<i32>} : memref<1024xf32, #tpu.memory_space<vmem>>, vector<16xf32>,
      %swap3A_195 = arith.constant 912 : index
      %swap3A_196 = tpu.vector_load %arg9[%swap3A_195] {strides = array<i32>} : memref<1024xf32, #tpu.memory_space<vmem>>, vector<16xf32>,
      tpu.vector_store %arg9[%swap3A_195], %broadcast_in_dim3A_96 {strides = array<i32>} : memref<1024xf32, #tpu.memory_space<vmem>>, vector<16xf32>,
      %swap3A_197 = arith.constant 928 : index
      %swap3A_198 = tpu.vector_load %arg9[%swap3A_197] {strides = array<i32>} : memref<1024xf32, #tpu.memory_space<vmem>>, vector<16xf32>,
      tpu.vector_store %arg9[%swap3A_197], %broadcast_in_dim3A_96 {strides = array<i32>} : memref<1024xf32, #tpu.memory_space<vmem>>, vector<16xf32>,
      %swap3A_199 = arith.constant 944 : index
      %swap3A_200 = tpu.vector_load %arg9[%swap3A_199] {strides = array<i32>} : memref<1024xf32, #tpu.memory_space<vmem>>, vector<16xf32>,
      tpu.vector_store %arg9[%swap3A_199], %broadcast_in_dim3A_96 {strides = array<i32>} : memref<1024xf32, #tpu.memory_space<vmem>>, vector<16xf32>,
      %swap3A_201 = arith.constant 960 : index
      %swap3A_202 = tpu.vector_load %arg9[%swap3A_201] {strides = array<i32>} : memref<1024xf32, #tpu.memory_space<vmem>>, vector<16xf32>,
      tpu.vector_store %arg9[%swap3A_201], %broadcast_in_dim3A_96 {strides = array<i32>} : memref<1024xf32, #tpu.memory_space<vmem>>, vector<16xf32>,
      %swap3A_203 = arith.constant 976 : index
      %swap3A_204 = tpu.vector_load %arg9[%swap3A_203] {strides = array<i32>} : memref<1024xf32, #tpu.memory_space<vmem>>, vector<16xf32>,
      tpu.vector_store %arg9[%swap3A_203], %broadcast_in_dim3A_96 {strides = array<i32>} : memref<1024xf32, #tpu.memory_space<vmem>>, vector<16xf32>,
      %swap3A_205 = arith.constant 992 : index
      %swap3A_206 = tpu.vector_load %arg9[%swap3A_205] {strides = array<i32>} : memref<1024xf32, #tpu.memory_space<vmem>>, vector<16xf32>,
      tpu.vector_store %arg9[%swap3A_205], %broadcast_in_dim3A_96 {strides = array<i32>} : memref<1024xf32, #tpu.memory_space<vmem>>, vector<16xf32>,
      %swap3A_207 = arith.constant 1008 : index
      %swap3A_208 = tpu.vector_load %arg9[%swap3A_207] {strides = array<i32>} : memref<1024xf32, #tpu.memory_space<vmem>>, vector<16xf32>,
      tpu.vector_store %arg9[%swap3A_207], %broadcast_in_dim3A_96 {strides = array<i32>} : memref<1024xf32, #tpu.memory_space<vmem>>, vector<16xf32>,
      %mul3A_209 = arith.constant 1032 : i32
      %mul3A_210 = arith.muli %add3A, %mul3A_209 : i32
      %add3A_211 = arith.constant 1024 : i32
      %add3A_212 = arith.addi %mul3A_210, %add3A_211 : i32
      %mul3A_213 = arith.constant 128 : i32
      %mul3A_214 = arith.muli %add3A_212, %mul3A_213 : i32
      "tpu.region"() ({
        %run_scoped3A = tpu.sem_alloc : memref<!tpu.dma_semaphore, #tpu.memory_space<semaphore_mem>>
        %dma_start3A = tpu.memref_slice %arg4[%mul3A_214] : memref<1056768xf32, #tpu.memory_space<hbm>> -> memref<1024xf32, #tpu.memory_space<hbm>>
        %dma_start3A_215 = tpu.memref_slice %arg4[%mul3A_214] : memref<1056768xf32, #tpu.memory_space<hbm>> -> memref<1024xf32, #tpu.memory_space<hbm>>
        tpu.enqueue_dma source(%arg9 : memref<1024xf32, #tpu.memory_space<vmem>>) target(%dma_start3A_215 : memref<1024xf32, #tpu.memory_space<hbm>>) target_semaphore(%run_scoped3A : memref<!tpu.dma_semaphore, #tpu.memory_space<semaphore_mem>>)
        %dma_wait3A = tpu.memref_slice %arg4[%mul3A_214] : memref<1056768xf32, #tpu.memory_space<hbm>> -> memref<1024xf32, #tpu.memory_space<hbm>>
        %dma_wait3A_216 = tpu.memref_slice %arg4[%mul3A_214] : memref<1056768xf32, #tpu.memory_space<hbm>> -> memref<1024xf32, #tpu.memory_space<hbm>>
        tpu.wait_dma2 semaphore(%run_scoped3A : memref<!tpu.dma_semaphore, #tpu.memory_space<semaphore_mem>>) src(%arg9 : memref<1024xf32, #tpu.memory_space<vmem>>) dst(%dma_wait3A_216 : memref<1024xf32, #tpu.memory_space<hbm>>)
        tpu.yield
      }) : () -> ()
    } else {
    }
    return
  }
}

module attributes {stable_mosaic.version = 14 : i64} {
  func.func @_matmul_body(%arg0: memref<32x1024xf32, #tpu.memory_space<vmem>>, %arg1: memref<8256x128xf32, #tpu.memory_space<vmem>>, %arg2: memref<32x1024xf32, #tpu.memory_space<vmem>>) attributes {dimension_semantics = [], scalar_prefetch = 0 : i64, scratch_operands = 0 : i64, tpu.core_type = #tpu.core_type<tc>} {
    %get3A = arith.constant 0 : index
    %get3A_0 = arith.constant 0 : index
    %get3A_1 = vector.load %arg0[%get3A, %get3A_0] : memref<32x1024xf32, #tpu.memory_space<vmem>>, vector<32x1024xf32>
    %iota3A = tpu.iota {dimensions = array<i32: 1>} : vector<32x8xi32>
    %eq3A = arith.constant 0 : i32
    %eq3A_2 = vector.broadcast %eq3A : i32 to vector<32x8xi32>
    %eq3A_3 = arith.cmpi eq, %iota3A, %eq3A_2 : vector<32x8xi32>
    %convert_element_type3A = arith.extui %eq3A_3 : vector<32x8xi1> to vector<32x8xi32>
    %convert_element_type3A_4 = arith.sitofp %convert_element_type3A : vector<32x8xi32> to vector<32x8xf32>
    %concatenate3A = tpu.concatenate %get3A_1, %convert_element_type3A_4 in 1 : vector<32x1024xf32>, vector<32x8xf32> -> vector<32x1032xf32>
    %get3A_5 = arith.constant 0 : index
    %get3A_6 = arith.constant 0 : index
    %get3A_7 = vector.load %arg1[%get3A_5, %get3A_6] : memref<8256x128xf32, #tpu.memory_space<vmem>>, vector<1032x128xf32>
    %dot_general3A = arith.constant dense<0.000000e+00> : vector<32x128xf32>
    %dot_general3A_8 = tpu.matmul %concatenate3A, %get3A_7, %dot_general3A {dimension_numbers = #tpu.dot_dimension_numbers<[1], [0], [0], [1], [0, 0, 1, 1], [], []>, transpose_lhs_hint = false} : vector<32x1032xf32>, vector<1032x128xf32>, vector<32x128xf32> -> vector<32x128xf32>
    %swap3A = arith.constant 0 : index
    %swap3A_9 = arith.constant 0 : index
    %swap3A_10 = vector.load %arg2[%swap3A, %swap3A_9] : memref<32x1024xf32, #tpu.memory_space<vmem>>, vector<32x128xf32>
    tpu.vector_store %arg2[%swap3A, %swap3A_9], %dot_general3A_8 {strides = array<i32>} : memref<32x1024xf32, #tpu.memory_space<vmem>>, vector<32x128xf32>,
    %get3A_11 = arith.constant 1032 : index
    %get3A_12 = arith.constant 0 : index
    %get3A_13 = vector.load %arg1[%get3A_11, %get3A_12] : memref<8256x128xf32, #tpu.memory_space<vmem>>, vector<1032x128xf32>
    %dot_general3A_14 = arith.constant dense<0.000000e+00> : vector<32x128xf32>
    %dot_general3A_15 = tpu.matmul %concatenate3A, %get3A_13, %dot_general3A_14 {dimension_numbers = #tpu.dot_dimension_numbers<[1], [0], [0], [1], [0, 0, 1, 1], [], []>, transpose_lhs_hint = false} : vector<32x1032xf32>, vector<1032x128xf32>, vector<32x128xf32> -> vector<32x128xf32>
    %swap3A_16 = arith.constant 0 : index
    %swap3A_17 = arith.constant 128 : index
    %swap3A_18 = vector.load %arg2[%swap3A_16, %swap3A_17] : memref<32x1024xf32, #tpu.memory_space<vmem>>, vector<32x128xf32>
    tpu.vector_store %arg2[%swap3A_16, %swap3A_17], %dot_general3A_15 {strides = array<i32>} : memref<32x1024xf32, #tpu.memory_space<vmem>>, vector<32x128xf32>,
    %get3A_19 = arith.constant 2064 : index
    %get3A_20 = arith.constant 0 : index
    %get3A_21 = vector.load %arg1[%get3A_19, %get3A_20] : memref<8256x128xf32, #tpu.memory_space<vmem>>, vector<1032x128xf32>
    %dot_general3A_22 = arith.constant dense<0.000000e+00> : vector<32x128xf32>
    %dot_general3A_23 = tpu.matmul %concatenate3A, %get3A_21, %dot_general3A_22 {dimension_numbers = #tpu.dot_dimension_numbers<[1], [0], [0], [1], [0, 0, 1, 1], [], []>, transpose_lhs_hint = false} : vector<32x1032xf32>, vector<1032x128xf32>, vector<32x128xf32> -> vector<32x128xf32>
    %swap3A_24 = arith.constant 0 : index
    %swap3A_25 = arith.constant 256 : index
    %swap3A_26 = vector.load %arg2[%swap3A_24, %swap3A_25] : memref<32x1024xf32, #tpu.memory_space<vmem>>, vector<32x128xf32>
    tpu.vector_store %arg2[%swap3A_24, %swap3A_25], %dot_general3A_23 {strides = array<i32>} : memref<32x1024xf32, #tpu.memory_space<vmem>>, vector<32x128xf32>,
    %get3A_27 = arith.constant 3096 : index
    %get3A_28 = arith.constant 0 : index
    %get3A_29 = vector.load %arg1[%get3A_27, %get3A_28] : memref<8256x128xf32, #tpu.memory_space<vmem>>, vector<1032x128xf32>
    %dot_general3A_30 = arith.constant dense<0.000000e+00> : vector<32x128xf32>
    %dot_general3A_31 = tpu.matmul %concatenate3A, %get3A_29, %dot_general3A_30 {dimension_numbers = #tpu.dot_dimension_numbers<[1], [0], [0], [1], [0, 0, 1, 1], [], []>, transpose_lhs_hint = false} : vector<32x1032xf32>, vector<1032x128xf32>, vector<32x128xf32> -> vector<32x128xf32>
    %swap3A_32 = arith.constant 0 : index
    %swap3A_33 = arith.constant 384 : index
    %swap3A_34 = vector.load %arg2[%swap3A_32, %swap3A_33] : memref<32x1024xf32, #tpu.memory_space<vmem>>, vector<32x128xf32>
    tpu.vector_store %arg2[%swap3A_32, %swap3A_33], %dot_general3A_31 {strides = array<i32>} : memref<32x1024xf32, #tpu.memory_space<vmem>>, vector<32x128xf32>,
    %get3A_35 = arith.constant 4128 : index
    %get3A_36 = arith.constant 0 : index
    %get3A_37 = vector.load %arg1[%get3A_35, %get3A_36] : memref<8256x128xf32, #tpu.memory_space<vmem>>, vector<1032x128xf32>
    %dot_general3A_38 = arith.constant dense<0.000000e+00> : vector<32x128xf32>
    %dot_general3A_39 = tpu.matmul %concatenate3A, %get3A_37, %dot_general3A_38 {dimension_numbers = #tpu.dot_dimension_numbers<[1], [0], [0], [1], [0, 0, 1, 1], [], []>, transpose_lhs_hint = false} : vector<32x1032xf32>, vector<1032x128xf32>, vector<32x128xf32> -> vector<32x128xf32>
    %swap3A_40 = arith.constant 0 : index
    %swap3A_41 = arith.constant 512 : index
    %swap3A_42 = vector.load %arg2[%swap3A_40, %swap3A_41] : memref<32x1024xf32, #tpu.memory_space<vmem>>, vector<32x128xf32>
    tpu.vector_store %arg2[%swap3A_40, %swap3A_41], %dot_general3A_39 {strides = array<i32>} : memref<32x1024xf32, #tpu.memory_space<vmem>>, vector<32x128xf32>,
    %get3A_43 = arith.constant 5160 : index
    %get3A_44 = arith.constant 0 : index
    %get3A_45 = vector.load %arg1[%get3A_43, %get3A_44] : memref<8256x128xf32, #tpu.memory_space<vmem>>, vector<1032x128xf32>
    %dot_general3A_46 = arith.constant dense<0.000000e+00> : vector<32x128xf32>
    %dot_general3A_47 = tpu.matmul %concatenate3A, %get3A_45, %dot_general3A_46 {dimension_numbers = #tpu.dot_dimension_numbers<[1], [0], [0], [1], [0, 0, 1, 1], [], []>, transpose_lhs_hint = false} : vector<32x1032xf32>, vector<1032x128xf32>, vector<32x128xf32> -> vector<32x128xf32>
    %swap3A_48 = arith.constant 0 : index
    %swap3A_49 = arith.constant 640 : index
    %swap3A_50 = vector.load %arg2[%swap3A_48, %swap3A_49] : memref<32x1024xf32, #tpu.memory_space<vmem>>, vector<32x128xf32>
    tpu.vector_store %arg2[%swap3A_48, %swap3A_49], %dot_general3A_47 {strides = array<i32>} : memref<32x1024xf32, #tpu.memory_space<vmem>>, vector<32x128xf32>,
    %get3A_51 = arith.constant 6192 : index
    %get3A_52 = arith.constant 0 : index
    %get3A_53 = vector.load %arg1[%get3A_51, %get3A_52] : memref<8256x128xf32, #tpu.memory_space<vmem>>, vector<1032x128xf32>
    %dot_general3A_54 = arith.constant dense<0.000000e+00> : vector<32x128xf32>
    %dot_general3A_55 = tpu.matmul %concatenate3A, %get3A_53, %dot_general3A_54 {dimension_numbers = #tpu.dot_dimension_numbers<[1], [0], [0], [1], [0, 0, 1, 1], [], []>, transpose_lhs_hint = false} : vector<32x1032xf32>, vector<1032x128xf32>, vector<32x128xf32> -> vector<32x128xf32>
    %swap3A_56 = arith.constant 0 : index
    %swap3A_57 = arith.constant 768 : index
    %swap3A_58 = vector.load %arg2[%swap3A_56, %swap3A_57] : memref<32x1024xf32, #tpu.memory_space<vmem>>, vector<32x128xf32>
    tpu.vector_store %arg2[%swap3A_56, %swap3A_57], %dot_general3A_55 {strides = array<i32>} : memref<32x1024xf32, #tpu.memory_space<vmem>>, vector<32x128xf32>,
    %get3A_59 = arith.constant 7224 : index
    %get3A_60 = arith.constant 0 : index
    %get3A_61 = vector.load %arg1[%get3A_59, %get3A_60] : memref<8256x128xf32, #tpu.memory_space<vmem>>, vector<1032x128xf32>
    %dot_general3A_62 = arith.constant dense<0.000000e+00> : vector<32x128xf32>
    %dot_general3A_63 = tpu.matmul %concatenate3A, %get3A_61, %dot_general3A_62 {dimension_numbers = #tpu.dot_dimension_numbers<[1], [0], [0], [1], [0, 0, 1, 1], [], []>, transpose_lhs_hint = false} : vector<32x1032xf32>, vector<1032x128xf32>, vector<32x128xf32> -> vector<32x128xf32>
    %swap3A_64 = arith.constant 0 : index
    %swap3A_65 = arith.constant 896 : index
    %swap3A_66 = vector.load %arg2[%swap3A_64, %swap3A_65] : memref<32x1024xf32, #tpu.memory_space<vmem>>, vector<32x128xf32>
    tpu.vector_store %arg2[%swap3A_64, %swap3A_65], %dot_general3A_63 {strides = array<i32>} : memref<32x1024xf32, #tpu.memory_space<vmem>>, vector<32x128xf32>,
    return
  }
}

</mosaic_0001>

<sc_bundles>
// kernel: kernel.4.cloned.1.call-start
scs
__scs_entry_jumppad:
0x0: {  	(pc) =	sbr.rel $0x88, $3  }
0x1: {  	(tag) =	ssettag $0x0;
	lr =	simm.s32 $0x1  }
0x2: {  	[smem:$0x3F9E] =	sst lr;
	_ =	strace $0xD0000000  }
0x3: {  	_ = 	snop  }
0x4: {  	_ = 	snop  }
0x5: {  	_ = 	snop  }
0x6: {  	_ = 	snop  }
0x7: {  	_ = 	snop  }
__scs_overlays_trampoline_lowered:
0x8: {  	[smem:$0x3FAD] =	sst s0  }
0x9: {  	[smem:$0x3FAE] =	sst s1  }
0xa: {  	[smem:$0x3FAF] =	sst s2  }
0xb: {  	[smem:$0x3FB0] =	sst s3  }
0xc: {  	[smem:$0x3FB1] =	sst s4  }
0xd: {  	[smem:$0x3FB2] =	sst s5  }
0xe: {  	[smem:$0x3FB3] =	sst s6  }
0xf: {  	[smem:$0x3FB4] =	sst s7  }
0x10: {  	[smem:$0x3FB5] =	sst s8  }
0x11: {  	[smem:$0x3FB6] =	sst s9;
	s0 =	simm.s32 @!p0 $0x0  }
0x12: {  	s1 =	sld [smem:$0x3F9C];
	s0 =	simm.s32 @p0 $0x1  }
0x13: {  	[smem:$0x3FB7] =	sst s0;
	s0 =	simm.s32 @!p1 $0x0  }
0x14: {  	s2 =	sld [smem:$0x3F9B];
	s0 =	simm.s32 @p1 $0x1  }
0x15: {  	[smem:$0x3FB8] =	sst s0;
	s0 =	simm.s32 @!p2 $0x0  }
0x16: {  	s3 =	sld [smem:$0x3FDB];
	s0 =	simm.s32 @p2 $0x1  }
0x17: {  	s4 =	simm.s32 $0x1BF5;
	[smem:$0x3FBA] =	sst s0  }
0x18: {  	s0 =	sld [smem:$0x3F9D];
	_ =	swait.ge [sflag:s4], $0x0  }
0x19: {  	s7 =	sld [smem:$0x3F9E]  }
0x1a: {  	s8 =	sadd.s32 $0xFFFFE003, lr  }
0x1b: {  	s9 =	sadd.s32 $0xFFFFFEF7, lr;
	s5 =	simm.s32 $0xFFFFFFFF;
	p2 =	slt.u32 s8, $0xFFFFF086  }
0x1c: {  	p1 =	slt.u32 s9, $0xF7A;
	s5 =	simm.s32 @!p2 $0x0  }
0x1d: {  	s5 =	simm.s32 @p1 $0x1;
	p0 =	seq.s32 s7, s2  }
0x1e: {  	s7 =	smul.u32 @!p0 $0xF7A, s2;
	p2 =	seq.s32 @!p0 s5, $0x0  }
0x1f: {  	s9 =	smul.u32 $0xF7A, s1;
	s8 =	simm.s32 @!p0 $0x1BF5;
	p2 =	por !p2, p0  }
0x20: {  	[sflag:s8] =	ssyncset.s32 @!p0 $0xFFFFF086;
	s6 =	sadd.s32 @!p0 s3, s7;
	s7 =	simm.s32 @!p0 $0x108  }
0x21: {  	s3 =	sadd.s32 s3, s9;
	s6 =	sadd.s32 @!p0 $0x88, s6;
	s7 =	simm.s32 @p2 $0x1082  }
0x22: {  	[simem:s7], [sflag:s8] =	dma.local @!p0 [hbm:s6], $0xF7A  }
0x23: {  	s9 =	sor.u32 $0xD0000000, s2;
	s6 =	simm.s32 $0x108;
	_ =	swait.ge @!p0 [sflag:s8], $0x0  }
0x24: {  	s3 =	sadd.s32 $0x88, s3;
	s6 =	simm.s32 @!p1 $0x1082;
	[sflag:s4] =	ssyncset.s32 $0xFFFFF086  }
0x25: {  	[simem:s6], [sflag:s4] =	dma.local [hbm:s3], $0xF7A  }
0x26: {  	[smem:$0x3F9E] =	sst s1;
	(tag) =	ssettag s2;
	_ =	strace s9  }
0x27: {  	s1 =	sld [smem:$0x3FAE]  }
0x28: {  	s2 =	sld [smem:$0x3FAF]  }
0x29: {  	s4 =	sld [smem:$0x3FB1]  }
0x2a: {  	p0 =	seq.s32 s5, $0x0;
	s5 =	sld [smem:$0x3FB2]  }
0x2b: {  	s6 =	sld [smem:$0x3FB3]  }
0x2c: {  	s7 =	sld [smem:$0x3FB4]  }
0x2d: {  	s3 =	simm.s32 $0x108;
	s8 =	sld [smem:$0x3FB5]  }
0x2e: {  	s3 =	simm.s32 @!p0 $0x1082;
	s9 =	sld [smem:$0x3FB6]  }
0x2f: {  	lr =	sadd.s32 s0, s3;
	s0 =	sld [smem:$0x3FAD]  }
0x30: {  	s3 =	sld [smem:$0x3FB0]  }
0x31: {  	[smem:$0x3FB9] =	sst s10  }
0x32: {  	s10 =	sld [smem:$0x3FB7];
	_ =	sdelay $0x3  }
0x33: {  	p0 =	seq.s32 s10, $0x1;
	s10 =	sld [smem:$0x3FB9];
	_ =	sdelay $0x3  }
0x34: {  	[smem:$0x3FB9] =	sst s10  }
0x35: {  	s10 =	sld [smem:$0x3FB8];
	_ =	sdelay $0x3  }
0x36: {  	p1 =	seq.s32 s10, $0x1;
	s10 =	sld [smem:$0x3FB9];
	_ =	sdelay $0x3  }
0x37: {  	[smem:$0x3FB9] =	sst s10  }
0x38: {  	s10 =	sld [smem:$0x3FBA]  }
0x39: {  	_ = 	snop;
	(pc) =	sbr.ind lr, $3  }
0x3a: {  	_ = 	snop  }
0x3b: {  	_ = 	snop  }
0x3c: {  	p2 =	seq.s32 s10, $0x1;
	s10 =	sld [smem:$0x3FB9]  }
0x3d: {  	_ =	shalt  }
0x3e: {  	_ =	shalt  }
0x3f: {  	_ =	shalt  }
0x40: {  	_ =	shalt  }
0x41: {  	_ =	shalt  }
0x42: {  	_ =	shalt  }
0x43: {  	_ =	shalt  }
0x44: {  	_ =	shalt  }
0x45: {  	_ =	shalt  }
0x46: {  	_ =	shalt  }
0x47: {  	_ =	shalt  }
0x48: {  	_ =	shalt  }
0x49: {  	_ =	shalt  }
0x4a: {  	_ =	shalt  }
0x4b: {  	_ =	shalt  }
0x4c: {  	_ =	shalt  }
0x4d: {  	_ =	shalt  }
0x4e: {  	_ =	shalt  }
0x4f: {  	_ =	shalt  }
0x50: {  	_ =	shalt  }
0x51: {  	_ =	shalt  }
0x52: {  	_ =	shalt  }
0x53: {  	_ =	shalt  }
0x54: {  	_ =	shalt  }
0x55: {  	_ =	shalt  }
0x56: {  	_ =	shalt  }
0x57: {  	_ =	shalt  }
0x58: {  	_ =	shalt  }
0x59: {  	_ =	shalt  }
0x5a: {  	_ =	shalt  }
0x5b: {  	_ =	shalt  }
0x5c: {  	_ =	shalt  }
0x5d: {  	_ =	shalt  }
0x5e: {  	_ =	shalt  }
0x5f: {  	_ =	shalt  }
0x60: {  	_ =	shalt  }
0x61: {  	_ =	shalt  }
0x62: {  	_ =	shalt  }
0x63: {  	_ =	shalt  }
0x64: {  	_ =	shalt  }
0x65: {  	_ =	shalt  }
0x66: {  	_ =	shalt  }
0x67: {  	_ =	shalt  }
0x68: {  	_ =	shalt  }
0x69: {  	_ =	shalt  }
0x6a: {  	_ =	shalt  }
0x6b: {  	_ =	shalt  }
0x6c: {  	_ =	shalt  }
0x6d: {  	_ =	shalt  }
0x6e: {  	_ =	shalt  }
0x6f: {  	_ =	shalt  }
0x70: {  	_ =	shalt  }
0x71: {  	_ =	shalt  }
0x72: {  	_ =	shalt  }
0x73: {  	_ =	shalt  }
0x74: {  	_ =	shalt  }
0x75: {  	_ =	shalt  }
0x76: {  	_ =	shalt  }
0x77: {  	_ =	shalt  }
0x78: {  	_ =	shalt  }
0x79: {  	_ =	shalt  }
0x7a: {  	_ =	shalt  }
0x7b: {  	_ =	shalt  }
0x7c: {  	_ =	shalt  }
0x7d: {  	_ =	shalt  }
0x7e: {  	_ =	shalt  }
0x7f: {  	_ =	shalt  }
0x80: {  	_ =	shalt  }
0x81: {  	_ =	shalt  }
0x82: {  	_ =	shalt  }
0x83: {  	_ =	shalt  }
0x84: {  	_ =	shalt  }
0x85: {  	_ =	shalt  }
0x86: {  	_ =	shalt  }
0x87: {  	_ =	shalt  }
.Lfunc_end0:
.L_simem_size_0:
called_computation_lowered:
.L_overlay_start_0:
0x88: {  	s2 =	sld [smem:$0x3FD9]  }
0x89: {  	s3 =	sld [smem:$0x3FFE];
	_ =	sdelay $0x1  }
0x8a: {  	s1 =	srdreg.scid  }
0x8b: {  	s0 =	sand.u32 $0x1, s1  }
0x8c: {  	s17 =	sshll.u32 s0, $0xA;
	s2 =	sadd.s32 s3, s2  }
0x8d: {  	s2 =	sadd.s32 s2, s17  }
0x8e: {  	[smem:$0x3FC5] =	sst s2  }
0x8f: {  	_ = 	snop  }
0x90: {  	s2 =	sld [smem:$0x3FC8];
	(tm) =	ssettm $0x1  }
0x91: {  	s18 =	sld [smem:$0x3FFB];
	_ =	sdelay $0x3  }
0x92: {  	_ =	strace s18  }
0x93: {  	s3 =	sld [smem:$0x3FFC];
	_ =	sdelay $0x3  }
0x94: {  	_ =	strace s3  }
0x95: {  	s3 =	sld [smem:$0x3FFD];
	_ =	sdelay $0x3  }
0x96: {  	_ =	strace s3  }
0x97: {  	_ =	strace $0x8FFFFFFF  }
0x98: {  	s19 =	sld [smem:$0x3FDB];
	_ =	sdelay $0x1  }
0x99: {  	s4 =	simm.s32 $_scs_section_size  }
0x9a: {  	s5 =	simm.s32 $_size__tile_overlayer_lowered;
	s6 =	simm.s32 $_tile_overlayer_lowered  }
0x9b: {  	s22 =	simm.s32 $0x1BFF;
	s21 =	sshll.u32 s6, $0x1;
	s3 =	sadd.s32 s4, s19  }
0x9c: {  	s7 =	simm.s32 $0x0;
	s20 =	sshll.u32 s5, $0x1;
	s5 =	sadd.s32 s21, s3  }
0x9d: {  	[timem:s7], [sflag:s22] =	dma.local [hbm:s5], s20  }
0x9e: {  	_ =	swait.ge [sflag:s22], s20  }
0x9f: {  	s4 =	ssub.s32 $0x0, s20;
	[sflag:s22] =	ssyncset.done $0x0  }
0xa0: {  	[sflag:s22] =	ssyncadd.s32 s4;
	_ =	sdelay $0x1  }
0xa1: {  	s23 =	simm.s32 $0x1B8B  }
0xa2: {  	_ =	swait.ge [sflag:s23], $0x1  }
0xa3: {  	[sflag:s23] =	ssyncset.done $0x0  }
0xa4: {  	s25 =	simm.s32 $0x1B8E;
	s24 =	sld [smem:$0x3FFE];
	[sflag:s23] =	ssyncadd.s32 $0xFFFFFFFF  }
0xa5: {  	s26 =	simm.s32 $execute0_lowered;
	[smem:$0x3FD2] =	sst s25  }
0xa6: {  	s5 =	sshll.u32 s26, $0x1;
	_ =	strace $0x80000046;
	[dreg:$0x1] =	wrdreg $0xFFFFFFFF  }
0xa7: {  	s28 =	simm.s32 $_size_execute0_lowered;
	s3 =	sadd.s32 s3, s5;
	[dreg:$0x0] =	wrdreg $0x0  }
0xa8: {  	s5 =	sshll.u32 s28, $0x1;
	[dreg:$0x2] =	wrdreg s3  }
0xa9: {  	[dreg:$0x3] =	wrdreg s5  }
0xaa: {  	[dreg:$0x4] =	wrdreg $0xC0  }
0xab: {  	_ =	task [dreg:s7], $0x5FFFF  }
0xac: {  	[dreg:$0x1] =	wrdreg $0xFFFFFFFF  }
0xad: {  	[dreg:$0x0] =	wrdreg $0x60  }
0xae: {  	[dreg:$0x2] =	wrdreg s2  }
0xaf: {  	[dreg:$0x3] =	wrdreg s24  }
0xb0: {  	[dreg:$0x4] =	wrdreg $0x9  }
0xb1: {  	_ =	task.clear_ibuf [dreg:s7], $0x5FFFF;
	_ =	strace $0x90000046  }
0xb2: {  	s29 =	simm.s32 $0x9;
	_ =	strace $0x80000048  }
0xb3: {  	_ =	swait.ge [sflag:s29], $0x1  }
0xb4: {  	[sflag:s29] =	ssyncadd.s32 $0xFFFFFFFF  }
0xb5: {  	_ =	strace $0x90000048  }
0xb6: {  	_ =	sfence  }
0xb7: {  	s30 =	sld [smem:$0x0];
	_ =	sdelay $0x2  }
0xb8: {  	s31 =	sshll.u32 s1, $0xD;
	s1 =	sshrl.u32 s1, $0x2  }
0xb9: {  	s3 =	sand.u32 $0x4000, s31;
	s1 =	sadd.s32 s1, s30  }
0xba: {  	s0 =	sor.u32 s3, s0;
	s1 =	sshll.u32 s1, $0x11  }
0xbb: {  	s0 =	sor.u32 s1, s0  }
0xbc: {  	s0 =	sadd.s32 $0x8F2B, s0  }
0xbd: {  	[sflag:s0] =	ssyncadd.remote.s32 $0x1  }
0xbe: {  	_ =	sfence.sel $0xFFFF  }
0xbf: {  	[dreg:$0x0] =	wrdreg $0xFFFFFFFF;
	(pc) =	sbr.abs _section_cstart, $3  }
0xc0: {  	[dreg:$0x1] =	wrdreg $0xFFFFFFFF  }
0xc1: {  	_ =	task.clear_ibuf [dreg:s7], $0x2FFFF;
	_ =	strace $0x9FFFFFFF  }
0xc2: {  	(tm) =	ssettm $0x7FFFFFFF  }
0xc3: {  	_ =	shalt  }
tec
execute0_lowered:
.L_overlay_start_1:
0x0: {  	(tag) =	ssettag $0x1  }
0x1: {  	s0 =	rddreg [dreg:$0x1];
	s3 =	simm.s32 $0x0;
	s1 =	srdreg.scid  }
0x2: {  	s17 =	stileid.u32;
	s16 =	simm.s32 $0x1;
	s29 =	simm.s32 $0x0  }
0x3: {  	[smem:$0x7FF] =	sst s3;
	s1 =	sand.u32 $0x1, s1;
	s2 =	sadd.s32 $0x800, s0  }
0x4: {  	s5 =	sshll.u32 s17, $0x1;
	s0 =	sadd.s32 $0x20A00, s0;
	p0 =	sgt.u32 s17, $0x3  }
0x5: {  	_ =	strace $0x80000047;
	s4 =	ssub.s32 $0x2, s1;
	s1 =	sor.u32 s1, s5  }
0x6: {  	s6 =	sshrl.u32 s4, $0x1;
	s30 =	sshll.u32 s1, $0xC;
	s5 =	sshll.u32 s1, $0x9  }
0x7: {  	s11 =	smul.u32 $0x20400, s1;
	s1 =	sshll.u32 s1, $0x4;
	s13 =	ssub.s32 s4, s6  }
0x8: {  	s31 =	sadd.s32 s2, s30;
	s5 =	sadd.s32 s0, s5;
	s7 =	sshrl.u32 s30, $0x3  }
0x9: {  	s1 =	sadd.s32 s1, s2;
	[dreg:$0x3] =	wrdreg s31;
	s6 =	sadd.s32 $0x4080, s5  }
.Ltmp0:
0xa: {  	s12 =	sadd.s32 s0, s7;
	s7 =	sadd.s32 $0x8100, s5;
	(pc) =	sbr.rel .LBB2_1-.Ltmp0, $4  }
0xb: {  	s8 =	sadd.s32 $0xC180, s5;
	s14 =	sshrl.u32 s11, $0x3;
	s1 =	sadd.s32 $0x20000, s1  }
0xc: {  	s15 =	smax.u32 s13, $0x1;
	s9 =	sadd.s32 $0x10200, s12;
	s0 =	sadd.s32 s0, s14  }
0xd: {  	s10 =	sadd.s32 $0x14280, s12;
	[dreg:$0x4] =	wrdreg s1;
	s0 =	sadd.s32 $0x4000, s0  }
0xe: {  	v0 =	vimm.f32 $0.0e+00;
	s11 =	sadd.s32 $0x18300, s12;
	s12 =	sadd.s32 $0x1C380, s12;
	[dreg:$0x5] =	wrdreg s0  }
.LBB2_5:
0xf: {  	s29 =	sadd.s32 $0x1, s29  }
0x10: {  	p1 =	sne.s32 s29, s15  }
.Ltmp1:
0x11: {  	_ = 	snop;
	(pc) =	sbr.rel @!p1 .LBB2_6-.Ltmp1, $1  }
0x12: {  	_ =	sdelay $0x3  }
.LBB2_1:
0x13: {  	s0 =	rddreg [dreg:$0x0]  }
0x14: {  	[tilespmem:s3], [sflag:$0x1] =	stream.linear.gather [hbm4b:s0+s3], $0x800, $0x38;
	[tilespmem:$0x10C80] =	vst v63  }
0x15: {  	_ =	swait.ge [sflag:s16], $0x800  }
0x16: {  	[sflag:s16] =	ssyncset.done $0x0  }
0x17: {  	s1 =	simm.s32 $0x800;
	s22 =	rddreg [dreg:$0x3];
	[sflag:s16] =	ssyncadd.s32 $0xFFFFF800  }
0x18: {  	[tilespmem:s1], [sflag:$0x1] =	stream.linear.gather [hbm4b:s22+s3], $0x8000, $0x38;
	[tilespmem:$0x10C80] =	vst v63  }
0x19: {  	s23 =	sor.u32 $0x1, s3;
	_ =	swait.ge [sflag:s16], $0x8000  }
0x1a: {  	s26 =	sshll.u32 s23, $0xA;
	[sflag:s16] =	ssyncset.done $0x0  }
0x1b: {  	s25 =	sand.u32 $0x3FFFFC00, s26;
	[sflag:s16] =	ssyncadd.s32 $0xFFFF8000  }
0x1c: {  	v1 =	vld [tilespmem:s25+$0x800];
	_ =	sdelay $0x7  }
0x1d: {  	v1 =	vld.idx.msk [tilespmem:v1+s3+$0x0], $0xffff;
	_ =	sdelay $0x2  }
0x1e: {  	s2 =	simm.s32 $0x0;
	s0 =	sshll.u32 s23, $0x7  }
0x1f: {  	s24 =	sand.u32 $0x3FFFFC00, s2;
	s23 =	sand.u32 $0x3FFFFF80, s0  }
0x20: {  	v2 =	vld [tilespmem:s24+$0x800];
	[tilespmem:s23+$0x8800] =	vst v1  }
0x21: {  	v1 =	vld [tilespmem:s25+$0x810];
	_ =	sdelay $0x6  }
0x22: {  	v2 =	vld.idx.msk [tilespmem:v2+s3+$0x0], $0xffff  }
0x23: {  	v1 =	vld.idx.msk [tilespmem:v1+s3+$0x0], $0xffff;
	_ =	sdelay $0x1  }
0x24: {  	s4 =	simm.s32 $0x0  }
0x25: {  	s18 =	sand.u32 $0x3FFFFF80, s4  }
0x26: {  	[tilespmem:s18+$0x8800] =	vst v2  }
0x27: {  	v2 =	vld [tilespmem:s24+$0x810];
	[tilespmem:s23+$0x8810] =	vst v1  }
0x28: {  	v1 =	vld [tilespmem:s25+$0x820];
	_ =	sdelay $0x6  }
0x29: {  	v2 =	vld.idx.msk [tilespmem:v2+s3+$0x0], $0xffff  }
0x2a: {  	v1 =	vld.idx.msk [tilespmem:v1+s3+$0x0], $0xffff;
	_ =	sdelay $0x3  }
0x2b: {  	[tilespmem:s18+$0x8810] =	vst v2  }
0x2c: {  	v2 =	vld [tilespmem:s24+$0x820];
	[tilespmem:s23+$0x8820] =	vst v1  }
0x2d: {  	v1 =	vld [tilespmem:s25+$0x830];
	_ =	sdelay $0x6  }
0x2e: {  	v2 =	vld.idx.msk [tilespmem:v2+s3+$0x0], $0xffff  }
0x2f: {  	v1 =	vld.idx.msk [tilespmem:v1+s3+$0x0], $0xffff;
	_ =	sdelay $0x3  }
0x30: {  	[tilespmem:s18+$0x8820] =	vst v2  }
0x31: {  	v2 =	vld [tilespmem:s24+$0x830];
	[tilespmem:s23+$0x8830] =	vst v1  }
0x32: {  	v1 =	vld [tilespmem:s25+$0x840];
	_ =	sdelay $0x6  }
0x33: {  	v2 =	vld.idx.msk [tilespmem:v2+s3+$0x0], $0xffff  }
0x34: {  	v1 =	vld.idx.msk [tilespmem:v1+s3+$0x0], $0xffff;
	_ =	sdelay $0x3  }
0x35: {  	[tilespmem:s18+$0x8830] =	vst v2  }
0x36: {  	v2 =	vld [tilespmem:s24+$0x840];
	[tilespmem:s23+$0x8840] =	vst v1  }
0x37: {  	v1 =	vld [tilespmem:s25+$0x850];
	_ =	sdelay $0x6  }
0x38: {  	v2 =	vld.idx.msk [tilespmem:v2+s3+$0x0], $0xffff  }
0x39: {  	v1 =	vld.idx.msk [tilespmem:v1+s3+$0x0], $0xffff;
	_ =	sdelay $0x3  }
0x3a: {  	[tilespmem:s18+$0x8840] =	vst v2  }
0x3b: {  	v2 =	vld [tilespmem:s24+$0x850];
	[tilespmem:s23+$0x8850] =	vst v1  }
0x3c: {  	v1 =	vld [tilespmem:s25+$0x860];
	_ =	sdelay $0x6  }
0x3d: {  	v2 =	vld.idx.msk [tilespmem:v2+s3+$0x0], $0xffff  }
0x3e: {  	v1 =	vld.idx.msk [tilespmem:v1+s3+$0x0], $0xffff;
	_ =	sdelay $0x3  }
0x3f: {  	[tilespmem:s18+$0x8850] =	vst v2  }
0x40: {  	v2 =	vld [tilespmem:s24+$0x860];
	[tilespmem:s23+$0x8860] =	vst v1  }
0x41: {  	v1 =	vld [tilespmem:s25+$0x870];
	_ =	sdelay $0x6  }
0x42: {  	v2 =	vld.idx.msk [tilespmem:v2+s3+$0x0], $0xffff  }
0x43: {  	v1 =	vld.idx.msk [tilespmem:v1+s3+$0x0], $0xffff;
	_ =	sdelay $0x3  }
0x44: {  	[tilespmem:s18+$0x8860] =	vst v2  }
0x45: {  	v2 =	vld [tilespmem:s24+$0x870];
	[tilespmem:s23+$0x8870] =	vst v1  }
0x46: {  	v1 =	vld [tilespmem:s25+$0x880];
	_ =	sdelay $0x6  }
0x47: {  	v2 =	vld.idx.msk [tilespmem:v2+s3+$0x0], $0xffff  }
0x48: {  	v1 =	vld.idx.msk [tilespmem:v1+s3+$0x0], $0xffff;
	_ =	sdelay $0x3  }
0x49: {  	[tilespmem:s18+$0x8870] =	vst v2  }
0x4a: {  	v2 =	vld [tilespmem:s24+$0x880];
	[tilespmem:s23+$0x9800] =	vst v1  }
0x4b: {  	v1 =	vld [tilespmem:s25+$0x890];
	_ =	sdelay $0x6  }
0x4c: {  	v2 =	vld.idx.msk [tilespmem:v2+s3+$0x0], $0xffff  }
0x4d: {  	v1 =	vld.idx.msk [tilespmem:v1+s3+$0x0], $0xffff;
	_ =	sdelay $0x3  }
0x4e: {  	[tilespmem:s18+$0x9800] =	vst v2  }
0x4f: {  	v2 =	vld [tilespmem:s24+$0x890];
	[tilespmem:s23+$0x9810] =	vst v1  }
0x50: {  	v1 =	vld [tilespmem:s25+$0x8A0];
	_ =	sdelay $0x6  }
0x51: {  	v2 =	vld.idx.msk [tilespmem:v2+s3+$0x0], $0xffff  }
0x52: {  	v1 =	vld.idx.msk [tilespmem:v1+s3+$0x0], $0xffff;
	_ =	sdelay $0x3  }
0x53: {  	[tilespmem:s18+$0x9810] =	vst v2  }
0x54: {  	v2 =	vld [tilespmem:s24+$0x8A0];
	[tilespmem:s23+$0x9820] =	vst v1  }
0x55: {  	v1 =	vld [tilespmem:s25+$0x8B0];
	_ =	sdelay $0x6  }
0x56: {  	v2 =	vld.idx.msk [tilespmem:v2+s3+$0x0], $0xffff  }
0x57: {  	v1 =	vld.idx.msk [tilespmem:v1+s3+$0x0], $0xffff;
	_ =	sdelay $0x3  }
0x58: {  	[tilespmem:s18+$0x9820] =	vst v2  }
0x59: {  	v2 =	vld [tilespmem:s24+$0x8B0];
	[tilespmem:s23+$0x9830] =	vst v1  }
0x5a: {  	v1 =	vld [tilespmem:s25+$0x8C0];
	_ =	sdelay $0x6  }
0x5b: {  	v2 =	vld.idx.msk [tilespmem:v2+s3+$0x0], $0xffff  }
0x5c: {  	v1 =	vld.idx.msk [tilespmem:v1+s3+$0x0], $0xffff;
	_ =	sdelay $0x3  }
0x5d: {  	[tilespmem:s18+$0x9830] =	vst v2  }
0x5e: {  	v2 =	vld [tilespmem:s24+$0x8C0];
	[tilespmem:s23+$0x9840] =	vst v1  }
0x5f: {  	v1 =	vld [tilespmem:s25+$0x8D0];
	_ =	sdelay $0x6  }
0x60: {  	v2 =	vld.idx.msk [tilespmem:v2+s3+$0x0], $0xffff  }
0x61: {  	v1 =	vld.idx.msk [tilespmem:v1+s3+$0x0], $0xffff;
	_ =	sdelay $0x3  }
0x62: {  	[tilespmem:s18+$0x9840] =	vst v2  }
0x63: {  	v2 =	vld [tilespmem:s24+$0x8D0];
	[tilespmem:s23+$0x9850] =	vst v1  }
0x64: {  	v1 =	vld [tilespmem:s25+$0x8E0];
	_ =	sdelay $0x6  }
0x65: {  	v2 =	vld.idx.msk [tilespmem:v2+s3+$0x0], $0xffff  }
0x66: {  	v1 =	vld.idx.msk [tilespmem:v1+s3+$0x0], $0xffff;
	_ =	sdelay $0x3  }
0x67: {  	[tilespmem:s18+$0x9850] =	vst v2  }
0x68: {  	v2 =	vld [tilespmem:s24+$0x8E0];
	[tilespmem:s23+$0x9860] =	vst v1  }
0x69: {  	v1 =	vld [tilespmem:s25+$0x8F0];
	_ =	sdelay $0x6  }
0x6a: {  	v2 =	vld.idx.msk [tilespmem:v2+s3+$0x0], $0xffff  }
0x6b: {  	v1 =	vld.idx.msk [tilespmem:v1+s3+$0x0], $0xffff;
	_ =	sdelay $0x3  }
0x6c: {  	[tilespmem:s18+$0x9860] =	vst v2  }
0x6d: {  	v2 =	vld [tilespmem:s24+$0x8F0];
	[tilespmem:s23+$0x9870] =	vst v1  }
0x6e: {  	v1 =	vld [tilespmem:s25+$0x900];
	_ =	sdelay $0x1  }
0x6f: {  	s14 =	simm.s32 $0x800  }
0x70: {  	s31 =	sand.u32 $0x3FFFFC00, s14  }
0x71: {  	v3 =	vld [tilespmem:s31+$0x800];
	_ =	sdelay $0x2  }
0x72: {  	s13 =	simm.s32 $0x2;
	v2 =	vld.idx.msk [tilespmem:v2+s3+$0x0], $0xffff  }
0x73: {  	s0 =	sor.u32 $0x1, s13;
	v1 =	vld.idx.msk [tilespmem:v1+s3+$0x0], $0xffff  }
0x74: {  	s17 =	sshll.u32 s0, $0xA  }
0x75: {  	s2 =	sand.u32 $0x3FFFFC00, s17  }
0x76: {  	v4 =	vld [tilespmem:s2+$0x800]  }
0x77: {  	v3 =	vld.idx.msk [tilespmem:v3+s3+$0x0], $0xffff;
	[tilespmem:s18+$0x9870] =	vst v2  }
0x78: {  	v2 =	vld [tilespmem:s24+$0x900];
	[tilespmem:s23+$0xA800] =	vst v1  }
0x79: {  	v1 =	vld [tilespmem:s25+$0x910]  }
0x7a: {  	s19 =	simm.s32 $0x100  }
0x7b: {  	s30 =	sand.u32 $0x3FFFFF80, s19  }
0x7c: {  	[tilespmem:s30+$0x8800] =	vst v3  }
0x7d: {  	v3 =	vld [tilespmem:s31+$0x810]  }
0x7e: {  	v4 =	vld.idx.msk [tilespmem:v4+s3+$0x0], $0xffff;
	_ =	sdelay $0x1  }
0x7f: {  	v2 =	vld.idx.msk [tilespmem:v2+s3+$0x0], $0xffff  }
0x80: {  	s0 =	sshll.u32 s0, $0x7;
	v1 =	vld.idx.msk [tilespmem:v1+s3+$0x0], $0xffff  }
0x81: {  	s0 =	sand.u32 $0x3FFFFF80, s0  }
0x82: {  	[tilespmem:s0+$0x8800] =	vst v4  }
0x83: {  	v4 =	vld [tilespmem:s2+$0x810]  }
0x84: {  	v3 =	vld.idx.msk [tilespmem:v3+s3+$0x0], $0xffff;
	[tilespmem:s18+$0xA800] =	vst v2  }
0x85: {  	v2 =	vld [tilespmem:s24+$0x910];
	[tilespmem:s23+$0xA810] =	vst v1  }
0x86: {  	v1 =	vld [tilespmem:s25+$0x920];
	_ =	sdelay $0x2  }
0x87: {  	[tilespmem:s30+$0x8810] =	vst v3  }
0x88: {  	v3 =	vld [tilespmem:s31+$0x820]  }
0x89: {  	v4 =	vld.idx.msk [tilespmem:v4+s3+$0x0], $0xffff;
	_ =	sdelay $0x1  }
0x8a: {  	v2 =	vld.idx.msk [tilespmem:v2+s3+$0x0], $0xffff  }
0x8b: {  	v1 =	vld.idx.msk [tilespmem:v1+s3+$0x0], $0xffff;
	_ =	sdelay $0x1  }
0x8c: {  	[tilespmem:s0+$0x8810] =	vst v4  }
0x8d: {  	v4 =	vld [tilespmem:s2+$0x820]  }
0x8e: {  	v3 =	vld.idx.msk [tilespmem:v3+s3+$0x0], $0xffff;
	[tilespmem:s18+$0xA810] =	vst v2  }
0x8f: {  	v2 =	vld [tilespmem:s24+$0x920];
	[tilespmem:s23+$0xA820] =	vst v1  }
0x90: {  	v1 =	vld [tilespmem:s25+$0x930];
	_ =	sdelay $0x2  }
0x91: {  	[tilespmem:s30+$0x8820] =	vst v3  }
0x92: {  	v3 =	vld [tilespmem:s31+$0x830]  }
0x93: {  	v4 =	vld.idx.msk [tilespmem:v4+s3+$0x0], $0xffff;
	_ =	sdelay $0x1  }
0x94: {  	v2 =	vld.idx.msk [tilespmem:v2+s3+$0x0], $0xffff  }
0x95: {  	v1 =	vld.idx.msk [tilespmem:v1+s3+$0x0], $0xffff;
	_ =	sdelay $0x1  }
0x96: {  	[tilespmem:s0+$0x8820] =	vst v4  }
0x97: {  	v4 =	vld [tilespmem:s2+$0x830]  }
0x98: {  	v3 =	vld.idx.msk [tilespmem:v3+s3+$0x0], $0xffff;
	[tilespmem:s18+$0xA820] =	vst v2  }
0x99: {  	v2 =	vld [tilespmem:s24+$0x930];
	[tilespmem:s23+$0xA830] =	vst v1  }
0x9a: {  	v1 =	vld [tilespmem:s25+$0x940];
	_ =	sdelay $0x2  }
0x9b: {  	[tilespmem:s30+$0x8830] =	vst v3  }
0x9c: {  	v3 =	vld [tilespmem:s31+$0x840]  }
0x9d: {  	v4 =	vld.idx.msk [tilespmem:v4+s3+$0x0], $0xffff;
	_ =	sdelay $0x1  }
0x9e: {  	v2 =	vld.idx.msk [tilespmem:v2+s3+$0x0], $0xffff  }
0x9f: {  	v1 =	vld.idx.msk [tilespmem:v1+s3+$0x0], $0xffff;
	_ =	sdelay $0x1  }
0xa0: {  	[tilespmem:s0+$0x8830] =	vst v4  }
0xa1: {  	v4 =	vld [tilespmem:s2+$0x840]  }
0xa2: {  	v3 =	vld.idx.msk [tilespmem:v3+s3+$0x0], $0xffff;
	[tilespmem:s18+$0xA830] =	vst v2  }
0xa3: {  	v2 =	vld [tilespmem:s24+$0x940];
	[tilespmem:s23+$0xA840] =	vst v1  }
0xa4: {  	v1 =	vld [tilespmem:s25+$0x950];
	_ =	sdelay $0x2  }
0xa5: {  	[tilespmem:s30+$0x8840] =	vst v3  }
0xa6: {  	v3 =	vld [tilespmem:s31+$0x850]  }
0xa7: {  	v4 =	vld.idx.msk [tilespmem:v4+s3+$0x0], $0xffff;
	_ =	sdelay $0x1  }
0xa8: {  	v2 =	vld.idx.msk [tilespmem:v2+s3+$0x0], $0xffff  }
0xa9: {  	v1 =	vld.idx.msk [tilespmem:v1+s3+$0x0], $0xffff;
	_ =	sdelay $0x1  }
0xaa: {  	[tilespmem:s0+$0x8840] =	vst v4  }
0xab: {  	v4 =	vld [tilespmem:s2+$0x850]  }
0xac: {  	v3 =	vld.idx.msk [tilespmem:v3+s3+$0x0], $0xffff;
	[tilespmem:s18+$0xA840] =	vst v2  }
0xad: {  	v2 =	vld [tilespmem:s24+$0x950];
	[tilespmem:s23+$0xA850] =	vst v1  }
0xae: {  	v1 =	vld [tilespmem:s25+$0x960];
	_ =	sdelay $0x2  }
0xaf: {  	[tilespmem:s30+$0x8850] =	vst v3  }
0xb0: {  	v3 =	vld [tilespmem:s31+$0x860]  }
0xb1: {  	v4 =	vld.idx.msk [tilespmem:v4+s3+$0x0], $0xffff;
	_ =	sdelay $0x1  }
0xb2: {  	v2 =	vld.idx.msk [tilespmem:v2+s3+$0x0], $0xffff  }
0xb3: {  	v1 =	vld.idx.msk [tilespmem:v1+s3+$0x0], $0xffff;
	_ =	sdelay $0x1  }
0xb4: {  	[tilespmem:s0+$0x8850] =	vst v4  }
0xb5: {  	v4 =	vld [tilespmem:s2+$0x860]  }
0xb6: {  	v3 =	vld.idx.msk [tilespmem:v3+s3+$0x0], $0xffff;
	[tilespmem:s18+$0xA850] =	vst v2  }
0xb7: {  	v2 =	vld [tilespmem:s24+$0x960];
	[tilespmem:s23+$0xA860] =	vst v1  }
0xb8: {  	v1 =	vld [tilespmem:s25+$0x970];
	_ =	sdelay $0x2  }
0xb9: {  	[tilespmem:s30+$0x8860] =	vst v3  }
0xba: {  	v3 =	vld [tilespmem:s31+$0x870]  }
0xbb: {  	v4 =	vld.idx.msk [tilespmem:v4+s3+$0x0], $0xffff;
	_ =	sdelay $0x1  }
0xbc: {  	v2 =	vld.idx.msk [tilespmem:v2+s3+$0x0], $0xffff  }
0xbd: {  	v1 =	vld.idx.msk [tilespmem:v1+s3+$0x0], $0xffff;
	_ =	sdelay $0x1  }
0xbe: {  	[tilespmem:s0+$0x8860] =	vst v4  }
0xbf: {  	v4 =	vld [tilespmem:s2+$0x870]  }
0xc0: {  	v3 =	vld.idx.msk [tilespmem:v3+s3+$0x0], $0xffff;
	[tilespmem:s18+$0xA860] =	vst v2  }
0xc1: {  	v2 =	vld [tilespmem:s24+$0x970];
	[tilespmem:s23+$0xA870] =	vst v1  }
0xc2: {  	v1 =	vld [tilespmem:s25+$0x980];
	_ =	sdelay $0x2  }
0xc3: {  	[tilespmem:s30+$0x8870] =	vst v3  }
0xc4: {  	v3 =	vld [tilespmem:s31+$0x880]  }
0xc5: {  	v4 =	vld.idx.msk [tilespmem:v4+s3+$0x0], $0xffff;
	_ =	sdelay $0x1  }
0xc6: {  	v2 =	vld.idx.msk [tilespmem:v2+s3+$0x0], $0xffff  }
0xc7: {  	v1 =	vld.idx.msk [tilespmem:v1+s3+$0x0], $0xffff;
	_ =	sdelay $0x1  }
0xc8: {  	[tilespmem:s0+$0x8870] =	vst v4  }
0xc9: {  	v4 =	vld [tilespmem:s2+$0x880]  }
0xca: {  	v3 =	vld.idx.msk [tilespmem:v3+s3+$0x0], $0xffff;
	[tilespmem:s18+$0xA870] =	vst v2  }
0xcb: {  	v2 =	vld [tilespmem:s24+$0x980];
	[tilespmem:s23+$0xB800] =	vst v1  }
0xcc: {  	v1 =	vld [tilespmem:s25+$0x990];
	_ =	sdelay $0x2  }
0xcd: {  	[tilespmem:s30+$0x9800] =	vst v3  }
0xce: {  	v3 =	vld [tilespmem:s31+$0x890]  }
0xcf: {  	v4 =	vld.idx.msk [tilespmem:v4+s3+$0x0], $0xffff;
	_ =	sdelay $0x1  }
0xd0: {  	v2 =	vld.idx.msk [tilespmem:v2+s3+$0x0], $0xffff  }
0xd1: {  	v1 =	vld.idx.msk [tilespmem:v1+s3+$0x0], $0xffff;
	_ =	sdelay $0x1  }
0xd2: {  	[tilespmem:s0+$0x9800] =	vst v4  }
0xd3: {  	v4 =	vld [tilespmem:s2+$0x890]  }
0xd4: {  	v3 =	vld.idx.msk [tilespmem:v3+s3+$0x0], $0xffff;
	[tilespmem:s18+$0xB800] =	vst v2  }
0xd5: {  	v2 =	vld [tilespmem:s24+$0x990];
	[tilespmem:s23+$0xB810] =	vst v1  }
0xd6: {  	v1 =	vld [tilespmem:s25+$0x9A0];
	_ =	sdelay $0x2  }
0xd7: {  	[tilespmem:s30+$0x9810] =	vst v3  }
0xd8: {  	v3 =	vld [tilespmem:s31+$0x8A0]  }
0xd9: {  	v4 =	vld.idx.msk [tilespmem:v4+s3+$0x0], $0xffff;
	_ =	sdelay $0x1  }
0xda: {  	v2 =	vld.idx.msk [tilespmem:v2+s3+$0x0], $0xffff  }
0xdb: {  	v1 =	vld.idx.msk [tilespmem:v1+s3+$0x0], $0xffff;
	_ =	sdelay $0x1  }
0xdc: {  	[tilespmem:s0+$0x9810] =	vst v4  }
0xdd: {  	v4 =	vld [tilespmem:s2+$0x8A0]  }
0xde: {  	v3 =	vld.idx.msk [tilespmem:v3+s3+$0x0], $0xffff;
	[tilespmem:s18+$0xB810] =	vst v2  }
0xdf: {  	v2 =	vld [tilespmem:s24+$0x9A0];
	[tilespmem:s23+$0xB820] =	vst v1  }
0xe0: {  	v1 =	vld [tilespmem:s25+$0x9B0];
	_ =	sdelay $0x2  }
0xe1: {  	[tilespmem:s30+$0x9820] =	vst v3  }
0xe2: {  	v3 =	vld [tilespmem:s31+$0x8B0]  }
0xe3: {  	v4 =	vld.idx.msk [tilespmem:v4+s3+$0x0], $0xffff;
	_ =	sdelay $0x1  }
0xe4: {  	v2 =	vld.idx.msk [tilespmem:v2+s3+$0x0], $0xffff  }
0xe5: {  	v1 =	vld.idx.msk [tilespmem:v1+s3+$0x0], $0xffff;
	_ =	sdelay $0x1  }
0xe6: {  	[tilespmem:s0+$0x9820] =	vst v4  }
0xe7: {  	v4 =	vld [tilespmem:s2+$0x8B0]  }
0xe8: {  	v3 =	vld.idx.msk [tilespmem:v3+s3+$0x0], $0xffff;
	[tilespmem:s18+$0xB820] =	vst v2  }
0xe9: {  	v2 =	vld [tilespmem:s24+$0x9B0];
	[tilespmem:s23+$0xB830] =	vst v1  }
0xea: {  	v1 =	vld [tilespmem:s25+$0x9C0];
	_ =	sdelay $0x2  }
0xeb: {  	[tilespmem:s30+$0x9830] =	vst v3  }
0xec: {  	v3 =	vld [tilespmem:s31+$0x8C0]  }
0xed: {  	v4 =	vld.idx.msk [tilespmem:v4+s3+$0x0], $0xffff;
	_ =	sdelay $0x1  }
0xee: {  	v2 =	vld.idx.msk [tilespmem:v2+s3+$0x0], $0xffff  }
0xef: {  	v1 =	vld.idx.msk [tilespmem:v1+s3+$0x0], $0xffff;
	_ =	sdelay $0x1  }
0xf0: {  	[tilespmem:s0+$0x9830] =	vst v4  }
0xf1: {  	v4 =	vld [tilespmem:s2+$0x8C0]  }
0xf2: {  	v3 =	vld.idx.msk [tilespmem:v3+s3+$0x0], $0xffff;
	[tilespmem:s18+$0xB830] =	vst v2  }
0xf3: {  	v2 =	vld [tilespmem:s24+$0x9C0];
	[tilespmem:s23+$0xB840] =	vst v1  }
0xf4: {  	v1 =	vld [tilespmem:s25+$0x9D0];
	_ =	sdelay $0x2  }
0xf5: {  	[tilespmem:s30+$0x9840] =	vst v3  }
0xf6: {  	v3 =	vld [tilespmem:s31+$0x8D0]  }
0xf7: {  	v4 =	vld.idx.msk [tilespmem:v4+s3+$0x0], $0xffff;
	_ =	sdelay $0x1  }
0xf8: {  	v2 =	vld.idx.msk [tilespmem:v2+s3+$0x0], $0xffff  }
0xf9: {  	v1 =	vld.idx.msk [tilespmem:v1+s3+$0x0], $0xffff;
	_ =	sdelay $0x1  }
0xfa: {  	[tilespmem:s0+$0x9840] =	vst v4  }
0xfb: {  	v4 =	vld [tilespmem:s2+$0x8D0]  }
0xfc: {  	v3 =	vld.idx.msk [tilespmem:v3+s3+$0x0], $0xffff;
	[tilespmem:s18+$0xB840] =	vst v2  }
0xfd: {  	v2 =	vld [tilespmem:s24+$0x9D0];
	[tilespmem:s23+$0xB850] =	vst v1  }
0xfe: {  	v1 =	vld [tilespmem:s25+$0x9E0];
	_ =	sdelay $0x2  }
0xff: {  	[tilespmem:s30+$0x9850] =	vst v3  }
0x100: {  	v3 =	vld [tilespmem:s31+$0x8E0]  }
0x101: {  	v4 =	vld.idx.msk [tilespmem:v4+s3+$0x0], $0xffff;
	_ =	sdelay $0x1  }
0x102: {  	v2 =	vld.idx.msk [tilespmem:v2+s3+$0x0], $0xffff  }
0x103: {  	v1 =	vld.idx.msk [tilespmem:v1+s3+$0x0], $0xffff;
	_ =	sdelay $0x1  }
0x104: {  	[tilespmem:s0+$0x9850] =	vst v4  }
0x105: {  	v4 =	vld [tilespmem:s2+$0x8E0]  }
0x106: {  	v3 =	vld.idx.msk [tilespmem:v3+s3+$0x0], $0xffff;
	[tilespmem:s18+$0xB850] =	vst v2  }
0x107: {  	v2 =	vld [tilespmem:s24+$0x9E0];
	[tilespmem:s23+$0xB860] =	vst v1  }
0x108: {  	v1 =	vld [tilespmem:s25+$0x9F0];
	_ =	sdelay $0x2  }
0x109: {  	[tilespmem:s30+$0x9860] =	vst v3  }
0x10a: {  	v3 =	vld [tilespmem:s31+$0x8F0]  }
0x10b: {  	v4 =	vld.idx.msk [tilespmem:v4+s3+$0x0], $0xffff;
	_ =	sdelay $0x1  }
0x10c: {  	v2 =	vld.idx.msk [tilespmem:v2+s3+$0x0], $0xffff  }
0x10d: {  	v1 =	vld.idx.msk [tilespmem:v1+s3+$0x0], $0xffff;
	_ =	sdelay $0x1  }
0x10e: {  	[tilespmem:s0+$0x9860] =	vst v4  }
0x10f: {  	v4 =	vld [tilespmem:s2+$0x8F0]  }
0x110: {  	v3 =	vld.idx.msk [tilespmem:v3+s3+$0x0], $0xffff;
	[tilespmem:s18+$0xB860] =	vst v2  }
0x111: {  	v2 =	vld [tilespmem:s24+$0x9F0];
	[tilespmem:s23+$0xB870] =	vst v1  }
0x112: {  	s20 =	simm.s32 $0x1000;
	v1 =	vld [tilespmem:s25+$0xA00]  }
0x113: {  	s26 =	sand.u32 $0x3FFFFC00, s20  }
0x114: {  	v5 =	vld [tilespmem:s26+$0x800]  }
0x115: {  	[tilespmem:s30+$0x9870] =	vst v3  }
0x116: {  	v3 =	vld [tilespmem:s31+$0x900]  }
0x117: {  	v4 =	vld.idx.msk [tilespmem:v4+s3+$0x0], $0xffff;
	_ =	sdelay $0x1  }
0x118: {  	v2 =	vld.idx.msk [tilespmem:v2+s3+$0x0], $0xffff  }
0x119: {  	v1 =	vld.idx.msk [tilespmem:v1+s3+$0x0], $0xffff;
	_ =	sdelay $0x1  }
0x11a: {  	v5 =	vld.idx.msk [tilespmem:v5+s3+$0x0], $0xffff;
	[tilespmem:s0+$0x9870] =	vst v4  }
0x11b: {  	v4 =	vld [tilespmem:s2+$0x900]  }
0x11c: {  	v3 =	vld.idx.msk [tilespmem:v3+s3+$0x0], $0xffff;
	[tilespmem:s18+$0xB870] =	vst v2  }
0x11d: {  	s17 =	simm.s32 $0x200;
	v2 =	vld [tilespmem:s24+$0xA00];
	[tilespmem:s23+$0xC800] =	vst v1  }
0x11e: {  	s13 =	simm.s32 $0x4;
	s28 =	sand.u32 $0x3FFFFF80, s17;
	v1 =	vld [tilespmem:s25+$0xA10]  }
0x11f: {  	s13 =	sor.u32 $0x1, s13;
	[tilespmem:s28+$0x8800] =	vst v5  }
0x120: {  	s21 =	sshll.u32 s13, $0xA;
	v5 =	vld [tilespmem:s26+$0x810]  }
0x121: {  	s1 =	sand.u32 $0x3FFFFC00, s21  }
0x122: {  	[tilespmem:s30+$0xA800] =	vst v3;
	v3 =	vld [tilespmem:s1+$0x800]  }
0x123: {  	v4 =	vld.idx.msk [tilespmem:v4+s3+$0x0], $0xffff;
	_ =	sdelay $0x1  }
0x124: {  	v2 =	vld.idx.msk [tilespmem:v2+s3+$0x0], $0xffff  }
0x125: {  	v1 =	vld.idx.msk [tilespmem:v1+s3+$0x0], $0xffff  }
0x126: {  	v6 =	vld [tilespmem:s31+$0x910]  }
0x127: {  	v5 =	vld.idx.msk [tilespmem:v5+s3+$0x0], $0xffff;
	[tilespmem:s0+$0xA800] =	vst v4  }
0x128: {  	v4 =	vld [tilespmem:s2+$0x910]  }
0x129: {  	v3 =	vld.idx.msk [tilespmem:v3+s3+$0x0], $0xffff;
	[tilespmem:s18+$0xC800] =	vst v2  }
0x12a: {  	v2 =	vld [tilespmem:s24+$0xA10];
	[tilespmem:s23+$0xC810] =	vst v1  }
0x12b: {  	v1 =	vld [tilespmem:s25+$0xA20]  }
0x12c: {  	s13 =	sshll.u32 s13, $0x7;
	[tilespmem:s28+$0x8810] =	vst v5  }
0x12d: {  	s17 =	sand.u32 $0x3FFFFF80, s13;
	v5 =	vld [tilespmem:s26+$0x820]  }
0x12e: {  	v6 =	vld.idx.msk [tilespmem:v6+s3+$0x0], $0xffff;
	[tilespmem:s17+$0x8800] =	vst v3  }
0x12f: {  	v3 =	vld [tilespmem:s1+$0x810]  }
0x130: {  	v4 =	vld.idx.msk [tilespmem:v4+s3+$0x0], $0xffff;
	_ =	sdelay $0x1  }
0x131: {  	v2 =	vld.idx.msk [tilespmem:v2+s3+$0x0], $0xffff  }
0x132: {  	[tilespmem:s30+$0xA810] =	vst v6;
	v1 =	vld.idx.msk [tilespmem:v1+s3+$0x0], $0xffff  }
0x133: {  	v6 =	vld [tilespmem:s31+$0x920]  }
0x134: {  	v5 =	vld.idx.msk [tilespmem:v5+s3+$0x0], $0xffff;
	[tilespmem:s0+$0xA810] =	vst v4  }
0x135: {  	v4 =	vld [tilespmem:s2+$0x920]  }
0x136: {  	v3 =	vld.idx.msk [tilespmem:v3+s3+$0x0], $0xffff;
	[tilespmem:s18+$0xC810] =	vst v2  }
0x137: {  	v2 =	vld [tilespmem:s24+$0xA20];
	[tilespmem:s23+$0xC820] =	vst v1  }
0x138: {  	v1 =	vld [tilespmem:s25+$0xA30]  }
0x139: {  	[tilespmem:s28+$0x8820] =	vst v5  }
0x13a: {  	v5 =	vld [tilespmem:s26+$0x830]  }
0x13b: {  	v6 =	vld.idx.msk [tilespmem:v6+s3+$0x0], $0xffff;
	[tilespmem:s17+$0x8810] =	vst v3  }
0x13c: {  	v3 =	vld [tilespmem:s1+$0x820]  }
0x13d: {  	v4 =	vld.idx.msk [tilespmem:v4+s3+$0x0], $0xffff;
	_ =	sdelay $0x1  }
0x13e: {  	v2 =	vld.idx.msk [tilespmem:v2+s3+$0x0], $0xffff  }
0x13f: {  	[tilespmem:s30+$0xA820] =	vst v6;
	v1 =	vld.idx.msk [tilespmem:v1+s3+$0x0], $0xffff  }
0x140: {  	v6 =	vld [tilespmem:s31+$0x930]  }
0x141: {  	v5 =	vld.idx.msk [tilespmem:v5+s3+$0x0], $0xffff;
	[tilespmem:s0+$0xA820] =	vst v4  }
0x142: {  	v4 =	vld [tilespmem:s2+$0x930]  }
0x143: {  	v3 =	vld.idx.msk [tilespmem:v3+s3+$0x0], $0xffff;
	[tilespmem:s18+$0xC820] =	vst v2  }
0x144: {  	v2 =	vld [tilespmem:s24+$0xA30];
	[tilespmem:s23+$0xC830] =	vst v1  }
0x145: {  	v1 =	vld [tilespmem:s25+$0xA40]  }
0x146: {  	[tilespmem:s28+$0x8830] =	vst v5  }
0x147: {  	v5 =	vld [tilespmem:s26+$0x840]  }
0x148: {  	v6 =	vld.idx.msk [tilespmem:v6+s3+$0x0], $0xffff;
	[tilespmem:s17+$0x8820] =	vst v3  }
0x149: {  	v3 =	vld [tilespmem:s1+$0x830]  }
0x14a: {  	v4 =	vld.idx.msk [tilespmem:v4+s3+$0x0], $0xffff;
	_ =	sdelay $0x1  }
0x14b: {  	v2 =	vld.idx.msk [tilespmem:v2+s3+$0x0], $0xffff  }
0x14c: {  	[tilespmem:s30+$0xA830] =	vst v6;
	v1 =	vld.idx.msk [tilespmem:v1+s3+$0x0], $0xffff  }
0x14d: {  	v6 =	vld [tilespmem:s31+$0x940]  }
0x14e: {  	v5 =	vld.idx.msk [tilespmem:v5+s3+$0x0], $0xffff;
	[tilespmem:s0+$0xA830] =	vst v4  }
0x14f: {  	v4 =	vld [tilespmem:s2+$0x940]  }
0x150: {  	v3 =	vld.idx.msk [tilespmem:v3+s3+$0x0], $0xffff;
	[tilespmem:s18+$0xC830] =	vst v2  }
0x151: {  	v2 =	vld [tilespmem:s24+$0xA40];
	[tilespmem:s23+$0xC840] =	vst v1  }
0x152: {  	v1 =	vld [tilespmem:s25+$0xA50];
	_ =	sdelay $0x2  }
0x153: {  	v6 =	vld.idx.msk [tilespmem:v6+s3+$0x0], $0xffff;
	[tilespmem:s17+$0x8830] =	vst v3  }
0x154: {  	v3 =	vld [tilespmem:s1+$0x840]  }
0x155: {  	[tilespmem:s28+$0x8840] =	vst v5;
	v4 =	vld.idx.msk [tilespmem:v4+s3+$0x0], $0xffff  }
0x156: {  	v5 =	vld [tilespmem:s26+$0x850]  }
0x157: {  	v2 =	vld.idx.msk [tilespmem:v2+s3+$0x0], $0xffff  }
0x158: {  	[tilespmem:s30+$0xA840] =	vst v6;
	v1 =	vld.idx.msk [tilespmem:v1+s3+$0x0], $0xffff  }
0x159: {  	v6 =	vld [tilespmem:s31+$0x950]  }
0x15a: {  	[tilespmem:s0+$0xA840] =	vst v4  }
0x15b: {  	v4 =	vld [tilespmem:s2+$0x950]  }
0x15c: {  	v3 =	vld.idx.msk [tilespmem:v3+s3+$0x0], $0xffff;
	[tilespmem:s18+$0xC840] =	vst v2  }
0x15d: {  	v2 =	vld [tilespmem:s24+$0xA50];
	[tilespmem:s23+$0xC850] =	vst v1  }
0x15e: {  	v1 =	vld [tilespmem:s25+$0xA60];
	_ =	sdelay $0x1  }
0x15f: {  	v5 =	vld.idx.msk [tilespmem:v5+s3+$0x0], $0xffff  }
0x160: {  	v6 =	vld.idx.msk [tilespmem:v6+s3+$0x0], $0xffff;
	[tilespmem:s17+$0x8840] =	vst v3  }
0x161: {  	v3 =	vld [tilespmem:s1+$0x850]  }
0x162: {  	v4 =	vld.idx.msk [tilespmem:v4+s3+$0x0], $0xffff;
	_ =	sdelay $0x1  }
0x163: {  	v2 =	vld.idx.msk [tilespmem:v2+s3+$0x0], $0xffff  }
0x164: {  	[tilespmem:s28+$0x8850] =	vst v5;
	v1 =	vld.idx.msk [tilespmem:v1+s3+$0x0], $0xffff  }
0x165: {  	v5 =	vld [tilespmem:s26+$0x860];
	[tilespmem:s30+$0xA850] =	vst v6  }
0x166: {  	[tilespmem:s0+$0xA850] =	vst v4;
	v6 =	vld [tilespmem:s31+$0x960]  }
0x167: {  	v4 =	vld [tilespmem:s2+$0x960]  }
0x168: {  	v3 =	vld.idx.msk [tilespmem:v3+s3+$0x0], $0xffff;
	[tilespmem:s18+$0xC850] =	vst v2  }
0x169: {  	v2 =	vld [tilespmem:s24+$0xA60];
	[tilespmem:s23+$0xC860] =	vst v1  }
0x16a: {  	v1 =	vld [tilespmem:s25+$0xA70];
	_ =	sdelay $0x2  }
0x16b: {  	v5 =	vld.idx.msk [tilespmem:v5+s3+$0x0], $0xffff  }
0x16c: {  	v6 =	vld.idx.msk [tilespmem:v6+s3+$0x0], $0xffff  }
0x16d: {  	v4 =	vld.idx.msk [tilespmem:v4+s3+$0x0], $0xffff;
	[tilespmem:s17+$0x8850] =	vst v3  }
0x16e: {  	v3 =	vld [tilespmem:s1+$0x860]  }
0x16f: {  	v2 =	vld.idx.msk [tilespmem:v2+s3+$0x0], $0xffff  }
0x170: {  	v1 =	vld.idx.msk [tilespmem:v1+s3+$0x0], $0xffff  }
0x171: {  	[tilespmem:s30+$0xA860] =	vst v6  }
0x172: {  	[tilespmem:s28+$0x8860] =	vst v5;
	v6 =	vld [tilespmem:s31+$0x970]  }
0x173: {  	v5 =	vld [tilespmem:s26+$0x870];
	[tilespmem:s0+$0xA860] =	vst v4  }
0x174: {  	[tilespmem:s18+$0xC860] =	vst v2;
	v2 =	vld [tilespmem:s2+$0x970]  }
0x175: {  	[tilespmem:s23+$0xC870] =	vst v1  }
0x176: {  	v1 =	vld [tilespmem:s25+$0xA80]  }
0x177: {  	v3 =	vld.idx.msk [tilespmem:v3+s3+$0x0], $0xffff;
	_ =	sdelay $0x1  }
0x178: {  	v4 =	vld [tilespmem:s24+$0xA70]  }
0x179: {  	v6 =	vld.idx.msk [tilespmem:v6+s3+$0x0], $0xffff  }
0x17a: {  	v5 =	vld.idx.msk [tilespmem:v5+s3+$0x0], $0xffff  }
0x17b: {  	[tilespmem:s17+$0x8860] =	vst v3;
	v2 =	vld.idx.msk [tilespmem:v2+s3+$0x0], $0xffff  }
0x17c: {  	v3 =	vld [tilespmem:s1+$0x870]  }
0x17d: {  	v1 =	vld.idx.msk [tilespmem:v1+s3+$0x0], $0xffff  }
0x17e: {  	[tilespmem:s30+$0xA870] =	vst v6  }
0x17f: {  	v6 =	vld [tilespmem:s31+$0x980]  }
0x180: {  	v4 =	vld.idx.msk [tilespmem:v4+s3+$0x0], $0xffff;
	[tilespmem:s0+$0xA870] =	vst v2  }
0x181: {  	[tilespmem:s28+$0x8870] =	vst v5;
	v2 =	vld [tilespmem:s2+$0x980]  }
0x182: {  	v5 =	vld [tilespmem:s26+$0x880];
	[tilespmem:s23+$0xD800] =	vst v1  }
0x183: {  	v1 =	vld [tilespmem:s25+$0xA90]  }
0x184: {  	v3 =	vld.idx.msk [tilespmem:v3+s3+$0x0], $0xffff  }
0x185: {  	[tilespmem:s18+$0xC870] =	vst v4  }
0x186: {  	v4 =	vld [tilespmem:s24+$0xA80]  }
0x187: {  	v6 =	vld.idx.msk [tilespmem:v6+s3+$0x0], $0xffff;
	_ =	sdelay $0x1  }
0x188: {  	[tilespmem:s17+$0x8870] =	vst v3;
	v2 =	vld.idx.msk [tilespmem:v2+s3+$0x0], $0xffff  }
0x189: {  	v3 =	vld [tilespmem:s1+$0x880]  }
0x18a: {  	v1 =	vld.idx.msk [tilespmem:v1+s3+$0x0], $0xffff  }
0x18b: {  	v5 =	vld.idx.msk [tilespmem:v5+s3+$0x0], $0xffff;
	[tilespmem:s30+$0xB800] =	vst v6  }
0x18c: {  	v6 =	vld [tilespmem:s31+$0x990]  }
0x18d: {  	v4 =	vld.idx.msk [tilespmem:v4+s3+$0x0], $0xffff;
	[tilespmem:s0+$0xB800] =	vst v2  }
0x18e: {  	v2 =	vld [tilespmem:s2+$0x990]  }
0x18f: {  	[tilespmem:s23+$0xD810] =	vst v1  }
0x190: {  	v1 =	vld [tilespmem:s25+$0xAA0]  }
0x191: {  	v3 =	vld.idx.msk [tilespmem:v3+s3+$0x0], $0xffff  }
0x192: {  	[tilespmem:s18+$0xD800] =	vst v4  }
0x193: {  	[tilespmem:s28+$0x9800] =	vst v5;
	v5 =	vld [tilespmem:s24+$0xA90]  }
0x194: {  	v6 =	vld.idx.msk [tilespmem:v6+s3+$0x0], $0xffff  }
0x195: {  	v4 =	vld [tilespmem:s26+$0x890]  }
0x196: {  	[tilespmem:s17+$0x9800] =	vst v3;
	v2 =	vld.idx.msk [tilespmem:v2+s3+$0x0], $0xffff  }
0x197: {  	v3 =	vld [tilespmem:s1+$0x890]  }
0x198: {  	v1 =	vld.idx.msk [tilespmem:v1+s3+$0x0], $0xffff  }
0x199: {  	[tilespmem:s30+$0xB810] =	vst v6  }
0x19a: {  	v6 =	vld [tilespmem:s31+$0x9A0]  }
0x19b: {  	v5 =	vld.idx.msk [tilespmem:v5+s3+$0x0], $0xffff;
	[tilespmem:s0+$0xB810] =	vst v2  }
0x19c: {  	v2 =	vld [tilespmem:s2+$0x9A0]  }
0x19d: {  	[tilespmem:s23+$0xD820] =	vst v1;
	v1 =	vld.idx.msk [tilespmem:v4+s3+$0x0], $0xffff  }
0x19e: {  	v4 =	vld [tilespmem:s25+$0xAB0];
	_ =	sdelay $0x1  }
0x19f: {  	v3 =	vld.idx.msk [tilespmem:v3+s3+$0x0], $0xffff;
	_ =	sdelay $0x1  }
0x1a0: {  	v6 =	vld.idx.msk [tilespmem:v6+s3+$0x0], $0xffff;
	[tilespmem:s18+$0xD810] =	vst v5  }
0x1a1: {  	v5 =	vld [tilespmem:s24+$0xAA0]  }
0x1a2: {  	v2 =	vld.idx.msk [tilespmem:v2+s3+$0x0], $0xffff;
	[tilespmem:s28+$0x9810] =	vst v1  }
0x1a3: {  	[tilespmem:s17+$0x9810] =	vst v3;
	v1 =	vld [tilespmem:s26+$0x8A0]  }
0x1a4: {  	v3 =	vld.idx.msk [tilespmem:v4+s3+$0x0], $0xffff  }
0x1a5: {  	v4 =	vld [tilespmem:s1+$0x8A0]  }
0x1a6: {  	[tilespmem:s30+$0xB820] =	vst v6  }
0x1a7: {  	[tilespmem:s0+$0xB820] =	vst v2;
	v6 =	vld [tilespmem:s31+$0x9B0]  }
0x1a8: {  	v2 =	vld [tilespmem:s2+$0x9B0];
	_ =	sdelay $0x2  }
0x1a9: {  	v1 =	vld.idx.msk [tilespmem:v1+s3+$0x0], $0xffff;
	[tilespmem:s23+$0xD830] =	vst v3  }
0x1aa: {  	v3 =	vld [tilespmem:s25+$0xAC0]  }
0x1ab: {  	v4 =	vld.idx.msk [tilespmem:v4+s3+$0x0], $0xffff  }
0x1ac: {  	v5 =	vld.idx.msk [tilespmem:v5+s3+$0x0], $0xffff  }
0x1ad: {  	v6 =	vld.idx.msk [tilespmem:v6+s3+$0x0], $0xffff  }
0x1ae: {  	v2 =	vld.idx.msk [tilespmem:v2+s3+$0x0], $0xffff;
	[tilespmem:s28+$0x9820] =	vst v1  }
0x1af: {  	v1 =	vld [tilespmem:s26+$0x8B0]  }
0x1b0: {  	[tilespmem:s17+$0x9820] =	vst v4  }
0x1b1: {  	v4 =	vld [tilespmem:s1+$0x8B0]  }
0x1b2: {  	[tilespmem:s18+$0xD820] =	vst v5;
	v3 =	vld.idx.msk [tilespmem:v3+s3+$0x0], $0xffff  }
0x1b3: {  	v5 =	vld [tilespmem:s24+$0xAB0];
	[tilespmem:s30+$0xB830] =	vst v6  }
0x1b4: {  	[tilespmem:s0+$0xB830] =	vst v2;
	v6 =	vld [tilespmem:s31+$0x9C0]  }
0x1b5: {  	v2 =	vld [tilespmem:s2+$0x9C0];
	_ =	sdelay $0x1  }
0x1b6: {  	v1 =	vld.idx.msk [tilespmem:v1+s3+$0x0], $0xffff;
	[tilespmem:s23+$0xD840] =	vst v3  }
0x1b7: {  	v3 =	vld [tilespmem:s25+$0xAD0]  }
0x1b8: {  	v4 =	vld.idx.msk [tilespmem:v4+s3+$0x0], $0xffff;
	_ =	sdelay $0x1  }
0x1b9: {  	v5 =	vld.idx.msk [tilespmem:v5+s3+$0x0], $0xffff  }
0x1ba: {  	v6 =	vld.idx.msk [tilespmem:v6+s3+$0x0], $0xffff  }
0x1bb: {  	v2 =	vld.idx.msk [tilespmem:v2+s3+$0x0], $0xffff;
	[tilespmem:s28+$0x9830] =	vst v1  }
0x1bc: {  	v1 =	vld [tilespmem:s26+$0x8C0];
	[tilespmem:s17+$0x9830] =	vst v4  }
0x1bd: {  	v4 =	vld [tilespmem:s1+$0x8C0]  }
0x1be: {  	v3 =	vld.idx.msk [tilespmem:v3+s3+$0x0], $0xffff  }
0x1bf: {  	[tilespmem:s30+$0xB840] =	vst v6  }
0x1c0: {  	[tilespmem:s0+$0xB840] =	vst v2;
	v6 =	vld [tilespmem:s31+$0x9D0]  }
0x1c1: {  	v2 =	vld [tilespmem:s2+$0x9D0]  }
0x1c2: {  	[tilespmem:s18+$0xD830] =	vst v5  }
0x1c3: {  	[tilespmem:s23+$0xD850] =	vst v3;
	v3 =	vld [tilespmem:s24+$0xAC0]  }
0x1c4: {  	v1 =	vld.idx.msk [tilespmem:v1+s3+$0x0], $0xffff  }
0x1c5: {  	v5 =	vld [tilespmem:s25+$0xAE0]  }
0x1c6: {  	v4 =	vld.idx.msk [tilespmem:v4+s3+$0x0], $0xffff;
	_ =	sdelay $0x1  }
0x1c7: {  	v6 =	vld.idx.msk [tilespmem:v6+s3+$0x0], $0xffff  }
0x1c8: {  	v2 =	vld.idx.msk [tilespmem:v2+s3+$0x0], $0xffff;
	[tilespmem:s28+$0x9840] =	vst v1  }
0x1c9: {  	v1 =	vld [tilespmem:s26+$0x8D0]  }
0x1ca: {  	[tilespmem:s17+$0x9840] =	vst v4;
	v3 =	vld.idx.msk [tilespmem:v3+s3+$0x0], $0xffff  }
0x1cb: {  	v4 =	vld [tilespmem:s1+$0x8D0]  }
0x1cc: {  	[tilespmem:s30+$0xB850] =	vst v6;
	v5 =	vld.idx.msk [tilespmem:v5+s3+$0x0], $0xffff  }
0x1cd: {  	[tilespmem:s0+$0xB850] =	vst v2;
	v6 =	vld [tilespmem:s31+$0x9E0]  }
0x1ce: {  	v2 =	vld [tilespmem:s2+$0x9E0]  }
0x1cf: {  	[tilespmem:s18+$0xD840] =	vst v3  }
0x1d0: {  	v3 =	vld [tilespmem:s24+$0xAD0]  }
0x1d1: {  	v1 =	vld.idx.msk [tilespmem:v1+s3+$0x0], $0xffff;
	[tilespmem:s23+$0xD860] =	vst v5  }
0x1d2: {  	v5 =	vld [tilespmem:s25+$0xAF0]  }
0x1d3: {  	v4 =	vld.idx.msk [tilespmem:v4+s3+$0x0], $0xffff;
	_ =	sdelay $0x1  }
0x1d4: {  	v6 =	vld.idx.msk [tilespmem:v6+s3+$0x0], $0xffff  }
0x1d5: {  	v2 =	vld.idx.msk [tilespmem:v2+s3+$0x0], $0xffff;
	[tilespmem:s28+$0x9850] =	vst v1  }
0x1d6: {  	v1 =	vld [tilespmem:s26+$0x8E0]  }
0x1d7: {  	[tilespmem:s17+$0x9850] =	vst v4;
	v3 =	vld.idx.msk [tilespmem:v3+s3+$0x0], $0xffff  }
0x1d8: {  	v4 =	vld [tilespmem:s1+$0x8E0]  }
0x1d9: {  	[tilespmem:s30+$0xB860] =	vst v6;
	v5 =	vld.idx.msk [tilespmem:v5+s3+$0x0], $0xffff  }
0x1da: {  	[tilespmem:s0+$0xB860] =	vst v2;
	v6 =	vld [tilespmem:s31+$0x9F0]  }
0x1db: {  	v2 =	vld [tilespmem:s2+$0x9F0];
	_ =	sdelay $0x2  }
0x1dc: {  	[tilespmem:s18+$0xD850] =	vst v3;
	v1 =	vld.idx.msk [tilespmem:v1+s3+$0x0], $0xffff  }
0x1dd: {  	v3 =	vld [tilespmem:s24+$0xAE0]  }
0x1de: {  	[tilespmem:s23+$0xD870] =	vst v5;
	v4 =	vld.idx.msk [tilespmem:v4+s3+$0x0], $0xffff  }
0x1df: {  	v5 =	vld [tilespmem:s25+$0xB00]  }
0x1e0: {  	v6 =	vld.idx.msk [tilespmem:v6+s3+$0x0], $0xffff  }
0x1e1: {  	v2 =	vld.idx.msk [tilespmem:v2+s3+$0x0], $0xffff;
	[tilespmem:s28+$0x9860] =	vst v1  }
0x1e2: {  	v1 =	vld [tilespmem:s26+$0x8F0]  }
0x1e3: {  	[tilespmem:s17+$0x9860] =	vst v4  }
0x1e4: {  	v4 =	vld [tilespmem:s1+$0x8F0]  }
0x1e5: {  	v3 =	vld.idx.msk [tilespmem:v3+s3+$0x0], $0xffff;
	[tilespmem:s30+$0xB870] =	vst v6  }
0x1e6: {  	[tilespmem:s0+$0xB870] =	vst v2;
	v6 =	vld [tilespmem:s31+$0xA00]  }
0x1e7: {  	v2 =	vld [tilespmem:s2+$0xA00];
	_ =	sdelay $0x1  }
0x1e8: {  	v5 =	vld.idx.msk [tilespmem:v5+s3+$0x0], $0xffff  }
0x1e9: {  	[tilespmem:s18+$0xD860] =	vst v3;
	v1 =	vld.idx.msk [tilespmem:v1+s3+$0x0], $0xffff  }
0x1ea: {  	v3 =	vld [tilespmem:s24+$0xAF0]  }
0x1eb: {  	v4 =	vld.idx.msk [tilespmem:v4+s3+$0x0], $0xffff;
	_ =	sdelay $0x1  }
0x1ec: {  	v6 =	vld.idx.msk [tilespmem:v6+s3+$0x0], $0xffff  }
0x1ed: {  	v2 =	vld.idx.msk [tilespmem:v2+s3+$0x0], $0xffff;
	[tilespmem:s28+$0x9870] =	vst v1  }
0x1ee: {  	[tilespmem:s23+$0xE800] =	vst v5;
	v1 =	vld [tilespmem:s26+$0x900]  }
0x1ef: {  	[tilespmem:s17+$0x9870] =	vst v4;
	v4 =	vld [tilespmem:s25+$0xB10]  }
0x1f0: {  	v5 =	vld [tilespmem:s1+$0x900]  }
0x1f1: {  	v3 =	vld.idx.msk [tilespmem:v3+s3+$0x0], $0xffff;
	[tilespmem:s30+$0xC800] =	vst v6  }
0x1f2: {  	[tilespmem:s0+$0xC800] =	vst v2;
	v6 =	vld [tilespmem:s31+$0xA10]  }
0x1f3: {  	s19 =	simm.s32 $0x1800;
	v2 =	vld [tilespmem:s2+$0xA10]  }
0x1f4: {  	s19 =	sand.u32 $0x3FFFFC00, s19  }
0x1f5: {  	v7 =	vld [tilespmem:s19+$0x800]  }
0x1f6: {  	v1 =	vld.idx.msk [tilespmem:v1+s3+$0x0], $0xffff  }
0x1f7: {  	v4 =	vld.idx.msk [tilespmem:v4+s3+$0x0], $0xffff  }
0x1f8: {  	[tilespmem:s18+$0xD870] =	vst v3;
	v5 =	vld.idx.msk [tilespmem:v5+s3+$0x0], $0xffff  }
0x1f9: {  	s22 =	simm.s32 $0x6;
	v3 =	vld [tilespmem:s24+$0xB00]  }
0x1fa: {  	s13 =	sor.u32 $0x1, s22;
	v6 =	vld.idx.msk [tilespmem:v6+s3+$0x0], $0xffff  }
0x1fb: {  	s20 =	sshll.u32 s13, $0xA;
	v2 =	vld.idx.msk [tilespmem:v2+s3+$0x0], $0xffff;
	[tilespmem:s28+$0xA800] =	vst v1  }
0x1fc: {  	s20 =	sand.u32 $0x3FFFFC00, s20;
	v1 =	vld [tilespmem:s26+$0x910];
	[tilespmem:s23+$0xE810] =	vst v4  }
0x1fd: {  	[tilespmem:s17+$0xA800] =	vst v5;
	v5 =	vld [tilespmem:s20+$0x800]  }
0x1fe: {  	v4 =	vld [tilespmem:s25+$0xB20]  }
0x1ff: {  	v8 =	vld [tilespmem:s1+$0x910];
	[tilespmem:s30+$0xC810] =	vst v6  }
0x200: {  	[tilespmem:s0+$0xC810] =	vst v2;
	v6 =	vld [tilespmem:s31+$0xA20]  }
0x201: {  	v2 =	vld [tilespmem:s2+$0xA20]  }
0x202: {  	v7 =	vld.idx.msk [tilespmem:v7+s3+$0x0], $0xffff  }
0x203: {  	v3 =	vld.idx.msk [tilespmem:v3+s3+$0x0], $0xffff  }
0x204: {  	v1 =	vld.idx.msk [tilespmem:v1+s3+$0x0], $0xffff  }
0x205: {  	v5 =	vld.idx.msk [tilespmem:v5+s3+$0x0], $0xffff  }
0x206: {  	v4 =	vld.idx.msk [tilespmem:v4+s3+$0x0], $0xffff  }
0x207: {  	v8 =	vld.idx.msk [tilespmem:v8+s3+$0x0], $0xffff  }
0x208: {  	s21 =	simm.s32 $0x300;
	[tilespmem:s18+$0xE800] =	vst v3;
	v3 =	vld.idx.msk [tilespmem:v6+s3+$0x0], $0xffff  }
0x209: {  	s21 =	sand.u32 $0x3FFFFF80, s21;
	s13 =	sshll.u32 s13, $0x7;
	[tilespmem:s28+$0xA810] =	vst v1;
	v1 =	vld.idx.msk [tilespmem:v2+s3+$0x0], $0xffff  }
0x20a: {  	s22 =	sand.u32 $0x3FFFFF80, s13;
	[tilespmem:s21+$0x8800] =	vst v7;
	v2 =	vld [tilespmem:s26+$0x920]  }
0x20b: {  	v6 =	vld [tilespmem:s24+$0xB10];
	[tilespmem:s22+$0x8800] =	vst v5  }
0x20c: {  	v5 =	vld [tilespmem:s19+$0x810];
	[tilespmem:s23+$0xE820] =	vst v4  }
0x20d: {  	v7 =	vld [tilespmem:s20+$0x810];
	[tilespmem:s30+$0xC820] =	vst v3  }
0x20e: {  	v3 =	vld [tilespmem:s25+$0xB30];
	[tilespmem:s0+$0xC820] =	vst v1  }
0x20f: {  	[tilespmem:s17+$0xA810] =	vst v8;
	v8 =	vld [tilespmem:s2+$0xA30]  }
0x210: {  	v1 =	vld [tilespmem:s1+$0x920]  }
0x211: {  	v4 =	vld [tilespmem:s31+$0xA30]  }
0x212: {  	v2 =	vld.idx.msk [tilespmem:v2+s3+$0x0], $0xffff  }
0x213: {  	v6 =	vld.idx.msk [tilespmem:v6+s3+$0x0], $0xffff  }
0x214: {  	v5 =	vld.idx.msk [tilespmem:v5+s3+$0x0], $0xffff  }
0x215: {  	v7 =	vld.idx.msk [tilespmem:v7+s3+$0x0], $0xffff  }
0x216: {  	v3 =	vld.idx.msk [tilespmem:v3+s3+$0x0], $0xffff  }
0x217: {  	[tilespmem:s28+$0xA820] =	vst v2;
	v8 =	vld.idx.msk [tilespmem:v8+s3+$0x0], $0xffff  }
0x218: {  	v2 =	vld [tilespmem:s26+$0x930]  }
0x219: {  	v1 =	vld.idx.msk [tilespmem:v1+s3+$0x0], $0xffff;
	[tilespmem:s21+$0x8810] =	vst v5  }
0x21a: {  	v5 =	vld [tilespmem:s19+$0x820]  }
0x21b: {  	[tilespmem:s18+$0xE810] =	vst v6;
	v4 =	vld.idx.msk [tilespmem:v4+s3+$0x0], $0xffff  }
0x21c: {  	v6 =	vld [tilespmem:s24+$0xB20];
	[tilespmem:s22+$0x8810] =	vst v7  }
0x21d: {  	v7 =	vld [tilespmem:s20+$0x820];
	[tilespmem:s0+$0xC830] =	vst v8  }
0x21e: {  	[tilespmem:s23+$0xE830] =	vst v3;
	v3 =	vld [tilespmem:s2+$0xA40]  }
0x21f: {  	v8 =	vld [tilespmem:s25+$0xB40]  }
0x220: {  	[tilespmem:s17+$0xA820] =	vst v1;
	v1 =	vld.idx.msk [tilespmem:v2+s3+$0x0], $0xffff  }
0x221: {  	v2 =	vld [tilespmem:s1+$0x930]  }
0x222: {  	[tilespmem:s30+$0xC830] =	vst v4;
	v4 =	vld.idx.msk [tilespmem:v5+s3+$0x0], $0xffff  }
0x223: {  	v5 =	vld [tilespmem:s31+$0xA40]  }
0x224: {  	v6 =	vld.idx.msk [tilespmem:v6+s3+$0x0], $0xffff  }
0x225: {  	[tilespmem:s28+$0xA830] =	vst v1;
	v1 =	vld.idx.msk [tilespmem:v7+s3+$0x0], $0xffff  }
0x226: {  	v3 =	vld.idx.msk [tilespmem:v3+s3+$0x0], $0xffff  }
0x227: {  	v7 =	vld [tilespmem:s26+$0x940];
	[tilespmem:s21+$0x8820] =	vst v4  }
0x228: {  	v4 =	vld [tilespmem:s19+$0x830]  }
0x229: {  	v2 =	vld.idx.msk [tilespmem:v2+s3+$0x0], $0xffff  }
0x22a: {  	v8 =	vld.idx.msk [tilespmem:v8+s3+$0x0], $0xffff  }
0x22b: {  	[tilespmem:s22+$0x8820] =	vst v1;
	v1 =	vld.idx.msk [tilespmem:v5+s3+$0x0], $0xffff  }
0x22c: {  	[tilespmem:s0+$0xC840] =	vst v3;
	v5 =	vld [tilespmem:s20+$0x830]  }
0x22d: {  	[tilespmem:s18+$0xE820] =	vst v6;
	v3 =	vld [tilespmem:s2+$0xA50]  }
0x22e: {  	[tilespmem:s17+$0xA830] =	vst v2;
	v2 =	vld [tilespmem:s24+$0xB30]  }
0x22f: {  	v6 =	vld [tilespmem:s1+$0x940]  }
0x230: {  	v7 =	vld.idx.msk [tilespmem:v7+s3+$0x0], $0xffff  }
0x231: {  	[tilespmem:s23+$0xE840] =	vst v8;
	v4 =	vld.idx.msk [tilespmem:v4+s3+$0x0], $0xffff  }
0x232: {  	[tilespmem:s30+$0xC840] =	vst v1;
	v1 =	vld [tilespmem:s25+$0xB50]  }
0x233: {  	v8 =	vld [tilespmem:s31+$0xA50]  }
0x234: {  	v5 =	vld.idx.msk [tilespmem:v5+s3+$0x0], $0xffff  }
0x235: {  	v3 =	vld.idx.msk [tilespmem:v3+s3+$0x0], $0xffff;
	[tilespmem:s28+$0xA840] =	vst v7  }
0x236: {  	v7 =	vld [tilespmem:s26+$0x950]  }
0x237: {  	v2 =	vld.idx.msk [tilespmem:v2+s3+$0x0], $0xffff  }
0x238: {  	[tilespmem:s21+$0x8830] =	vst v4;
	v6 =	vld.idx.msk [tilespmem:v6+s3+$0x0], $0xffff  }
0x239: {  	v4 =	vld [tilespmem:s19+$0x840]  }
0x23a: {  	v1 =	vld.idx.msk [tilespmem:v1+s3+$0x0], $0xffff;
	[tilespmem:s22+$0x8830] =	vst v5  }
0x23b: {  	[tilespmem:s0+$0xC850] =	vst v3;
	v5 =	vld [tilespmem:s20+$0x840]  }
0x23c: {  	[tilespmem:s18+$0xE830] =	vst v2;
	v2 =	vld [tilespmem:s2+$0xA60]  }
0x23d: {  	[tilespmem:s17+$0xA840] =	vst v6;
	v6 =	vld.idx.msk [tilespmem:v8+s3+$0x0], $0xffff  }
0x23e: {  	v3 =	vld [tilespmem:s24+$0xB40]  }
0x23f: {  	v8 =	vld [tilespmem:s1+$0x950]  }
0x240: {  	v7 =	vld.idx.msk [tilespmem:v7+s3+$0x0], $0xffff  }
0x241: {  	[tilespmem:s23+$0xE850] =	vst v1;
	v4 =	vld.idx.msk [tilespmem:v4+s3+$0x0], $0xffff  }
0x242: {  	v1 =	vld [tilespmem:s25+$0xB60]  }
0x243: {  	[tilespmem:s30+$0xC850] =	vst v6;
	v5 =	vld.idx.msk [tilespmem:v5+s3+$0x0], $0xffff  }
0x244: {  	v6 =	vld [tilespmem:s31+$0xA60]  }
0x245: {  	[tilespmem:s28+$0xA850] =	vst v7;
	v2 =	vld.idx.msk [tilespmem:v2+s3+$0x0], $0xffff  }
0x246: {  	[tilespmem:s21+$0x8840] =	vst v4;
	v7 =	vld [tilespmem:s26+$0x960]  }
0x247: {  	v4 =	vld [tilespmem:s19+$0x850]  }
0x248: {  	v3 =	vld.idx.msk [tilespmem:v3+s3+$0x0], $0xffff  }
0x249: {  	v8 =	vld.idx.msk [tilespmem:v8+s3+$0x0], $0xffff  }
0x24a: {  	v1 =	vld.idx.msk [tilespmem:v1+s3+$0x0], $0xffff;
	[tilespmem:s22+$0x8840] =	vst v5  }
0x24b: {  	v5 =	vld [tilespmem:s20+$0x850];
	[tilespmem:s0+$0xC860] =	vst v2  }
0x24c: {  	v2 =	vld [tilespmem:s2+$0xA70]  }
0x24d: {  	[tilespmem:s18+$0xE840] =	vst v3;
	v6 =	vld.idx.msk [tilespmem:v6+s3+$0x0], $0xffff  }
0x24e: {  	[tilespmem:s17+$0xA850] =	vst v8;
	v3 =	vld [tilespmem:s24+$0xB50]  }
0x24f: {  	v8 =	vld [tilespmem:s1+$0x960]  }
0x250: {  	v7 =	vld.idx.msk [tilespmem:v7+s3+$0x0], $0xffff  }
0x251: {  	[tilespmem:s23+$0xE860] =	vst v1;
	v4 =	vld.idx.msk [tilespmem:v4+s3+$0x0], $0xffff  }
0x252: {  	v1 =	vld [tilespmem:s25+$0xB70]  }
0x253: {  	[tilespmem:s30+$0xC860] =	vst v6;
	v5 =	vld.idx.msk [tilespmem:v5+s3+$0x0], $0xffff  }
0x254: {  	v6 =	vld [tilespmem:s31+$0xA70]  }
0x255: {  	[tilespmem:s28+$0xA860] =	vst v7;
	v2 =	vld.idx.msk [tilespmem:v2+s3+$0x0], $0xffff  }
0x256: {  	[tilespmem:s21+$0x8850] =	vst v4;
	v7 =	vld [tilespmem:s26+$0x970]  }
0x257: {  	v4 =	vld [tilespmem:s19+$0x860]  }
0x258: {  	v8 =	vld.idx.msk [tilespmem:v8+s3+$0x0], $0xffff  }
0x259: {  	v3 =	vld.idx.msk [tilespmem:v3+s3+$0x0], $0xffff;
	[tilespmem:s22+$0x8850] =	vst v5  }
0x25a: {  	v5 =	vld [tilespmem:s20+$0x860]  }
0x25b: {  	v1 =	vld.idx.msk [tilespmem:v1+s3+$0x0], $0xffff;
	[tilespmem:s0+$0xC870] =	vst v2  }
0x25c: {  	v2 =	vld [tilespmem:s2+$0xA80]  }
0x25d: {  	[tilespmem:s17+$0xA860] =	vst v8;
	v6 =	vld.idx.msk [tilespmem:v6+s3+$0x0], $0xffff  }
0x25e: {  	v8 =	vld [tilespmem:s1+$0x970]  }
0x25f: {  	v7 =	vld.idx.msk [tilespmem:v7+s3+$0x0], $0xffff  }
0x260: {  	[tilespmem:s23+$0xE870] =	vst v1;
	v4 =	vld.idx.msk [tilespmem:v4+s3+$0x0], $0xffff  }
0x261: {  	v1 =	vld [tilespmem:s25+$0xB80]  }
0x262: {  	[tilespmem:s30+$0xC870] =	vst v6;
	v5 =	vld.idx.msk [tilespmem:v5+s3+$0x0], $0xffff  }
0x263: {  	[tilespmem:s18+$0xE850] =	vst v3;
	v6 =	vld [tilespmem:s31+$0xA80]  }
0x264: {  	[tilespmem:s28+$0xA870] =	vst v7;
	v2 =	vld.idx.msk [tilespmem:v2+s3+$0x0], $0xffff  }
0x265: {  	[tilespmem:s21+$0x8860] =	vst v4;
	v4 =	vld [tilespmem:s24+$0xB60]  }
0x266: {  	v7 =	vld [tilespmem:s26+$0x980]  }
0x267: {  	v8 =	vld.idx.msk [tilespmem:v8+s3+$0x0], $0xffff  }
0x268: {  	v3 =	vld [tilespmem:s19+$0x870]  }
0x269: {  	v1 =	vld.idx.msk [tilespmem:v1+s3+$0x0], $0xffff;
	[tilespmem:s22+$0x8860] =	vst v5  }
0x26a: {  	v5 =	vld [tilespmem:s20+$0x870];
	[tilespmem:s0+$0xD800] =	vst v2  }
0x26b: {  	v2 =	vld [tilespmem:s2+$0xA90]  }
0x26c: {  	[tilespmem:s17+$0xA870] =	vst v8;
	v6 =	vld.idx.msk [tilespmem:v6+s3+$0x0], $0xffff  }
0x26d: {  	v8 =	vld [tilespmem:s1+$0x980]  }
0x26e: {  	v4 =	vld.idx.msk [tilespmem:v4+s3+$0x0], $0xffff  }
0x26f: {  	[tilespmem:s23+$0xF800] =	vst v1;
	v7 =	vld.idx.msk [tilespmem:v7+s3+$0x0], $0xffff  }
0x270: {  	v1 =	vld [tilespmem:s25+$0xB90]  }
0x271: {  	v3 =	vld.idx.msk [tilespmem:v3+s3+$0x0], $0xffff  }
0x272: {  	[tilespmem:s30+$0xD800] =	vst v6;
	v5 =	vld.idx.msk [tilespmem:v5+s3+$0x0], $0xffff  }
0x273: {  	v6 =	vld [tilespmem:s31+$0xA90]  }
0x274: {  	[tilespmem:s28+$0xB800] =	vst v7;
	v2 =	vld.idx.msk [tilespmem:v2+s3+$0x0], $0xffff  }
0x275: {  	v7 =	vld [tilespmem:s26+$0x990]  }
0x276: {  	[tilespmem:s21+$0x8870] =	vst v3;
	v8 =	vld.idx.msk [tilespmem:v8+s3+$0x0], $0xffff  }
0x277: {  	v3 =	vld [tilespmem:s19+$0x880]  }
0x278: {  	v1 =	vld.idx.msk [tilespmem:v1+s3+$0x0], $0xffff;
	[tilespmem:s22+$0x8870] =	vst v5  }
0x279: {  	[tilespmem:s18+$0xE860] =	vst v4;
	v5 =	vld [tilespmem:s20+$0x880]  }
0x27a: {  	[tilespmem:s0+$0xD810] =	vst v2;
	v2 =	vld [tilespmem:s24+$0xB70]  }
0x27b: {  	[tilespmem:s17+$0xB800] =	vst v8;
	v8 =	vld [tilespmem:s2+$0xAA0]  }
0x27c: {  	v6 =	vld.idx.msk [tilespmem:v6+s3+$0x0], $0xffff  }
0x27d: {  	v4 =	vld [tilespmem:s1+$0x990]  }
0x27e: {  	v7 =	vld.idx.msk [tilespmem:v7+s3+$0x0], $0xffff  }
0x27f: {  	[tilespmem:s23+$0xF810] =	vst v1;
	v3 =	vld.idx.msk [tilespmem:v3+s3+$0x0], $0xffff  }
0x280: {  	v1 =	vld [tilespmem:s25+$0xBA0]  }
0x281: {  	v5 =	vld.idx.msk [tilespmem:v5+s3+$0x0], $0xffff  }
0x282: {  	[tilespmem:s30+$0xD810] =	vst v6;
	v2 =	vld.idx.msk [tilespmem:v2+s3+$0x0], $0xffff  }
0x283: {  	[tilespmem:s28+$0xB810] =	vst v7;
	v6 =	vld [tilespmem:s31+$0xAA0]  }
0x284: {  	[tilespmem:s21+$0x9800] =	vst v3;
	v7 =	vld [tilespmem:s26+$0x9A0]  }
0x285: {  	v3 =	vld [tilespmem:s19+$0x890]  }
0x286: {  	v4 =	vld.idx.msk [tilespmem:v4+s3+$0x0], $0xffff  }
0x287: {  	v8 =	vld.idx.msk [tilespmem:v8+s3+$0x0], $0xffff  }
0x288: {  	v1 =	vld.idx.msk [tilespmem:v1+s3+$0x0], $0xffff  }
0x289: {  	[tilespmem:s22+$0x9800] =	vst v5  }
0x28a: {  	[tilespmem:s18+$0xE870] =	vst v2;
	v5 =	vld [tilespmem:s20+$0x890]  }
0x28b: {  	v2 =	vld [tilespmem:s24+$0xB80];
	[tilespmem:s17+$0xB810] =	vst v4  }
0x28c: {  	[tilespmem:s0+$0xD820] =	vst v8;
	v4 =	vld [tilespmem:s1+$0x9A0]  }
0x28d: {  	[tilespmem:s23+$0xF820] =	vst v1;
	v1 =	vld [tilespmem:s2+$0xAB0]  }
0x28e: {  	v7 =	vld.idx.msk [tilespmem:v7+s3+$0x0], $0xffff  }
0x28f: {  	v3 =	vld.idx.msk [tilespmem:v3+s3+$0x0], $0xffff  }
0x290: {  	v6 =	vld.idx.msk [tilespmem:v6+s3+$0x0], $0xffff  }
0x291: {  	v8 =	vld [tilespmem:s25+$0xBB0]  }
0x292: {  	v5 =	vld.idx.msk [tilespmem:v5+s3+$0x0], $0xffff  }
0x293: {  	v2 =	vld.idx.msk [tilespmem:v2+s3+$0x0], $0xffff;
	[tilespmem:s28+$0xB820] =	vst v7  }
0x294: {  	[tilespmem:s21+$0x9810] =	vst v3;
	v7 =	vld [tilespmem:s26+$0x9B0]  }
0x295: {  	v3 =	vld [tilespmem:s19+$0x8A0]  }
0x296: {  	v4 =	vld.idx.msk [tilespmem:v4+s3+$0x0], $0xffff  }
0x297: {  	[tilespmem:s30+$0xD820] =	vst v6;
	v1 =	vld.idx.msk [tilespmem:v1+s3+$0x0], $0xffff  }
0x298: {  	v6 =	vld [tilespmem:s31+$0xAB0]  }
0x299: {  	v8 =	vld.idx.msk [tilespmem:v8+s3+$0x0], $0xffff;
	[tilespmem:s22+$0x9810] =	vst v5  }
0x29a: {  	[tilespmem:s18+$0xF800] =	vst v2;
	v5 =	vld [tilespmem:s20+$0x8A0]  }
0x29b: {  	v2 =	vld [tilespmem:s24+$0xB90];
	[tilespmem:s17+$0xB820] =	vst v4  }
0x29c: {  	[tilespmem:s0+$0xD830] =	vst v1;
	v4 =	vld [tilespmem:s1+$0x9B0]  }
0x29d: {  	v1 =	vld [tilespmem:s2+$0xAC0]  }
0x29e: {  	v7 =	vld.idx.msk [tilespmem:v7+s3+$0x0], $0xffff  }
0x29f: {  	[tilespmem:s23+$0xF830] =	vst v8;
	v3 =	vld.idx.msk [tilespmem:v3+s3+$0x0], $0xffff  }
0x2a0: {  	v8 =	vld [tilespmem:s25+$0xBC0]  }
0x2a1: {  	v6 =	vld.idx.msk [tilespmem:v6+s3+$0x0], $0xffff  }
0x2a2: {  	v5 =	vld.idx.msk [tilespmem:v5+s3+$0x0], $0xffff  }
0x2a3: {  	v2 =	vld.idx.msk [tilespmem:v2+s3+$0x0], $0xffff;
	[tilespmem:s28+$0xB830] =	vst v7  }
0x2a4: {  	[tilespmem:s21+$0x9820] =	vst v3;
	v7 =	vld [tilespmem:s26+$0x9C0]  }
0x2a5: {  	v3 =	vld [tilespmem:s19+$0x8B0]  }
0x2a6: {  	v4 =	vld.idx.msk [tilespmem:v4+s3+$0x0], $0xffff  }
0x2a7: {  	v1 =	vld.idx.msk [tilespmem:v1+s3+$0x0], $0xffff  }
0x2a8: {  	v8 =	vld.idx.msk [tilespmem:v8+s3+$0x0], $0xffff;
	[tilespmem:s22+$0x9820] =	vst v5  }
0x2a9: {  	[tilespmem:s18+$0xF810] =	vst v2;
	v5 =	vld [tilespmem:s20+$0x8B0]  }
0x2aa: {  	[tilespmem:s30+$0xD830] =	vst v6;
	v2 =	vld [tilespmem:s24+$0xBA0]  }
0x2ab: {  	v6 =	vld [tilespmem:s31+$0xAC0];
	[tilespmem:s17+$0xB830] =	vst v4  }
0x2ac: {  	v4 =	vld [tilespmem:s1+$0x9C0]  }
0x2ad: {  	[tilespmem:s0+$0xD840] =	vst v1;
	v7 =	vld.idx.msk [tilespmem:v7+s3+$0x0], $0xffff  }
0x2ae: {  	v1 =	vld [tilespmem:s2+$0xAD0]  }
0x2af: {  	[tilespmem:s23+$0xF840] =	vst v8;
	v3 =	vld.idx.msk [tilespmem:v3+s3+$0x0], $0xffff  }
0x2b0: {  	v8 =	vld [tilespmem:s25+$0xBD0]  }
0x2b1: {  	v5 =	vld.idx.msk [tilespmem:v5+s3+$0x0], $0xffff  }
0x2b2: {  	v2 =	vld.idx.msk [tilespmem:v2+s3+$0x0], $0xffff;
	[tilespmem:s28+$0xB840] =	vst v7  }
0x2b3: {  	v7 =	vld [tilespmem:s26+$0x9D0]  }
0x2b4: {  	[tilespmem:s21+$0x9830] =	vst v3;
	v4 =	vld.idx.msk [tilespmem:v4+s3+$0x0], $0xffff  }
0x2b5: {  	v3 =	vld [tilespmem:s19+$0x8C0]  }
0x2b6: {  	v1 =	vld.idx.msk [tilespmem:v1+s3+$0x0], $0xffff;
	[tilespmem:s22+$0x9830] =	vst v5  }
0x2b7: {  	[tilespmem:s18+$0xF820] =	vst v2;
	v5 =	vld [tilespmem:s20+$0x8C0]  }
0x2b8: {  	v2 =	vld [tilespmem:s24+$0xBB0]  }
0x2b9: {  	v6 =	vld.idx.msk [tilespmem:v6+s3+$0x0], $0xffff;
	[tilespmem:s17+$0xB840] =	vst v4  }
0x2ba: {  	v4 =	vld [tilespmem:s1+$0x9D0]  }
0x2bb: {  	[tilespmem:s0+$0xD850] =	vst v1;
	v7 =	vld.idx.msk [tilespmem:v7+s3+$0x0], $0xffff  }
0x2bc: {  	v1 =	vld [tilespmem:s2+$0xAE0]  }
0x2bd: {  	v3 =	vld.idx.msk [tilespmem:v3+s3+$0x0], $0xffff  }
0x2be: {  	v8 =	vld.idx.msk [tilespmem:v8+s3+$0x0], $0xffff  }
0x2bf: {  	v5 =	vld.idx.msk [tilespmem:v5+s3+$0x0], $0xffff  }
0x2c0: {  	v2 =	vld.idx.msk [tilespmem:v2+s3+$0x0], $0xffff;
	[tilespmem:s28+$0xB850] =	vst v7  }
0x2c1: {  	v7 =	vld [tilespmem:s26+$0x9E0]  }
0x2c2: {  	[tilespmem:s21+$0x9840] =	vst v3;
	v4 =	vld.idx.msk [tilespmem:v4+s3+$0x0], $0xffff  }
0x2c3: {  	v3 =	vld [tilespmem:s19+$0x8D0]  }
0x2c4: {  	v1 =	vld.idx.msk [tilespmem:v1+s3+$0x0], $0xffff;
	[tilespmem:s22+$0x9840] =	vst v5  }
0x2c5: {  	[tilespmem:s18+$0xF830] =	vst v2;
	v5 =	vld [tilespmem:s20+$0x8D0]  }
0x2c6: {  	[tilespmem:s30+$0xD840] =	vst v6;
	v2 =	vld [tilespmem:s24+$0xBC0]  }
0x2c7: {  	v6 =	vld [tilespmem:s31+$0xAD0];
	[tilespmem:s17+$0xB850] =	vst v4  }
0x2c8: {  	v4 =	vld [tilespmem:s1+$0x9E0]  }
0x2c9: {  	[tilespmem:s0+$0xD860] =	vst v1;
	v7 =	vld.idx.msk [tilespmem:v7+s3+$0x0], $0xffff  }
0x2ca: {  	v1 =	vld [tilespmem:s2+$0xAF0]  }
0x2cb: {  	[tilespmem:s23+$0xF850] =	vst v8;
	v3 =	vld.idx.msk [tilespmem:v3+s3+$0x0], $0xffff  }
0x2cc: {  	v8 =	vld [tilespmem:s25+$0xBE0]  }
0x2cd: {  	v5 =	vld.idx.msk [tilespmem:v5+s3+$0x0], $0xffff  }
0x2ce: {  	v2 =	vld.idx.msk [tilespmem:v2+s3+$0x0], $0xffff;
	[tilespmem:s28+$0xB860] =	vst v7  }
0x2cf: {  	v7 =	vld [tilespmem:s26+$0x9F0]  }
0x2d0: {  	[tilespmem:s21+$0x9850] =	vst v3;
	v4 =	vld.idx.msk [tilespmem:v4+s3+$0x0], $0xffff  }
0x2d1: {  	v3 =	vld [tilespmem:s19+$0x8E0]  }
0x2d2: {  	v1 =	vld.idx.msk [tilespmem:v1+s3+$0x0], $0xffff;
	[tilespmem:s22+$0x9850] =	vst v5  }
0x2d3: {  	[tilespmem:s18+$0xF840] =	vst v2;
	v5 =	vld [tilespmem:s20+$0x8E0]  }
0x2d4: {  	v2 =	vld [tilespmem:s24+$0xBD0]  }
0x2d5: {  	v8 =	vld.idx.msk [tilespmem:v8+s3+$0x0], $0xffff;
	[tilespmem:s17+$0xB860] =	vst v4  }
0x2d6: {  	v4 =	vld [tilespmem:s1+$0x9F0]  }
0x2d7: {  	[tilespmem:s0+$0xD870] =	vst v1;
	v1 =	vld.idx.msk [tilespmem:v6+s3+$0x0], $0xffff  }
0x2d8: {  	v6 =	vld [tilespmem:s2+$0xB00]  }
0x2d9: {  	v3 =	vld.idx.msk [tilespmem:v3+s3+$0x0], $0xffff  }
0x2da: {  	v7 =	vld.idx.msk [tilespmem:v7+s3+$0x0], $0xffff  }
0x2db: {  	v5 =	vld.idx.msk [tilespmem:v5+s3+$0x0], $0xffff  }
0x2dc: {  	[tilespmem:s30+$0xD850] =	vst v1;
	v2 =	vld.idx.msk [tilespmem:v2+s3+$0x0], $0xffff  }
0x2dd: {  	v1 =	vld [tilespmem:s31+$0xAE0]  }
0x2de: {  	[tilespmem:s21+$0x9860] =	vst v3;
	v4 =	vld.idx.msk [tilespmem:v4+s3+$0x0], $0xffff  }
0x2df: {  	[tilespmem:s28+$0xB870] =	vst v7;
	v3 =	vld [tilespmem:s19+$0x8F0]  }
0x2e0: {  	v7 =	vld [tilespmem:s26+$0xA00];
	[tilespmem:s22+$0x9860] =	vst v5  }
0x2e1: {  	[tilespmem:s18+$0xF850] =	vst v2;
	v5 =	vld [tilespmem:s20+$0x8F0]  }
0x2e2: {  	[tilespmem:s23+$0xF860] =	vst v8;
	v2 =	vld [tilespmem:s24+$0xBE0]  }
0x2e3: {  	v8 =	vld [tilespmem:s25+$0xBF0];
	[tilespmem:s17+$0xB870] =	vst v4  }
0x2e4: {  	v4 =	vld [tilespmem:s1+$0xA00]  }
0x2e5: {  	v1 =	vld.idx.msk [tilespmem:v1+s3+$0x0], $0xffff  }
0x2e6: {  	v6 =	vld.idx.msk [tilespmem:v6+s3+$0x0], $0xffff  }
0x2e7: {  	v3 =	vld.idx.msk [tilespmem:v3+s3+$0x0], $0xffff  }
0x2e8: {  	v7 =	vld.idx.msk [tilespmem:v7+s3+$0x0], $0xffff  }
0x2e9: {  	v5 =	vld.idx.msk [tilespmem:v5+s3+$0x0], $0xffff  }
0x2ea: {  	[tilespmem:s30+$0xD860] =	vst v1;
	v2 =	vld.idx.msk [tilespmem:v2+s3+$0x0], $0xffff  }
0x2eb: {  	v1 =	vld [tilespmem:s31+$0xAF0]  }
0x2ec: {  	[tilespmem:s21+$0x9870] =	vst v3;
	v4 =	vld.idx.msk [tilespmem:v4+s3+$0x0], $0xffff  }
0x2ed: {  	[tilespmem:s28+$0xC800] =	vst v7;
	v3 =	vld [tilespmem:s19+$0x900]  }
0x2ee: {  	[tilespmem:s0+$0xE800] =	vst v6;
	v7 =	vld [tilespmem:s26+$0xA10]  }
0x2ef: {  	[tilespmem:s22+$0x9870] =	vst v5;
	v5 =	vld [tilespmem:s2+$0xB10]  }
0x2f0: {  	[tilespmem:s18+$0xF860] =	vst v2;
	v9 =	vld [tilespmem:s20+$0x900]  }
0x2f1: {  	v11 =	vld [tilespmem:s24+$0xBF0];
	[tilespmem:s17+$0xC800] =	vst v4  }
0x2f2: {  	v10 =	vld [tilespmem:s1+$0xA10]  }
0x2f3: {  	v8 =	vld.idx.msk [tilespmem:v8+s3+$0x0], $0xffff  }
0x2f4: {  	v6 =	vld.idx.msk [tilespmem:v1+s3+$0x0], $0xffff  }
0x2f5: {  	v12 =	vld.idx.msk [tilespmem:v3+s3+$0x0], $0xffff  }
0x2f6: {  	v2 =	vld.idx.msk [tilespmem:v7+s3+$0x0], $0xffff  }
0x2f7: {  	v4 =	vld.idx.msk [tilespmem:v5+s3+$0x0], $0xffff  }
0x2f8: {  	v5 =	vld.idx.msk [tilespmem:v9+s3+$0x0], $0xffff  }
0x2f9: {  	[tilespmem:s23+$0xF870] =	vst v8;
	v1 =	vld.idx.msk [tilespmem:v11+s3+$0x0], $0xffff  }
0x2fa: {  	s23 =	simm.s32 $0x8;
	[tilespmem:s21+$0xA800] =	vst v12;
	v3 =	vld.idx.msk [tilespmem:v10+s3+$0x0], $0xffff  }
.LBB2_2:
0x2fb: {  	s13 =	sshll.u32 s23, $0xA;
	s25 =	sshll.u32 s23, $0x7;
	s14 =	sor.u32 $0x1, s23;
	v7 =	vld [tilespmem:s19+$0x910];
	[tilespmem:s30+$0xD870] =	vst v6  }
0x2fc: {  	s24 =	sand.u32 $0x3FFFFC00, s13;
	s13 =	sand.u32 $0x3FFFFF80, s25;
	s4 =	sshll.u32 s14, $0x7;
	v6 =	vld [tilespmem:s31+$0xB00];
	[tilespmem:s0+$0xE810] =	vst v4  }
0x2fd: {  	p1 =	slt.u32 s23, $0x1E;
	s23 =	sadd.s32 $0x2, s23;
	s14 =	sshll.u32 s14, $0xA;
	v4 =	vld [tilespmem:s24+$0x800];
	[tilespmem:s22+$0xA800] =	vst v5  }
0x2fe: {  	s25 =	sand.u32 $0x3FFFFC00, s14;
	v5 =	vld [tilespmem:s20+$0x910];
	[tilespmem:s28+$0xC810] =	vst v2  }
0x2ff: {  	v2 =	vld [tilespmem:s25+$0x800];
	[tilespmem:s17+$0xC810] =	vst v3  }
0x300: {  	v3 =	vld [tilespmem:s1+$0xA20];
	[tilespmem:s18+$0xF870] =	vst v1;
	s18 =	smov.u32 s30;
	s30 =	smov.u32 s28;
	s28 =	smov.u32 s21  }
0x301: {  	s21 =	smov.u32 s13;
	v1 =	vld [tilespmem:s2+$0xB20]  }
0x302: {  	v8 =	vld [tilespmem:s26+$0xA20]  }
0x303: {  	v7 =	vld.idx.msk [tilespmem:v7+s3+$0x0], $0xffff  }
0x304: {  	v6 =	vld.idx.msk [tilespmem:v6+s3+$0x0], $0xffff;
	_ =	sdelay $0x1  }
0x305: {  	v4 =	vld.idx.msk [tilespmem:v4+s3+$0x0], $0xffff  }
0x306: {  	v2 =	vld.idx.msk [tilespmem:v2+s3+$0x0], $0xffff  }
0x307: {  	v5 =	vld.idx.msk [tilespmem:v5+s3+$0x0], $0xffff  }
0x308: {  	[tilespmem:s28+$0xA810] =	vst v7;
	v3 =	vld.idx.msk [tilespmem:v3+s3+$0x0], $0xffff  }
0x309: {  	v7 =	vld [tilespmem:s19+$0x920];
	[tilespmem:s18+$0xE800] =	vst v6  }
0x30a: {  	v1 =	vld.idx.msk [tilespmem:v1+s3+$0x0], $0xffff  }
0x30b: {  	s13 =	sand.u32 $0x3FFFFF80, s4;
	[tilespmem:s21+$0x8800] =	vst v4;
	v4 =	vld.idx.msk [tilespmem:v8+s3+$0x0], $0xffff  }
0x30c: {  	[tilespmem:s13+$0x8800] =	vst v2;
	v2 =	vld [tilespmem:s31+$0xB10]  }
0x30d: {  	v6 =	vld [tilespmem:s24+$0x810];
	[tilespmem:s22+$0xA810] =	vst v5  }
0x30e: {  	v5 =	vld [tilespmem:s25+$0x810];
	[tilespmem:s17+$0xC820] =	vst v3  }
0x30f: {  	v3 =	vld [tilespmem:s20+$0x920]  }
0x310: {  	v8 =	vld [tilespmem:s1+$0xA30];
	[tilespmem:s0+$0xE820] =	vst v1  }
0x311: {  	v1 =	vld.idx.msk [tilespmem:v7+s3+$0x0], $0xffff;
	[tilespmem:s30+$0xC820] =	vst v4  }
0x312: {  	v4 =	vld [tilespmem:s2+$0xB30]  }
0x313: {  	v7 =	vld [tilespmem:s26+$0xA30]  }
0x314: {  	v2 =	vld.idx.msk [tilespmem:v2+s3+$0x0], $0xffff  }
0x315: {  	v6 =	vld.idx.msk [tilespmem:v6+s3+$0x0], $0xffff;
	_ =	sdelay $0x1  }
0x316: {  	v5 =	vld.idx.msk [tilespmem:v5+s3+$0x0], $0xffff;
	[tilespmem:s28+$0xA820] =	vst v1  }
0x317: {  	v1 =	vld [tilespmem:s19+$0x930]  }
0x318: {  	v3 =	vld.idx.msk [tilespmem:v3+s3+$0x0], $0xffff  }
0x319: {  	v8 =	vld.idx.msk [tilespmem:v8+s3+$0x0], $0xffff;
	[tilespmem:s18+$0xE810] =	vst v2  }
0x31a: {  	[tilespmem:s21+$0x8810] =	vst v6;
	v2 =	vld.idx.msk [tilespmem:v4+s3+$0x0], $0xffff  }
0x31b: {  	v4 =	vld [tilespmem:s24+$0x820]  }
0x31c: {  	v6 =	vld.idx.msk [tilespmem:v7+s3+$0x0], $0xffff  }
0x31d: {  	[tilespmem:s13+$0x8810] =	vst v5;
	v5 =	vld [tilespmem:s31+$0xB20]  }
0x31e: {  	v7 =	vld [tilespmem:s25+$0x820];
	[tilespmem:s22+$0xA820] =	vst v3  }
0x31f: {  	v1 =	vld.idx.msk [tilespmem:v1+s3+$0x0], $0xffff;
	[tilespmem:s17+$0xC830] =	vst v8  }
0x320: {  	v3 =	vld [tilespmem:s20+$0x930];
	[tilespmem:s0+$0xE830] =	vst v2  }
0x321: {  	v2 =	vld [tilespmem:s1+$0xA40]  }
0x322: {  	[tilespmem:s30+$0xC830] =	vst v6;
	v6 =	vld [tilespmem:s2+$0xB40]  }
0x323: {  	v4 =	vld.idx.msk [tilespmem:v4+s3+$0x0], $0xffff  }
0x324: {  	v8 =	vld [tilespmem:s26+$0xA40]  }
0x325: {  	[tilespmem:s28+$0xA830] =	vst v1;
	v1 =	vld.idx.msk [tilespmem:v5+s3+$0x0], $0xffff  }
0x326: {  	v5 =	vld.idx.msk [tilespmem:v7+s3+$0x0], $0xffff  }
0x327: {  	v7 =	vld [tilespmem:s19+$0x940]  }
0x328: {  	v3 =	vld.idx.msk [tilespmem:v3+s3+$0x0], $0xffff  }
0x329: {  	[tilespmem:s21+$0x8820] =	vst v4;
	v2 =	vld.idx.msk [tilespmem:v2+s3+$0x0], $0xffff  }
0x32a: {  	v4 =	vld [tilespmem:s24+$0x830]  }
0x32b: {  	[tilespmem:s18+$0xE820] =	vst v1;
	v1 =	vld.idx.msk [tilespmem:v6+s3+$0x0], $0xffff  }
0x32c: {  	[tilespmem:s13+$0x8820] =	vst v5;
	v5 =	vld.idx.msk [tilespmem:v8+s3+$0x0], $0xffff  }
0x32d: {  	v6 =	vld [tilespmem:s25+$0x830]  }
0x32e: {  	[tilespmem:s22+$0xA830] =	vst v3;
	v3 =	vld [tilespmem:s31+$0xB30]  }
0x32f: {  	v8 =	vld [tilespmem:s20+$0x940];
	[tilespmem:s17+$0xC840] =	vst v2  }
0x330: {  	v2 =	vld [tilespmem:s1+$0xA50]  }
0x331: {  	v7 =	vld.idx.msk [tilespmem:v7+s3+$0x0], $0xffff;
	[tilespmem:s0+$0xE840] =	vst v1  }
0x332: {  	v1 =	vld.idx.msk [tilespmem:v4+s3+$0x0], $0xffff;
	[tilespmem:s30+$0xC840] =	vst v5  }
0x333: {  	v4 =	vld [tilespmem:s2+$0xB50]  }
0x334: {  	v5 =	vld [tilespmem:s26+$0xA50]  }
0x335: {  	v6 =	vld.idx.msk [tilespmem:v6+s3+$0x0], $0xffff  }
0x336: {  	v3 =	vld.idx.msk [tilespmem:v3+s3+$0x0], $0xffff  }
0x337: {  	[tilespmem:s28+$0xA840] =	vst v7;
	v7 =	vld.idx.msk [tilespmem:v8+s3+$0x0], $0xffff  }
0x338: {  	[tilespmem:s21+$0x8830] =	vst v1;
	v1 =	vld.idx.msk [tilespmem:v2+s3+$0x0], $0xffff  }
0x339: {  	v2 =	vld [tilespmem:s24+$0x840]  }
0x33a: {  	v8 =	vld [tilespmem:s19+$0x950]  }
0x33b: {  	[tilespmem:s13+$0x8830] =	vst v6;
	v4 =	vld.idx.msk [tilespmem:v4+s3+$0x0], $0xffff  }
0x33c: {  	v6 =	vld [tilespmem:s25+$0x840];
	[tilespmem:s18+$0xE830] =	vst v3  }
0x33d: {  	[tilespmem:s22+$0xA840] =	vst v7;
	v3 =	vld.idx.msk [tilespmem:v5+s3+$0x0], $0xffff  }
0x33e: {  	v5 =	vld [tilespmem:s20+$0x950];
	[tilespmem:s17+$0xC850] =	vst v1  }
0x33f: {  	v1 =	vld [tilespmem:s1+$0xA60]  }
0x340: {  	v7 =	vld [tilespmem:s31+$0xB40]  }
0x341: {  	v2 =	vld.idx.msk [tilespmem:v2+s3+$0x0], $0xffff;
	[tilespmem:s0+$0xE850] =	vst v4  }
0x342: {  	v4 =	vld [tilespmem:s2+$0xB60]  }
0x343: {  	v8 =	vld.idx.msk [tilespmem:v8+s3+$0x0], $0xffff;
	[tilespmem:s30+$0xC850] =	vst v3  }
0x344: {  	v3 =	vld.idx.msk [tilespmem:v6+s3+$0x0], $0xffff  }
0x345: {  	v6 =	vld [tilespmem:s26+$0xA60]  }
0x346: {  	v5 =	vld.idx.msk [tilespmem:v5+s3+$0x0], $0xffff  }
0x347: {  	[tilespmem:s21+$0x8840] =	vst v2;
	v1 =	vld.idx.msk [tilespmem:v1+s3+$0x0], $0xffff  }
0x348: {  	v2 =	vld [tilespmem:s24+$0x850]  }
0x349: {  	[tilespmem:s28+$0xA850] =	vst v8;
	v7 =	vld.idx.msk [tilespmem:v7+s3+$0x0], $0xffff  }
0x34a: {  	[tilespmem:s13+$0x8840] =	vst v3;
	v3 =	vld.idx.msk [tilespmem:v4+s3+$0x0], $0xffff  }
0x34b: {  	v4 =	vld [tilespmem:s25+$0x850]  }
0x34c: {  	v8 =	vld [tilespmem:s19+$0x960];
	[tilespmem:s22+$0xA850] =	vst v5  }
0x34d: {  	v5 =	vld [tilespmem:s20+$0x960];
	[tilespmem:s17+$0xC860] =	vst v1  }
0x34e: {  	v1 =	vld [tilespmem:s1+$0xA70]  }
0x34f: {  	v6 =	vld.idx.msk [tilespmem:v6+s3+$0x0], $0xffff;
	[tilespmem:s18+$0xE840] =	vst v7  }
0x350: {  	v2 =	vld.idx.msk [tilespmem:v2+s3+$0x0], $0xffff;
	[tilespmem:s0+$0xE860] =	vst v3  }
0x351: {  	v3 =	vld [tilespmem:s2+$0xB70]  }
0x352: {  	v7 =	vld [tilespmem:s31+$0xB50]  }
0x353: {  	v4 =	vld.idx.msk [tilespmem:v4+s3+$0x0], $0xffff  }
0x354: {  	v8 =	vld.idx.msk [tilespmem:v8+s3+$0x0], $0xffff  }
0x355: {  	v5 =	vld.idx.msk [tilespmem:v5+s3+$0x0], $0xffff;
	[tilespmem:s30+$0xC860] =	vst v6  }
0x356: {  	[tilespmem:s21+$0x8850] =	vst v2;
	v1 =	vld.idx.msk [tilespmem:v1+s3+$0x0], $0xffff  }
0x357: {  	v2 =	vld [tilespmem:s24+$0x860]  }
0x358: {  	v6 =	vld [tilespmem:s26+$0xA70]  }
0x359: {  	[tilespmem:s13+$0x8850] =	vst v4;
	v3 =	vld.idx.msk [tilespmem:v3+s3+$0x0], $0xffff  }
0x35a: {  	v4 =	vld [tilespmem:s25+$0x860];
	[tilespmem:s28+$0xA860] =	vst v8  }
0x35b: {  	v8 =	vld [tilespmem:s19+$0x970];
	[tilespmem:s22+$0xA860] =	vst v5  }
0x35c: {  	v5 =	vld [tilespmem:s20+$0x970];
	[tilespmem:s17+$0xC870] =	vst v1  }
0x35d: {  	v1 =	vld [tilespmem:s1+$0xA80]  }
0x35e: {  	v7 =	vld.idx.msk [tilespmem:v7+s3+$0x0], $0xffff  }
0x35f: {  	v2 =	vld.idx.msk [tilespmem:v2+s3+$0x0], $0xffff;
	[tilespmem:s0+$0xE870] =	vst v3  }
0x360: {  	v3 =	vld [tilespmem:s2+$0xB80]  }
0x361: {  	v6 =	vld.idx.msk [tilespmem:v6+s3+$0x0], $0xffff  }
0x362: {  	v4 =	vld.idx.msk [tilespmem:v4+s3+$0x0], $0xffff  }
0x363: {  	v8 =	vld.idx.msk [tilespmem:v8+s3+$0x0], $0xffff  }
0x364: {  	v5 =	vld.idx.msk [tilespmem:v5+s3+$0x0], $0xffff;
	[tilespmem:s18+$0xE850] =	vst v7  }
0x365: {  	[tilespmem:s21+$0x8860] =	vst v2;
	v1 =	vld.idx.msk [tilespmem:v1+s3+$0x0], $0xffff  }
0x366: {  	v2 =	vld [tilespmem:s24+$0x870]  }
0x367: {  	[tilespmem:s30+$0xC870] =	vst v6;
	v6 =	vld [tilespmem:s31+$0xB60]  }
0x368: {  	[tilespmem:s13+$0x8860] =	vst v4;
	v3 =	vld.idx.msk [tilespmem:v3+s3+$0x0], $0xffff  }
0x369: {  	v4 =	vld [tilespmem:s25+$0x870];
	[tilespmem:s28+$0xA870] =	vst v8  }
0x36a: {  	v7 =	vld [tilespmem:s19+$0x980];
	[tilespmem:s22+$0xA870] =	vst v5  }
0x36b: {  	v5 =	vld [tilespmem:s20+$0x980];
	[tilespmem:s17+$0xD800] =	vst v1  }
0x36c: {  	v1 =	vld [tilespmem:s1+$0xA90]  }
0x36d: {  	v8 =	vld [tilespmem:s26+$0xA80]  }
0x36e: {  	v2 =	vld.idx.msk [tilespmem:v2+s3+$0x0], $0xffff;
	[tilespmem:s0+$0xF800] =	vst v3  }
0x36f: {  	v3 =	vld [tilespmem:s2+$0xB90]  }
0x370: {  	v6 =	vld.idx.msk [tilespmem:v6+s3+$0x0], $0xffff  }
0x371: {  	v4 =	vld.idx.msk [tilespmem:v4+s3+$0x0], $0xffff  }
0x372: {  	v7 =	vld.idx.msk [tilespmem:v7+s3+$0x0], $0xffff  }
0x373: {  	v5 =	vld.idx.msk [tilespmem:v5+s3+$0x0], $0xffff  }
0x374: {  	[tilespmem:s21+$0x8870] =	vst v2;
	v1 =	vld.idx.msk [tilespmem:v1+s3+$0x0], $0xffff  }
0x375: {  	v2 =	vld [tilespmem:s24+$0x880]  }
0x376: {  	v8 =	vld.idx.msk [tilespmem:v8+s3+$0x0], $0xffff;
	[tilespmem:s18+$0xE860] =	vst v6  }
0x377: {  	[tilespmem:s13+$0x8870] =	vst v4;
	v3 =	vld.idx.msk [tilespmem:v3+s3+$0x0], $0xffff  }
0x378: {  	v4 =	vld [tilespmem:s25+$0x880];
	[tilespmem:s28+$0xB800] =	vst v7  }
0x379: {  	v6 =	vld [tilespmem:s19+$0x990];
	[tilespmem:s22+$0xB800] =	vst v5  }
0x37a: {  	v5 =	vld [tilespmem:s20+$0x990];
	[tilespmem:s17+$0xD810] =	vst v1  }
0x37b: {  	v1 =	vld [tilespmem:s31+$0xB70]  }
0x37c: {  	[tilespmem:s30+$0xD800] =	vst v8;
	v7 =	vld [tilespmem:s1+$0xAA0]  }
0x37d: {  	v2 =	vld.idx.msk [tilespmem:v2+s3+$0x0], $0xffff;
	[tilespmem:s0+$0xF810] =	vst v3  }
0x37e: {  	v3 =	vld [tilespmem:s2+$0xBA0]  }
0x37f: {  	v8 =	vld [tilespmem:s26+$0xA90]  }
0x380: {  	v4 =	vld.idx.msk [tilespmem:v4+s3+$0x0], $0xffff  }
0x381: {  	v6 =	vld.idx.msk [tilespmem:v6+s3+$0x0], $0xffff  }
0x382: {  	v5 =	vld.idx.msk [tilespmem:v5+s3+$0x0], $0xffff  }
0x383: {  	[tilespmem:s21+$0x9800] =	vst v2;
	v1 =	vld.idx.msk [tilespmem:v1+s3+$0x0], $0xffff  }
0x384: {  	v2 =	vld [tilespmem:s24+$0x890]  }
0x385: {  	v7 =	vld.idx.msk [tilespmem:v7+s3+$0x0], $0xffff  }
0x386: {  	[tilespmem:s13+$0x9800] =	vst v4;
	v3 =	vld.idx.msk [tilespmem:v3+s3+$0x0], $0xffff  }
0x387: {  	v4 =	vld [tilespmem:s25+$0x890];
	[tilespmem:s28+$0xB810] =	vst v6  }
0x388: {  	v6 =	vld [tilespmem:s19+$0x9A0];
	[tilespmem:s22+$0xB810] =	vst v5  }
0x389: {  	v5 =	vld [tilespmem:s20+$0x9A0];
	[tilespmem:s18+$0xE870] =	vst v1  }
0x38a: {  	v1 =	vld [tilespmem:s31+$0xB80]  }
0x38b: {  	v8 =	vld.idx.msk [tilespmem:v8+s3+$0x0], $0xffff;
	[tilespmem:s17+$0xD820] =	vst v7  }
0x38c: {  	v2 =	vld.idx.msk [tilespmem:v2+s3+$0x0], $0xffff;
	[tilespmem:s0+$0xF820] =	vst v3  }
0x38d: {  	v3 =	vld [tilespmem:s1+$0xAB0]  }
0x38e: {  	v7 =	vld [tilespmem:s2+$0xBB0]  }
0x38f: {  	v4 =	vld.idx.msk [tilespmem:v4+s3+$0x0], $0xffff  }
0x390: {  	v6 =	vld.idx.msk [tilespmem:v6+s3+$0x0], $0xffff  }
0x391: {  	v5 =	vld.idx.msk [tilespmem:v5+s3+$0x0], $0xffff;
	[tilespmem:s30+$0xD810] =	vst v8  }
0x392: {  	[tilespmem:s21+$0x9810] =	vst v2;
	v1 =	vld.idx.msk [tilespmem:v1+s3+$0x0], $0xffff  }
0x393: {  	v2 =	vld [tilespmem:s24+$0x8A0]  }
0x394: {  	v8 =	vld [tilespmem:s26+$0xAA0]  }
0x395: {  	[tilespmem:s13+$0x9810] =	vst v4;
	v3 =	vld.idx.msk [tilespmem:v3+s3+$0x0], $0xffff  }
0x396: {  	v4 =	vld [tilespmem:s25+$0x8A0];
	[tilespmem:s28+$0xB820] =	vst v6  }
0x397: {  	v6 =	vld [tilespmem:s19+$0x9B0];
	[tilespmem:s22+$0xB820] =	vst v5  }
0x398: {  	v5 =	vld [tilespmem:s20+$0x9B0];
	[tilespmem:s18+$0xF800] =	vst v1  }
0x399: {  	v1 =	vld [tilespmem:s31+$0xB90]  }
0x39a: {  	v7 =	vld.idx.msk [tilespmem:v7+s3+$0x0], $0xffff  }
0x39b: {  	v2 =	vld.idx.msk [tilespmem:v2+s3+$0x0], $0xffff;
	[tilespmem:s17+$0xD830] =	vst v3  }
0x39c: {  	v3 =	vld [tilespmem:s1+$0xAC0]  }
0x39d: {  	v8 =	vld.idx.msk [tilespmem:v8+s3+$0x0], $0xffff  }
0x39e: {  	v4 =	vld.idx.msk [tilespmem:v4+s3+$0x0], $0xffff  }
0x39f: {  	v6 =	vld.idx.msk [tilespmem:v6+s3+$0x0], $0xffff  }
0x3a0: {  	v5 =	vld.idx.msk [tilespmem:v5+s3+$0x0], $0xffff;
	[tilespmem:s0+$0xF830] =	vst v7  }
0x3a1: {  	[tilespmem:s21+$0x9820] =	vst v2;
	v1 =	vld.idx.msk [tilespmem:v1+s3+$0x0], $0xffff  }
0x3a2: {  	v2 =	vld [tilespmem:s24+$0x8B0]  }
0x3a3: {  	[tilespmem:s30+$0xD820] =	vst v8;
	v7 =	vld [tilespmem:s2+$0xBC0]  }
0x3a4: {  	[tilespmem:s13+$0x9820] =	vst v4;
	v3 =	vld.idx.msk [tilespmem:v3+s3+$0x0], $0xffff  }
0x3a5: {  	v4 =	vld [tilespmem:s25+$0x8B0];
	[tilespmem:s28+$0xB830] =	vst v6  }
0x3a6: {  	v6 =	vld [tilespmem:s19+$0x9C0];
	[tilespmem:s22+$0xB830] =	vst v5  }
0x3a7: {  	v5 =	vld [tilespmem:s20+$0x9C0];
	[tilespmem:s18+$0xF810] =	vst v1  }
0x3a8: {  	v1 =	vld [tilespmem:s31+$0xBA0]  }
0x3a9: {  	v8 =	vld [tilespmem:s26+$0xAB0]  }
0x3aa: {  	v2 =	vld.idx.msk [tilespmem:v2+s3+$0x0], $0xffff;
	[tilespmem:s17+$0xD840] =	vst v3  }
0x3ab: {  	v3 =	vld [tilespmem:s1+$0xAD0]  }
0x3ac: {  	v7 =	vld.idx.msk [tilespmem:v7+s3+$0x0], $0xffff  }
0x3ad: {  	v4 =	vld.idx.msk [tilespmem:v4+s3+$0x0], $0xffff  }
0x3ae: {  	v6 =	vld.idx.msk [tilespmem:v6+s3+$0x0], $0xffff  }
0x3af: {  	v5 =	vld.idx.msk [tilespmem:v5+s3+$0x0], $0xffff  }
0x3b0: {  	[tilespmem:s21+$0x9830] =	vst v2;
	v1 =	vld.idx.msk [tilespmem:v1+s3+$0x0], $0xffff  }
0x3b1: {  	v2 =	vld [tilespmem:s24+$0x8C0]  }
0x3b2: {  	v8 =	vld.idx.msk [tilespmem:v8+s3+$0x0], $0xffff;
	[tilespmem:s0+$0xF840] =	vst v7  }
0x3b3: {  	[tilespmem:s13+$0x9830] =	vst v4;
	v3 =	vld.idx.msk [tilespmem:v3+s3+$0x0], $0xffff  }
0x3b4: {  	v4 =	vld [tilespmem:s25+$0x8C0];
	[tilespmem:s28+$0xB840] =	vst v6  }
0x3b5: {  	v6 =	vld [tilespmem:s19+$0x9D0];
	[tilespmem:s22+$0xB840] =	vst v5  }
0x3b6: {  	v5 =	vld [tilespmem:s20+$0x9D0];
	[tilespmem:s18+$0xF820] =	vst v1  }
0x3b7: {  	v1 =	vld [tilespmem:s31+$0xBB0]  }
0x3b8: {  	[tilespmem:s30+$0xD830] =	vst v8;
	v7 =	vld [tilespmem:s2+$0xBD0]  }
0x3b9: {  	v2 =	vld.idx.msk [tilespmem:v2+s3+$0x0], $0xffff;
	[tilespmem:s17+$0xD850] =	vst v3  }
0x3ba: {  	v3 =	vld [tilespmem:s1+$0xAE0]  }
0x3bb: {  	v8 =	vld [tilespmem:s26+$0xAC0]  }
0x3bc: {  	v4 =	vld.idx.msk [tilespmem:v4+s3+$0x0], $0xffff  }
0x3bd: {  	v6 =	vld.idx.msk [tilespmem:v6+s3+$0x0], $0xffff  }
0x3be: {  	v5 =	vld.idx.msk [tilespmem:v5+s3+$0x0], $0xffff  }
0x3bf: {  	[tilespmem:s21+$0x9840] =	vst v2;
	v1 =	vld.idx.msk [tilespmem:v1+s3+$0x0], $0xffff  }
0x3c0: {  	v2 =	vld [tilespmem:s24+$0x8D0]  }
0x3c1: {  	v7 =	vld.idx.msk [tilespmem:v7+s3+$0x0], $0xffff  }
0x3c2: {  	[tilespmem:s13+$0x9840] =	vst v4;
	v3 =	vld.idx.msk [tilespmem:v3+s3+$0x0], $0xffff  }
0x3c3: {  	v4 =	vld [tilespmem:s25+$0x8D0];
	[tilespmem:s28+$0xB850] =	vst v6  }
0x3c4: {  	v6 =	vld [tilespmem:s19+$0x9E0];
	[tilespmem:s22+$0xB850] =	vst v5  }
0x3c5: {  	v5 =	vld [tilespmem:s20+$0x9E0];
	[tilespmem:s18+$0xF830] =	vst v1  }
0x3c6: {  	v1 =	vld [tilespmem:s31+$0xBC0]  }
0x3c7: {  	v8 =	vld.idx.msk [tilespmem:v8+s3+$0x0], $0xffff;
	[tilespmem:s0+$0xF850] =	vst v7  }
0x3c8: {  	v2 =	vld.idx.msk [tilespmem:v2+s3+$0x0], $0xffff;
	[tilespmem:s17+$0xD860] =	vst v3  }
0x3c9: {  	v3 =	vld [tilespmem:s1+$0xAF0]  }
0x3ca: {  	v7 =	vld [tilespmem:s2+$0xBE0]  }
0x3cb: {  	v4 =	vld.idx.msk [tilespmem:v4+s3+$0x0], $0xffff  }
0x3cc: {  	v6 =	vld.idx.msk [tilespmem:v6+s3+$0x0], $0xffff  }
0x3cd: {  	v5 =	vld.idx.msk [tilespmem:v5+s3+$0x0], $0xffff;
	[tilespmem:s30+$0xD840] =	vst v8  }
0x3ce: {  	[tilespmem:s21+$0x9850] =	vst v2;
	v1 =	vld.idx.msk [tilespmem:v1+s3+$0x0], $0xffff  }
0x3cf: {  	v2 =	vld [tilespmem:s24+$0x8E0]  }
0x3d0: {  	v8 =	vld [tilespmem:s26+$0xAD0]  }
0x3d1: {  	[tilespmem:s13+$0x9850] =	vst v4;
	v3 =	vld.idx.msk [tilespmem:v3+s3+$0x0], $0xffff  }
0x3d2: {  	v4 =	vld [tilespmem:s25+$0x8E0];
	[tilespmem:s28+$0xB860] =	vst v6  }
0x3d3: {  	v6 =	vld [tilespmem:s19+$0x9F0];
	[tilespmem:s22+$0xB860] =	vst v5  }
0x3d4: {  	v5 =	vld [tilespmem:s20+$0x9F0];
	[tilespmem:s18+$0xF840] =	vst v1  }
0x3d5: {  	v1 =	vld [tilespmem:s31+$0xBD0]  }
0x3d6: {  	v7 =	vld.idx.msk [tilespmem:v7+s3+$0x0], $0xffff  }
0x3d7: {  	v2 =	vld.idx.msk [tilespmem:v2+s3+$0x0], $0xffff;
	[tilespmem:s17+$0xD870] =	vst v3  }
0x3d8: {  	v3 =	vld.idx.msk [tilespmem:v8+s3+$0x0], $0xffff  }
0x3d9: {  	v8 =	vld [tilespmem:s1+$0xB00]  }
0x3da: {  	v4 =	vld.idx.msk [tilespmem:v4+s3+$0x0], $0xffff  }
0x3db: {  	v6 =	vld.idx.msk [tilespmem:v6+s3+$0x0], $0xffff  }
0x3dc: {  	v5 =	vld.idx.msk [tilespmem:v5+s3+$0x0], $0xffff;
	[tilespmem:s0+$0xF860] =	vst v7  }
0x3dd: {  	[tilespmem:s21+$0x9860] =	vst v2;
	v1 =	vld.idx.msk [tilespmem:v1+s3+$0x0], $0xffff  }
0x3de: {  	v2 =	vld [tilespmem:s24+$0x8F0];
	[tilespmem:s30+$0xD850] =	vst v3  }
0x3df: {  	v3 =	vld [tilespmem:s26+$0xAE0]  }
0x3e0: {  	[tilespmem:s13+$0x9860] =	vst v4;
	v4 =	vld [tilespmem:s2+$0xBF0];
	s2 =	smov.u32 s1;
	s1 =	smov.u32 s20;
	s20 =	smov.u32 s25  }
0x3e1: {  	v7 =	vld [tilespmem:s20+$0x8F0];
	[tilespmem:s28+$0xB870] =	vst v6  }
0x3e2: {  	v6 =	vld [tilespmem:s19+$0xA00];
	[tilespmem:s22+$0xB870] =	vst v5  }
0x3e3: {  	v5 =	vld [tilespmem:s1+$0xA00];
	[tilespmem:s18+$0xF850] =	vst v1  }
0x3e4: {  	v1 =	vld [tilespmem:s31+$0xBE0]  }
0x3e5: {  	v8 =	vld.idx.msk [tilespmem:v8+s3+$0x0], $0xffff  }
0x3e6: {  	v2 =	vld.idx.msk [tilespmem:v2+s3+$0x0], $0xffff  }
0x3e7: {  	v3 =	vld.idx.msk [tilespmem:v3+s3+$0x0], $0xffff  }
0x3e8: {  	v4 =	vld.idx.msk [tilespmem:v4+s3+$0x0], $0xffff  }
0x3e9: {  	v7 =	vld.idx.msk [tilespmem:v7+s3+$0x0], $0xffff  }
0x3ea: {  	v6 =	vld.idx.msk [tilespmem:v6+s3+$0x0], $0xffff  }
0x3eb: {  	v5 =	vld.idx.msk [tilespmem:v5+s3+$0x0], $0xffff;
	[tilespmem:s17+$0xE800] =	vst v8  }
0x3ec: {  	[tilespmem:s21+$0x9870] =	vst v2;
	v1 =	vld.idx.msk [tilespmem:v1+s3+$0x0], $0xffff  }
0x3ed: {  	v2 =	vld [tilespmem:s24+$0x900];
	[tilespmem:s30+$0xD860] =	vst v3  }
0x3ee: {  	v3 =	vld [tilespmem:s26+$0xAF0];
	[tilespmem:s0+$0xF870] =	vst v4;
	s0 =	smov.u32 s17;
	s17 =	smov.u32 s22;
	s22 =	smov.u32 s13  }
0x3ef: {  	[tilespmem:s22+$0x9870] =	vst v7;
	v4 =	vld [tilespmem:s2+$0xB10]  }
0x3f0: {  	v7 =	vld [tilespmem:s20+$0x900];
	[tilespmem:s28+$0xC800] =	vst v6  }
0x3f1: {  	v8 =	vld [tilespmem:s19+$0xA10];
	[tilespmem:s17+$0xC800] =	vst v5  }
0x3f2: {  	v9 =	vld [tilespmem:s1+$0xA10];
	[tilespmem:s18+$0xF860] =	vst v1  }
0x3f3: {  	v1 =	vld [tilespmem:s31+$0xBF0];
	s31 =	smov.u32 s26;
	s26 =	smov.u32 s19;
	s19 =	smov.u32 s24  }
0x3f4: {  	_ = 	snop  }
0x3f5: {  	v10 =	vld.idx.msk [tilespmem:v2+s3+$0x0], $0xffff  }
0x3f6: {  	v6 =	vld.idx.msk [tilespmem:v3+s3+$0x0], $0xffff  }
.Ltmp2:
0x3f7: {  	v4 =	vld.idx.msk [tilespmem:v4+s3+$0x0], $0xffff;
	(pc) =	sbr.rel @p1 .LBB2_2-.Ltmp2, $4  }
0x3f8: {  	v5 =	vld.idx.msk [tilespmem:v7+s3+$0x0], $0xffff  }
0x3f9: {  	v2 =	vld.idx.msk [tilespmem:v8+s3+$0x0], $0xffff  }
0x3fa: {  	v3 =	vld.idx.msk [tilespmem:v9+s3+$0x0], $0xffff  }
0x3fb: {  	[tilespmem:s21+$0xA800] =	vst v10;
	v1 =	vld.idx.msk [tilespmem:v1+s3+$0x0], $0xffff  }
0x3fc: {  	_ = 	snop  }
0x3fd: {  	v7 =	vld [tilespmem:s19+$0x910];
	[tilespmem:s22+$0xA800] =	vst v5  }
0x3fe: {  	[tilespmem:s30+$0xD870] =	vst v6;
	v5 =	vld [tilespmem:s20+$0x910]  }
0x3ff: {  	[tilespmem:s0+$0xE810] =	vst v4;
	v6 =	vld [tilespmem:s31+$0xB00]  }
0x400: {  	v4 =	vld [tilespmem:s2+$0xB20];
	[tilespmem:s28+$0xC810] =	vst v2  }
0x401: {  	[tilespmem:s17+$0xC810] =	vst v3;
	v55 =	vld [tilespmem:s26+$0xA20]  }
0x402: {  	v3 =	vld [tilespmem:s1+$0xA20];
	_ =	sdelay $0x2  }
0x403: {  	v2 =	vld.idx.msk [tilespmem:v7+s3+$0x0], $0xffff  }
0x404: {  	v5 =	vld.idx.msk [tilespmem:v5+s3+$0x0], $0xffff  }
0x405: {  	v6 =	vld.idx.msk [tilespmem:v6+s3+$0x0], $0xffff  }
0x406: {  	v4 =	vld.idx.msk [tilespmem:v4+s3+$0x0], $0xffff  }
0x407: {  	v56 =	vld.idx.msk [tilespmem:v55+s3+$0x0], $0xffff  }
0x408: {  	[tilespmem:s21+$0xA810] =	vst v2;
	v2 =	vld.idx.msk [tilespmem:v3+s3+$0x0], $0xffff  }
0x409: {  	v3 =	vld [tilespmem:s19+$0x920];
	[tilespmem:s22+$0xA810] =	vst v5  }
0x40a: {  	[tilespmem:s30+$0xE800] =	vst v6;
	v5 =	vld [tilespmem:s20+$0x920]  }
0x40b: {  	[tilespmem:s0+$0xE820] =	vst v4;
	v57 =	vld [tilespmem:s31+$0xB10]  }
0x40c: {  	v4 =	vld [tilespmem:s2+$0xB30];
	[tilespmem:s28+$0xC820] =	vst v56  }
0x40d: {  	v6 =	vld [tilespmem:s26+$0xA30];
	[tilespmem:s17+$0xC820] =	vst v2  }
0x40e: {  	v2 =	vld [tilespmem:s1+$0xA30];
	_ =	sdelay $0x2  }
0x40f: {  	v3 =	vld.idx.msk [tilespmem:v3+s3+$0x0], $0xffff  }
0x410: {  	v5 =	vld.idx.msk [tilespmem:v5+s3+$0x0], $0xffff  }
0x411: {  	v7 =	vld.idx.msk [tilespmem:v57+s3+$0x0], $0xffff  }
0x412: {  	v4 =	vld.idx.msk [tilespmem:v4+s3+$0x0], $0xffff  }
0x413: {  	v6 =	vld.idx.msk [tilespmem:v6+s3+$0x0], $0xffff  }
0x414: {  	[tilespmem:s21+$0xA820] =	vst v3;
	v2 =	vld.idx.msk [tilespmem:v2+s3+$0x0], $0xffff  }
0x415: {  	v3 =	vld [tilespmem:s19+$0x930];
	[tilespmem:s22+$0xA820] =	vst v5  }
0x416: {  	v5 =	vld [tilespmem:s20+$0x930]  }
0x417: {  	[tilespmem:s30+$0xE810] =	vst v7  }
0x418: {  	[tilespmem:s0+$0xE830] =	vst v4;
	v7 =	vld [tilespmem:s31+$0xB20]  }
0x419: {  	v4 =	vld [tilespmem:s2+$0xB40];
	[tilespmem:s17+$0xC830] =	vst v2  }
0x41a: {  	v2 =	vld [tilespmem:s1+$0xA40]  }
0x41b: {  	[tilespmem:s28+$0xC830] =	vst v6  }
0x41c: {  	v6 =	vld [tilespmem:s26+$0xA40]  }
0x41d: {  	v3 =	vld.idx.msk [tilespmem:v3+s3+$0x0], $0xffff  }
0x41e: {  	v5 =	vld.idx.msk [tilespmem:v5+s3+$0x0], $0xffff;
	_ =	sdelay $0x1  }
0x41f: {  	v7 =	vld.idx.msk [tilespmem:v7+s3+$0x0], $0xffff  }
0x420: {  	v4 =	vld.idx.msk [tilespmem:v4+s3+$0x0], $0xffff  }
0x421: {  	[tilespmem:s21+$0xA830] =	vst v3;
	v2 =	vld.idx.msk [tilespmem:v2+s3+$0x0], $0xffff  }
0x422: {  	v3 =	vld [tilespmem:s19+$0x940];
	[tilespmem:s22+$0xA830] =	vst v5  }
0x423: {  	v5 =	vld [tilespmem:s20+$0x940]  }
0x424: {  	v6 =	vld.idx.msk [tilespmem:v6+s3+$0x0], $0xffff;
	[tilespmem:s30+$0xE820] =	vst v7  }
0x425: {  	[tilespmem:s0+$0xE840] =	vst v4;
	v7 =	vld [tilespmem:s31+$0xB30]  }
0x426: {  	v4 =	vld [tilespmem:s2+$0xB50];
	[tilespmem:s17+$0xC840] =	vst v2  }
0x427: {  	v2 =	vld [tilespmem:s1+$0xA50];
	_ =	sdelay $0x2  }
0x428: {  	v3 =	vld.idx.msk [tilespmem:v3+s3+$0x0], $0xffff  }
0x429: {  	[tilespmem:s28+$0xC840] =	vst v6;
	v5 =	vld.idx.msk [tilespmem:v5+s3+$0x0], $0xffff  }
0x42a: {  	v6 =	vld [tilespmem:s26+$0xA50]  }
0x42b: {  	v7 =	vld.idx.msk [tilespmem:v7+s3+$0x0], $0xffff  }
0x42c: {  	v4 =	vld.idx.msk [tilespmem:v4+s3+$0x0], $0xffff  }
0x42d: {  	[tilespmem:s21+$0xA840] =	vst v3;
	v2 =	vld.idx.msk [tilespmem:v2+s3+$0x0], $0xffff  }
0x42e: {  	v3 =	vld [tilespmem:s19+$0x950];
	[tilespmem:s22+$0xA840] =	vst v5  }
0x42f: {  	v5 =	vld [tilespmem:s20+$0x950];
	_ =	sdelay $0x1  }
0x430: {  	[tilespmem:s18+$0xF870] =	vst v1  }
0x431: {  	v6 =	vld.idx.msk [tilespmem:v6+s3+$0x0], $0xffff;
	[tilespmem:s0+$0xE850] =	vst v4  }
0x432: {  	[tilespmem:s30+$0xE830] =	vst v7;
	v1 =	vld [tilespmem:s2+$0xB60]  }
0x433: {  	[tilespmem:s17+$0xC850] =	vst v2;
	v2 =	vld [tilespmem:s31+$0xB40]  }
0x434: {  	v58 =	vld [tilespmem:s1+$0xA60]  }
0x435: {  	v3 =	vld.idx.msk [tilespmem:v3+s3+$0x0], $0xffff  }
0x436: {  	v59 =	vld.idx.msk [tilespmem:v5+s3+$0x0], $0xffff;
	_ =	sdelay $0x3  }
0x437: {  	[tilespmem:s21+$0xA850] =	vst v3  }
0x438: {  	v60 =	vld [tilespmem:s19+$0x960];
	[tilespmem:s22+$0xA850] =	vst v59  }
0x439: {  	v3 =	vld [tilespmem:s20+$0x960];
	_ =	sdelay $0x6  }
0x43a: {  	v4 =	vld.idx.msk [tilespmem:v60+s3+$0x0], $0xffff  }
0x43b: {  	v3 =	vld.idx.msk [tilespmem:v3+s3+$0x0], $0xffff;
	_ =	sdelay $0x3  }
0x43c: {  	[tilespmem:s21+$0xA860] =	vst v4  }
0x43d: {  	v4 =	vld [tilespmem:s19+$0x970];
	[tilespmem:s22+$0xA860] =	vst v3  }
0x43e: {  	v3 =	vld [tilespmem:s20+$0x970];
	_ =	sdelay $0x6  }
0x43f: {  	v4 =	vld.idx.msk [tilespmem:v4+s3+$0x0], $0xffff  }
0x440: {  	v3 =	vld.idx.msk [tilespmem:v3+s3+$0x0], $0xffff;
	_ =	sdelay $0x3  }
0x441: {  	[tilespmem:s21+$0xA870] =	vst v4  }
0x442: {  	v4 =	vld [tilespmem:s19+$0x980];
	[tilespmem:s22+$0xA870] =	vst v3  }
0x443: {  	v3 =	vld [tilespmem:s20+$0x980];
	_ =	sdelay $0x6  }
0x444: {  	v4 =	vld.idx.msk [tilespmem:v4+s3+$0x0], $0xffff  }
0x445: {  	v3 =	vld.idx.msk [tilespmem:v3+s3+$0x0], $0xffff;
	_ =	sdelay $0x3  }
0x446: {  	[tilespmem:s21+$0xB800] =	vst v4  }
0x447: {  	v4 =	vld [tilespmem:s19+$0x990];
	[tilespmem:s22+$0xB800] =	vst v3  }
0x448: {  	v3 =	vld [tilespmem:s20+$0x990];
	_ =	sdelay $0x6  }
0x449: {  	v4 =	vld.idx.msk [tilespmem:v4+s3+$0x0], $0xffff  }
0x44a: {  	v3 =	vld.idx.msk [tilespmem:v3+s3+$0x0], $0xffff;
	_ =	sdelay $0x3  }
0x44b: {  	[tilespmem:s21+$0xB810] =	vst v4  }
0x44c: {  	v4 =	vld [tilespmem:s19+$0x9A0];
	[tilespmem:s22+$0xB810] =	vst v3  }
0x44d: {  	v3 =	vld [tilespmem:s20+$0x9A0];
	_ =	sdelay $0x6  }
0x44e: {  	v4 =	vld.idx.msk [tilespmem:v4+s3+$0x0], $0xffff  }
0x44f: {  	v3 =	vld.idx.msk [tilespmem:v3+s3+$0x0], $0xffff;
	_ =	sdelay $0x3  }
0x450: {  	[tilespmem:s21+$0xB820] =	vst v4  }
0x451: {  	v4 =	vld [tilespmem:s19+$0x9B0];
	[tilespmem:s22+$0xB820] =	vst v3  }
0x452: {  	v3 =	vld [tilespmem:s20+$0x9B0];
	_ =	sdelay $0x6  }
0x453: {  	v4 =	vld.idx.msk [tilespmem:v4+s3+$0x0], $0xffff  }
0x454: {  	v3 =	vld.idx.msk [tilespmem:v3+s3+$0x0], $0xffff;
	_ =	sdelay $0x3  }
0x455: {  	[tilespmem:s21+$0xB830] =	vst v4  }
0x456: {  	v4 =	vld [tilespmem:s19+$0x9C0];
	[tilespmem:s22+$0xB830] =	vst v3  }
0x457: {  	v3 =	vld [tilespmem:s20+$0x9C0];
	_ =	sdelay $0x6  }
0x458: {  	v4 =	vld.idx.msk [tilespmem:v4+s3+$0x0], $0xffff  }
0x459: {  	v3 =	vld.idx.msk [tilespmem:v3+s3+$0x0], $0xffff;
	_ =	sdelay $0x3  }
0x45a: {  	[tilespmem:s21+$0xB840] =	vst v4  }
0x45b: {  	v4 =	vld [tilespmem:s19+$0x9D0];
	[tilespmem:s22+$0xB840] =	vst v3  }
0x45c: {  	v3 =	vld [tilespmem:s20+$0x9D0];
	_ =	sdelay $0x6  }
0x45d: {  	v4 =	vld.idx.msk [tilespmem:v4+s3+$0x0], $0xffff  }
0x45e: {  	v3 =	vld.idx.msk [tilespmem:v3+s3+$0x0], $0xffff;
	_ =	sdelay $0x3  }
0x45f: {  	[tilespmem:s21+$0xB850] =	vst v4  }
0x460: {  	v4 =	vld [tilespmem:s19+$0x9E0];
	[tilespmem:s22+$0xB850] =	vst v3  }
0x461: {  	v3 =	vld [tilespmem:s20+$0x9E0];
	_ =	sdelay $0x6  }
0x462: {  	v4 =	vld.idx.msk [tilespmem:v4+s3+$0x0], $0xffff  }
0x463: {  	v3 =	vld.idx.msk [tilespmem:v3+s3+$0x0], $0xffff;
	_ =	sdelay $0x3  }
0x464: {  	[tilespmem:s21+$0xB860] =	vst v4  }
0x465: {  	v4 =	vld [tilespmem:s19+$0x9F0];
	[tilespmem:s22+$0xB860] =	vst v3  }
0x466: {  	v3 =	vld [tilespmem:s20+$0x9F0];
	_ =	sdelay $0x6  }
0x467: {  	v4 =	vld.idx.msk [tilespmem:v4+s3+$0x0], $0xffff  }
0x468: {  	v3 =	vld.idx.msk [tilespmem:v3+s3+$0x0], $0xffff;
	_ =	sdelay $0x3  }
0x469: {  	[tilespmem:s21+$0xB870] =	vst v4  }
0x46a: {  	v4 =	vld [tilespmem:s19+$0xA00];
	[tilespmem:s22+$0xB870] =	vst v3  }
0x46b: {  	v3 =	vld [tilespmem:s20+$0xA00];
	_ =	sdelay $0x6  }
0x46c: {  	v4 =	vld.idx.msk [tilespmem:v4+s3+$0x0], $0xffff  }
0x46d: {  	v3 =	vld.idx.msk [tilespmem:v3+s3+$0x0], $0xffff;
	_ =	sdelay $0x3  }
0x46e: {  	[tilespmem:s21+$0xC800] =	vst v4  }
0x46f: {  	v4 =	vld [tilespmem:s19+$0xA10];
	[tilespmem:s22+$0xC800] =	vst v3  }
0x470: {  	v3 =	vld [tilespmem:s20+$0xA10];
	_ =	sdelay $0x6  }
0x471: {  	v4 =	vld.idx.msk [tilespmem:v4+s3+$0x0], $0xffff  }
0x472: {  	v3 =	vld.idx.msk [tilespmem:v3+s3+$0x0], $0xffff;
	_ =	sdelay $0x3  }
0x473: {  	[tilespmem:s21+$0xC810] =	vst v4  }
0x474: {  	v4 =	vld [tilespmem:s19+$0xA20];
	[tilespmem:s22+$0xC810] =	vst v3  }
0x475: {  	v3 =	vld [tilespmem:s20+$0xA20];
	_ =	sdelay $0x6  }
0x476: {  	v4 =	vld.idx.msk [tilespmem:v4+s3+$0x0], $0xffff  }
0x477: {  	v3 =	vld.idx.msk [tilespmem:v3+s3+$0x0], $0xffff;
	_ =	sdelay $0x3  }
0x478: {  	[tilespmem:s21+$0xC820] =	vst v4  }
0x479: {  	v4 =	vld [tilespmem:s19+$0xA30];
	[tilespmem:s22+$0xC820] =	vst v3  }
0x47a: {  	v3 =	vld [tilespmem:s20+$0xA30];
	_ =	sdelay $0x6  }
0x47b: {  	v4 =	vld.idx.msk [tilespmem:v4+s3+$0x0], $0xffff  }
0x47c: {  	v3 =	vld.idx.msk [tilespmem:v3+s3+$0x0], $0xffff;
	_ =	sdelay $0x3  }
0x47d: {  	[tilespmem:s21+$0xC830] =	vst v4  }
0x47e: {  	v4 =	vld [tilespmem:s19+$0xA40];
	[tilespmem:s22+$0xC830] =	vst v3  }
0x47f: {  	v3 =	vld [tilespmem:s20+$0xA40];
	_ =	sdelay $0x6  }
0x480: {  	v4 =	vld.idx.msk [tilespmem:v4+s3+$0x0], $0xffff  }
0x481: {  	v3 =	vld.idx.msk [tilespmem:v3+s3+$0x0], $0xffff;
	_ =	sdelay $0x3  }
0x482: {  	[tilespmem:s21+$0xC840] =	vst v4  }
0x483: {  	v4 =	vld [tilespmem:s19+$0xA50];
	[tilespmem:s22+$0xC840] =	vst v3  }
0x484: {  	v3 =	vld [tilespmem:s20+$0xA50];
	_ =	sdelay $0x6  }
0x485: {  	v4 =	vld.idx.msk [tilespmem:v4+s3+$0x0], $0xffff  }
0x486: {  	v3 =	vld.idx.msk [tilespmem:v3+s3+$0x0], $0xffff;
	_ =	sdelay $0x1  }
0x487: {  	[tilespmem:s28+$0xC850] =	vst v6  }
0x488: {  	v61 =	vld [tilespmem:s26+$0xA60]  }
0x489: {  	[tilespmem:s21+$0xC850] =	vst v4  }
0x48a: {  	v4 =	vld [tilespmem:s19+$0xA60];
	[tilespmem:s22+$0xC850] =	vst v3  }
0x48b: {  	v3 =	vld [tilespmem:s20+$0xA60];
	_ =	sdelay $0x3  }
0x48c: {  	v62 =	vld.idx.msk [tilespmem:v58+s3+$0x0], $0xffff  }
0x48d: {  	v5 =	vld.idx.msk [tilespmem:v61+s3+$0x0], $0xffff;
	_ =	sdelay $0x1  }
0x48e: {  	v4 =	vld.idx.msk [tilespmem:v4+s3+$0x0], $0xffff  }
0x48f: {  	v3 =	vld.idx.msk [tilespmem:v3+s3+$0x0], $0xffff  }
0x490: {  	[tilespmem:s17+$0xC860] =	vst v62  }
0x491: {  	v6 =	vld [tilespmem:s1+$0xA70];
	[tilespmem:s28+$0xC860] =	vst v5  }
0x492: {  	v5 =	vld [tilespmem:s26+$0xA70]  }
0x493: {  	[tilespmem:s21+$0xC860] =	vst v4  }
0x494: {  	v4 =	vld [tilespmem:s19+$0xA70];
	[tilespmem:s22+$0xC860] =	vst v3  }
0x495: {  	v3 =	vld [tilespmem:s20+$0xA70];
	_ =	sdelay $0x3  }
0x496: {  	v6 =	vld.idx.msk [tilespmem:v6+s3+$0x0], $0xffff  }
0x497: {  	v5 =	vld.idx.msk [tilespmem:v5+s3+$0x0], $0xffff;
	_ =	sdelay $0x1  }
0x498: {  	v4 =	vld.idx.msk [tilespmem:v4+s3+$0x0], $0xffff  }
0x499: {  	v3 =	vld.idx.msk [tilespmem:v3+s3+$0x0], $0xffff  }
0x49a: {  	[tilespmem:s17+$0xC870] =	vst v6  }
0x49b: {  	v6 =	vld [tilespmem:s1+$0xA80];
	[tilespmem:s28+$0xC870] =	vst v5  }
0x49c: {  	v5 =	vld [tilespmem:s26+$0xA80]  }
0x49d: {  	[tilespmem:s21+$0xC870] =	vst v4  }
0x49e: {  	v4 =	vld [tilespmem:s19+$0xA80];
	[tilespmem:s22+$0xC870] =	vst v3  }
0x49f: {  	v3 =	vld [tilespmem:s20+$0xA80];
	_ =	sdelay $0x3  }
0x4a0: {  	v6 =	vld.idx.msk [tilespmem:v6+s3+$0x0], $0xffff  }
0x4a1: {  	v5 =	vld.idx.msk [tilespmem:v5+s3+$0x0], $0xffff;
	_ =	sdelay $0x1  }
0x4a2: {  	v4 =	vld.idx.msk [tilespmem:v4+s3+$0x0], $0xffff  }
0x4a3: {  	v3 =	vld.idx.msk [tilespmem:v3+s3+$0x0], $0xffff  }
0x4a4: {  	[tilespmem:s17+$0xD800] =	vst v6  }
0x4a5: {  	v6 =	vld [tilespmem:s1+$0xA90];
	[tilespmem:s28+$0xD800] =	vst v5  }
0x4a6: {  	v5 =	vld [tilespmem:s26+$0xA90]  }
0x4a7: {  	[tilespmem:s21+$0xD800] =	vst v4  }
0x4a8: {  	v4 =	vld [tilespmem:s19+$0xA90];
	[tilespmem:s22+$0xD800] =	vst v3  }
0x4a9: {  	v3 =	vld [tilespmem:s20+$0xA90];
	_ =	sdelay $0x3  }
0x4aa: {  	v6 =	vld.idx.msk [tilespmem:v6+s3+$0x0], $0xffff  }
0x4ab: {  	v5 =	vld.idx.msk [tilespmem:v5+s3+$0x0], $0xffff;
	_ =	sdelay $0x1  }
0x4ac: {  	v4 =	vld.idx.msk [tilespmem:v4+s3+$0x0], $0xffff  }
0x4ad: {  	v3 =	vld.idx.msk [tilespmem:v3+s3+$0x0], $0xffff  }
0x4ae: {  	[tilespmem:s17+$0xD810] =	vst v6  }
0x4af: {  	v6 =	vld [tilespmem:s1+$0xAA0];
	[tilespmem:s28+$0xD810] =	vst v5  }
0x4b0: {  	v5 =	vld [tilespmem:s26+$0xAA0]  }
0x4b1: {  	[tilespmem:s21+$0xD810] =	vst v4  }
0x4b2: {  	v4 =	vld [tilespmem:s19+$0xAA0];
	[tilespmem:s22+$0xD810] =	vst v3  }
0x4b3: {  	v3 =	vld [tilespmem:s20+$0xAA0];
	_ =	sdelay $0x3  }
0x4b4: {  	v6 =	vld.idx.msk [tilespmem:v6+s3+$0x0], $0xffff  }
0x4b5: {  	v5 =	vld.idx.msk [tilespmem:v5+s3+$0x0], $0xffff;
	_ =	sdelay $0x1  }
0x4b6: {  	v4 =	vld.idx.msk [tilespmem:v4+s3+$0x0], $0xffff  }
0x4b7: {  	v3 =	vld.idx.msk [tilespmem:v3+s3+$0x0], $0xffff  }
0x4b8: {  	[tilespmem:s17+$0xD820] =	vst v6  }
0x4b9: {  	v6 =	vld [tilespmem:s1+$0xAB0];
	[tilespmem:s28+$0xD820] =	vst v5  }
0x4ba: {  	v5 =	vld [tilespmem:s26+$0xAB0]  }
0x4bb: {  	[tilespmem:s21+$0xD820] =	vst v4  }
0x4bc: {  	v4 =	vld [tilespmem:s19+$0xAB0];
	[tilespmem:s22+$0xD820] =	vst v3  }
0x4bd: {  	v3 =	vld [tilespmem:s20+$0xAB0];
	_ =	sdelay $0x3  }
0x4be: {  	v6 =	vld.idx.msk [tilespmem:v6+s3+$0x0], $0xffff  }
0x4bf: {  	v5 =	vld.idx.msk [tilespmem:v5+s3+$0x0], $0xffff;
	_ =	sdelay $0x1  }
0x4c0: {  	v4 =	vld.idx.msk [tilespmem:v4+s3+$0x0], $0xffff  }
0x4c1: {  	v3 =	vld.idx.msk [tilespmem:v3+s3+$0x0], $0xffff  }
0x4c2: {  	[tilespmem:s17+$0xD830] =	vst v6  }
0x4c3: {  	v6 =	vld [tilespmem:s1+$0xAC0];
	[tilespmem:s28+$0xD830] =	vst v5  }
0x4c4: {  	v5 =	vld [tilespmem:s26+$0xAC0]  }
0x4c5: {  	[tilespmem:s21+$0xD830] =	vst v4  }
0x4c6: {  	v4 =	vld [tilespmem:s19+$0xAC0];
	[tilespmem:s22+$0xD830] =	vst v3  }
0x4c7: {  	v3 =	vld [tilespmem:s20+$0xAC0];
	_ =	sdelay $0x3  }
0x4c8: {  	v6 =	vld.idx.msk [tilespmem:v6+s3+$0x0], $0xffff  }
0x4c9: {  	v5 =	vld.idx.msk [tilespmem:v5+s3+$0x0], $0xffff;
	_ =	sdelay $0x1  }
0x4ca: {  	v4 =	vld.idx.msk [tilespmem:v4+s3+$0x0], $0xffff  }
0x4cb: {  	v3 =	vld.idx.msk [tilespmem:v3+s3+$0x0], $0xffff  }
0x4cc: {  	[tilespmem:s17+$0xD840] =	vst v6  }
0x4cd: {  	v6 =	vld [tilespmem:s1+$0xAD0];
	[tilespmem:s28+$0xD840] =	vst v5  }
0x4ce: {  	v5 =	vld [tilespmem:s26+$0xAD0]  }
0x4cf: {  	[tilespmem:s21+$0xD840] =	vst v4  }
0x4d0: {  	v4 =	vld [tilespmem:s19+$0xAD0];
	[tilespmem:s22+$0xD840] =	vst v3  }
0x4d1: {  	v3 =	vld [tilespmem:s20+$0xAD0];
	_ =	sdelay $0x3  }
0x4d2: {  	v6 =	vld.idx.msk [tilespmem:v6+s3+$0x0], $0xffff  }
0x4d3: {  	v5 =	vld.idx.msk [tilespmem:v5+s3+$0x0], $0xffff;
	_ =	sdelay $0x1  }
0x4d4: {  	v4 =	vld.idx.msk [tilespmem:v4+s3+$0x0], $0xffff  }
0x4d5: {  	v3 =	vld.idx.msk [tilespmem:v3+s3+$0x0], $0xffff  }
0x4d6: {  	[tilespmem:s17+$0xD850] =	vst v6  }
0x4d7: {  	v6 =	vld [tilespmem:s1+$0xAE0];
	[tilespmem:s28+$0xD850] =	vst v5  }
0x4d8: {  	v5 =	vld [tilespmem:s26+$0xAE0]  }
0x4d9: {  	[tilespmem:s21+$0xD850] =	vst v4  }
0x4da: {  	v4 =	vld [tilespmem:s19+$0xAE0];
	[tilespmem:s22+$0xD850] =	vst v3  }
0x4db: {  	v3 =	vld [tilespmem:s20+$0xAE0];
	_ =	sdelay $0x3  }
0x4dc: {  	v6 =	vld.idx.msk [tilespmem:v6+s3+$0x0], $0xffff  }
0x4dd: {  	v5 =	vld.idx.msk [tilespmem:v5+s3+$0x0], $0xffff;
	_ =	sdelay $0x1  }
0x4de: {  	v4 =	vld.idx.msk [tilespmem:v4+s3+$0x0], $0xffff  }
0x4df: {  	v3 =	vld.idx.msk [tilespmem:v3+s3+$0x0], $0xffff  }
0x4e0: {  	[tilespmem:s17+$0xD860] =	vst v6  }
0x4e1: {  	v6 =	vld [tilespmem:s1+$0xAF0];
	[tilespmem:s28+$0xD860] =	vst v5  }
0x4e2: {  	v5 =	vld [tilespmem:s26+$0xAF0]  }
0x4e3: {  	[tilespmem:s21+$0xD860] =	vst v4  }
0x4e4: {  	v4 =	vld [tilespmem:s19+$0xAF0];
	[tilespmem:s22+$0xD860] =	vst v3  }
0x4e5: {  	v3 =	vld [tilespmem:s20+$0xAF0];
	_ =	sdelay $0x3  }
0x4e6: {  	v6 =	vld.idx.msk [tilespmem:v6+s3+$0x0], $0xffff  }
0x4e7: {  	v5 =	vld.idx.msk [tilespmem:v5+s3+$0x0], $0xffff;
	_ =	sdelay $0x1  }
0x4e8: {  	v4 =	vld.idx.msk [tilespmem:v4+s3+$0x0], $0xffff  }
0x4e9: {  	v3 =	vld.idx.msk [tilespmem:v3+s3+$0x0], $0xffff  }
0x4ea: {  	[tilespmem:s17+$0xD870] =	vst v6  }
0x4eb: {  	v6 =	vld [tilespmem:s1+$0xB00];
	[tilespmem:s28+$0xD870] =	vst v5  }
0x4ec: {  	v5 =	vld [tilespmem:s26+$0xB00]  }
0x4ed: {  	[tilespmem:s21+$0xD870] =	vst v4  }
0x4ee: {  	v4 =	vld [tilespmem:s19+$0xB00];
	[tilespmem:s22+$0xD870] =	vst v3  }
0x4ef: {  	v3 =	vld [tilespmem:s20+$0xB00];
	_ =	sdelay $0x3  }
0x4f0: {  	v6 =	vld.idx.msk [tilespmem:v6+s3+$0x0], $0xffff  }
0x4f1: {  	v5 =	vld.idx.msk [tilespmem:v5+s3+$0x0], $0xffff;
	_ =	sdelay $0x1  }
0x4f2: {  	v4 =	vld.idx.msk [tilespmem:v4+s3+$0x0], $0xffff  }
0x4f3: {  	v3 =	vld.idx.msk [tilespmem:v3+s3+$0x0], $0xffff  }
0x4f4: {  	[tilespmem:s17+$0xE800] =	vst v6  }
0x4f5: {  	v6 =	vld [tilespmem:s1+$0xB10];
	[tilespmem:s28+$0xE800] =	vst v5  }
0x4f6: {  	v5 =	vld [tilespmem:s26+$0xB10]  }
0x4f7: {  	[tilespmem:s21+$0xE800] =	vst v4  }
0x4f8: {  	v4 =	vld [tilespmem:s19+$0xB10];
	[tilespmem:s22+$0xE800] =	vst v3  }
0x4f9: {  	v3 =	vld [tilespmem:s20+$0xB10];
	_ =	sdelay $0x3  }
0x4fa: {  	v6 =	vld.idx.msk [tilespmem:v6+s3+$0x0], $0xffff  }
0x4fb: {  	v5 =	vld.idx.msk [tilespmem:v5+s3+$0x0], $0xffff;
	_ =	sdelay $0x1  }
0x4fc: {  	v4 =	vld.idx.msk [tilespmem:v4+s3+$0x0], $0xffff  }
0x4fd: {  	v3 =	vld.idx.msk [tilespmem:v3+s3+$0x0], $0xffff  }
0x4fe: {  	[tilespmem:s17+$0xE810] =	vst v6  }
0x4ff: {  	v6 =	vld [tilespmem:s1+$0xB20];
	[tilespmem:s28+$0xE810] =	vst v5  }
0x500: {  	v5 =	vld [tilespmem:s26+$0xB20]  }
0x501: {  	[tilespmem:s21+$0xE810] =	vst v4  }
0x502: {  	v4 =	vld [tilespmem:s19+$0xB20];
	[tilespmem:s22+$0xE810] =	vst v3  }
0x503: {  	v3 =	vld [tilespmem:s20+$0xB20];
	_ =	sdelay $0x3  }
0x504: {  	v6 =	vld.idx.msk [tilespmem:v6+s3+$0x0], $0xffff  }
0x505: {  	v5 =	vld.idx.msk [tilespmem:v5+s3+$0x0], $0xffff;
	_ =	sdelay $0x1  }
0x506: {  	v4 =	vld.idx.msk [tilespmem:v4+s3+$0x0], $0xffff  }
0x507: {  	v3 =	vld.idx.msk [tilespmem:v3+s3+$0x0], $0xffff  }
0x508: {  	[tilespmem:s17+$0xE820] =	vst v6  }
0x509: {  	v6 =	vld [tilespmem:s1+$0xB30];
	[tilespmem:s28+$0xE820] =	vst v5  }
0x50a: {  	v5 =	vld [tilespmem:s26+$0xB30]  }
0x50b: {  	[tilespmem:s21+$0xE820] =	vst v4  }
0x50c: {  	v4 =	vld [tilespmem:s19+$0xB30];
	[tilespmem:s22+$0xE820] =	vst v3  }
0x50d: {  	v3 =	vld [tilespmem:s20+$0xB30];
	_ =	sdelay $0x3  }
0x50e: {  	v6 =	vld.idx.msk [tilespmem:v6+s3+$0x0], $0xffff  }
0x50f: {  	v5 =	vld.idx.msk [tilespmem:v5+s3+$0x0], $0xffff;
	_ =	sdelay $0x1  }
0x510: {  	v4 =	vld.idx.msk [tilespmem:v4+s3+$0x0], $0xffff  }
0x511: {  	v3 =	vld.idx.msk [tilespmem:v3+s3+$0x0], $0xffff  }
0x512: {  	[tilespmem:s17+$0xE830] =	vst v6  }
0x513: {  	v6 =	vld [tilespmem:s1+$0xB40];
	[tilespmem:s28+$0xE830] =	vst v5  }
0x514: {  	v5 =	vld [tilespmem:s26+$0xB40]  }
0x515: {  	[tilespmem:s21+$0xE830] =	vst v4  }
0x516: {  	v4 =	vld [tilespmem:s19+$0xB40];
	[tilespmem:s22+$0xE830] =	vst v3  }
0x517: {  	v3 =	vld [tilespmem:s20+$0xB40];
	_ =	sdelay $0x2  }
0x518: {  	v2 =	vld.idx.msk [tilespmem:v2+s3+$0x0], $0xffff  }
0x519: {  	v6 =	vld.idx.msk [tilespmem:v6+s3+$0x0], $0xffff  }
0x51a: {  	v5 =	vld.idx.msk [tilespmem:v5+s3+$0x0], $0xffff;
	_ =	sdelay $0x1  }
0x51b: {  	v4 =	vld.idx.msk [tilespmem:v4+s3+$0x0], $0xffff  }
0x51c: {  	[tilespmem:s30+$0xE840] =	vst v2;
	v3 =	vld.idx.msk [tilespmem:v3+s3+$0x0], $0xffff  }
0x51d: {  	v2 =	vld [tilespmem:s31+$0xB50];
	[tilespmem:s17+$0xE840] =	vst v6  }
0x51e: {  	v6 =	vld [tilespmem:s1+$0xB50];
	[tilespmem:s28+$0xE840] =	vst v5  }
0x51f: {  	v5 =	vld [tilespmem:s26+$0xB50]  }
0x520: {  	[tilespmem:s21+$0xE840] =	vst v4  }
0x521: {  	v4 =	vld [tilespmem:s19+$0xB50];
	[tilespmem:s22+$0xE840] =	vst v3  }
0x522: {  	v3 =	vld [tilespmem:s20+$0xB50];
	_ =	sdelay $0x2  }
0x523: {  	v2 =	vld.idx.msk [tilespmem:v2+s3+$0x0], $0xffff  }
0x524: {  	v6 =	vld.idx.msk [tilespmem:v6+s3+$0x0], $0xffff  }
0x525: {  	v5 =	vld.idx.msk [tilespmem:v5+s3+$0x0], $0xffff;
	_ =	sdelay $0x1  }
0x526: {  	v4 =	vld.idx.msk [tilespmem:v4+s3+$0x0], $0xffff  }
0x527: {  	[tilespmem:s30+$0xE850] =	vst v2;
	v3 =	vld.idx.msk [tilespmem:v3+s3+$0x0], $0xffff  }
0x528: {  	v2 =	vld [tilespmem:s31+$0xB60];
	[tilespmem:s17+$0xE850] =	vst v6  }
0x529: {  	v6 =	vld [tilespmem:s1+$0xB60];
	[tilespmem:s28+$0xE850] =	vst v5  }
0x52a: {  	v5 =	vld [tilespmem:s26+$0xB60]  }
0x52b: {  	[tilespmem:s21+$0xE850] =	vst v4  }
0x52c: {  	v4 =	vld [tilespmem:s19+$0xB60];
	[tilespmem:s22+$0xE850] =	vst v3  }
0x52d: {  	v3 =	vld [tilespmem:s20+$0xB60];
	_ =	sdelay $0x1  }
0x52e: {  	v1 =	vld.idx.msk [tilespmem:v1+s3+$0x0], $0xffff  }
0x52f: {  	v2 =	vld.idx.msk [tilespmem:v2+s3+$0x0], $0xffff  }
0x530: {  	v6 =	vld.idx.msk [tilespmem:v6+s3+$0x0], $0xffff  }
0x531: {  	v5 =	vld.idx.msk [tilespmem:v5+s3+$0x0], $0xffff;
	_ =	sdelay $0x1  }
0x532: {  	[tilespmem:s0+$0xE860] =	vst v1;
	v1 =	vld.idx.msk [tilespmem:v4+s3+$0x0], $0xffff  }
0x533: {  	[tilespmem:s30+$0xE860] =	vst v2;
	v3 =	vld.idx.msk [tilespmem:v3+s3+$0x0], $0xffff  }
0x534: {  	v2 =	vld [tilespmem:s31+$0xB70];
	[tilespmem:s17+$0xE860] =	vst v6  }
0x535: {  	v6 =	vld [tilespmem:s1+$0xB70];
	[tilespmem:s28+$0xE860] =	vst v5  }
0x536: {  	v5 =	vld [tilespmem:s26+$0xB70]  }
0x537: {  	v63 =	vld [tilespmem:s2+$0xB70];
	[tilespmem:s21+$0xE860] =	vst v1  }
0x538: {  	v1 =	vld [tilespmem:s19+$0xB70];
	[tilespmem:s22+$0xE860] =	vst v3  }
0x539: {  	v3 =	vld [tilespmem:s20+$0xB70];
	_ =	sdelay $0x2  }
0x53a: {  	v2 =	vld.idx.msk [tilespmem:v2+s3+$0x0], $0xffff  }
0x53b: {  	v6 =	vld.idx.msk [tilespmem:v6+s3+$0x0], $0xffff  }
0x53c: {  	v5 =	vld.idx.msk [tilespmem:v5+s3+$0x0], $0xffff  }
0x53d: {  	v4 =	vld.idx.msk [tilespmem:v63+s3+$0x0], $0xffff  }
0x53e: {  	v1 =	vld.idx.msk [tilespmem:v1+s3+$0x0], $0xffff  }
0x53f: {  	[tilespmem:s30+$0xE870] =	vst v2;
	v3 =	vld.idx.msk [tilespmem:v3+s3+$0x0], $0xffff  }
0x540: {  	v2 =	vld [tilespmem:s31+$0xB80];
	[tilespmem:s17+$0xE870] =	vst v6  }
0x541: {  	v6 =	vld [tilespmem:s1+$0xB80];
	[tilespmem:s28+$0xE870] =	vst v5  }
0x542: {  	v5 =	vld [tilespmem:s26+$0xB80];
	[tilespmem:s0+$0xE870] =	vst v4  }
0x543: {  	v4 =	vld [tilespmem:s2+$0xB80];
	[tilespmem:s21+$0xE870] =	vst v1  }
0x544: {  	v1 =	vld [tilespmem:s19+$0xB80];
	[tilespmem:s22+$0xE870] =	vst v3  }
0x545: {  	v3 =	vld [tilespmem:s20+$0xB80];
	_ =	sdelay $0x2  }
0x546: {  	v2 =	vld.idx.msk [tilespmem:v2+s3+$0x0], $0xffff  }
0x547: {  	v6 =	vld.idx.msk [tilespmem:v6+s3+$0x0], $0xffff  }
0x548: {  	v5 =	vld.idx.msk [tilespmem:v5+s3+$0x0], $0xffff  }
0x549: {  	v4 =	vld.idx.msk [tilespmem:v4+s3+$0x0], $0xffff  }
0x54a: {  	v1 =	vld.idx.msk [tilespmem:v1+s3+$0x0], $0xffff  }
0x54b: {  	[tilespmem:s30+$0xF800] =	vst v2;
	v3 =	vld.idx.msk [tilespmem:v3+s3+$0x0], $0xffff  }
0x54c: {  	v2 =	vld [tilespmem:s31+$0xB90];
	[tilespmem:s17+$0xF800] =	vst v6  }
0x54d: {  	v6 =	vld [tilespmem:s1+$0xB90];
	[tilespmem:s28+$0xF800] =	vst v5  }
0x54e: {  	v5 =	vld [tilespmem:s26+$0xB90];
	[tilespmem:s0+$0xF800] =	vst v4  }
0x54f: {  	v4 =	vld [tilespmem:s2+$0xB90];
	[tilespmem:s21+$0xF800] =	vst v1  }
0x550: {  	v1 =	vld [tilespmem:s19+$0xB90];
	[tilespmem:s22+$0xF800] =	vst v3  }
0x551: {  	v3 =	vld [tilespmem:s20+$0xB90];
	_ =	sdelay $0x2  }
0x552: {  	v2 =	vld.idx.msk [tilespmem:v2+s3+$0x0], $0xffff  }
0x553: {  	v6 =	vld.idx.msk [tilespmem:v6+s3+$0x0], $0xffff  }
0x554: {  	v5 =	vld.idx.msk [tilespmem:v5+s3+$0x0], $0xffff  }
0x555: {  	v4 =	vld.idx.msk [tilespmem:v4+s3+$0x0], $0xffff  }
0x556: {  	v1 =	vld.idx.msk [tilespmem:v1+s3+$0x0], $0xffff  }
0x557: {  	[tilespmem:s30+$0xF810] =	vst v2;
	v3 =	vld.idx.msk [tilespmem:v3+s3+$0x0], $0xffff  }
0x558: {  	v2 =	vld [tilespmem:s31+$0xBA0];
	[tilespmem:s17+$0xF810] =	vst v6  }
0x559: {  	v6 =	vld [tilespmem:s1+$0xBA0];
	[tilespmem:s28+$0xF810] =	vst v5  }
0x55a: {  	v5 =	vld [tilespmem:s26+$0xBA0];
	[tilespmem:s0+$0xF810] =	vst v4  }
0x55b: {  	v4 =	vld [tilespmem:s2+$0xBA0];
	[tilespmem:s21+$0xF810] =	vst v1  }
0x55c: {  	v1 =	vld [tilespmem:s19+$0xBA0];
	[tilespmem:s22+$0xF810] =	vst v3  }
0x55d: {  	v3 =	vld [tilespmem:s20+$0xBA0];
	_ =	sdelay $0x2  }
0x55e: {  	v2 =	vld.idx.msk [tilespmem:v2+s3+$0x0], $0xffff  }
0x55f: {  	v6 =	vld.idx.msk [tilespmem:v6+s3+$0x0], $0xffff  }
0x560: {  	v5 =	vld.idx.msk [tilespmem:v5+s3+$0x0], $0xffff  }
0x561: {  	v4 =	vld.idx.msk [tilespmem:v4+s3+$0x0], $0xffff  }
0x562: {  	v1 =	vld.idx.msk [tilespmem:v1+s3+$0x0], $0xffff  }
0x563: {  	[tilespmem:s30+$0xF820] =	vst v2;
	v3 =	vld.idx.msk [tilespmem:v3+s3+$0x0], $0xffff  }
0x564: {  	v2 =	vld [tilespmem:s31+$0xBB0];
	[tilespmem:s17+$0xF820] =	vst v6  }
0x565: {  	v6 =	vld [tilespmem:s1+$0xBB0];
	[tilespmem:s28+$0xF820] =	vst v5  }
0x566: {  	v5 =	vld [tilespmem:s26+$0xBB0];
	[tilespmem:s0+$0xF820] =	vst v4  }
0x567: {  	v4 =	vld [tilespmem:s2+$0xBB0];
	[tilespmem:s21+$0xF820] =	vst v1  }
0x568: {  	v1 =	vld [tilespmem:s19+$0xBB0];
	[tilespmem:s22+$0xF820] =	vst v3  }
0x569: {  	v3 =	vld [tilespmem:s20+$0xBB0];
	_ =	sdelay $0x2  }
0x56a: {  	v2 =	vld.idx.msk [tilespmem:v2+s3+$0x0], $0xffff  }
0x56b: {  	v6 =	vld.idx.msk [tilespmem:v6+s3+$0x0], $0xffff  }
0x56c: {  	v5 =	vld.idx.msk [tilespmem:v5+s3+$0x0], $0xffff  }
0x56d: {  	v4 =	vld.idx.msk [tilespmem:v4+s3+$0x0], $0xffff  }
0x56e: {  	v1 =	vld.idx.msk [tilespmem:v1+s3+$0x0], $0xffff  }
0x56f: {  	[tilespmem:s30+$0xF830] =	vst v2;
	v3 =	vld.idx.msk [tilespmem:v3+s3+$0x0], $0xffff  }
0x570: {  	v2 =	vld [tilespmem:s31+$0xBC0];
	[tilespmem:s17+$0xF830] =	vst v6  }
0x571: {  	v6 =	vld [tilespmem:s1+$0xBC0];
	[tilespmem:s28+$0xF830] =	vst v5  }
0x572: {  	v5 =	vld [tilespmem:s26+$0xBC0];
	[tilespmem:s0+$0xF830] =	vst v4  }
0x573: {  	v4 =	vld [tilespmem:s2+$0xBC0];
	[tilespmem:s21+$0xF830] =	vst v1  }
0x574: {  	v1 =	vld [tilespmem:s19+$0xBC0];
	[tilespmem:s22+$0xF830] =	vst v3  }
0x575: {  	v3 =	vld [tilespmem:s20+$0xBC0];
	_ =	sdelay $0x2  }
0x576: {  	v2 =	vld.idx.msk [tilespmem:v2+s3+$0x0], $0xffff  }
0x577: {  	v6 =	vld.idx.msk [tilespmem:v6+s3+$0x0], $0xffff  }
0x578: {  	v5 =	vld.idx.msk [tilespmem:v5+s3+$0x0], $0xffff  }
0x579: {  	v4 =	vld.idx.msk [tilespmem:v4+s3+$0x0], $0xffff  }
0x57a: {  	v1 =	vld.idx.msk [tilespmem:v1+s3+$0x0], $0xffff  }
0x57b: {  	[tilespmem:s30+$0xF840] =	vst v2;
	v3 =	vld.idx.msk [tilespmem:v3+s3+$0x0], $0xffff  }
0x57c: {  	v2 =	vld [tilespmem:s31+$0xBD0];
	[tilespmem:s17+$0xF840] =	vst v6  }
0x57d: {  	v6 =	vld [tilespmem:s1+$0xBD0];
	[tilespmem:s28+$0xF840] =	vst v5  }
0x57e: {  	v5 =	vld [tilespmem:s26+$0xBD0];
	[tilespmem:s0+$0xF840] =	vst v4  }
0x57f: {  	v4 =	vld [tilespmem:s2+$0xBD0];
	[tilespmem:s21+$0xF840] =	vst v1  }
0x580: {  	v1 =	vld [tilespmem:s19+$0xBD0];
	[tilespmem:s22+$0xF840] =	vst v3  }
0x581: {  	v3 =	vld [tilespmem:s20+$0xBD0];
	_ =	sdelay $0x2  }
0x582: {  	v2 =	vld.idx.msk [tilespmem:v2+s3+$0x0], $0xffff  }
0x583: {  	v6 =	vld.idx.msk [tilespmem:v6+s3+$0x0], $0xffff  }
0x584: {  	v5 =	vld.idx.msk [tilespmem:v5+s3+$0x0], $0xffff  }
0x585: {  	v4 =	vld.idx.msk [tilespmem:v4+s3+$0x0], $0xffff  }
0x586: {  	v1 =	vld.idx.msk [tilespmem:v1+s3+$0x0], $0xffff  }
0x587: {  	[tilespmem:s30+$0xF850] =	vst v2;
	v3 =	vld.idx.msk [tilespmem:v3+s3+$0x0], $0xffff  }
0x588: {  	v2 =	vld [tilespmem:s31+$0xBE0];
	[tilespmem:s17+$0xF850] =	vst v6  }
0x589: {  	v6 =	vld [tilespmem:s1+$0xBE0];
	[tilespmem:s28+$0xF850] =	vst v5  }
0x58a: {  	v5 =	vld [tilespmem:s26+$0xBE0];
	[tilespmem:s0+$0xF850] =	vst v4  }
0x58b: {  	v4 =	vld [tilespmem:s2+$0xBE0];
	[tilespmem:s21+$0xF850] =	vst v1  }
0x58c: {  	v1 =	vld [tilespmem:s19+$0xBE0];
	[tilespmem:s22+$0xF850] =	vst v3  }
0x58d: {  	v3 =	vld [tilespmem:s20+$0xBE0];
	_ =	sdelay $0x2  }
0x58e: {  	v2 =	vld.idx.msk [tilespmem:v2+s3+$0x0], $0xffff  }
0x58f: {  	v6 =	vld.idx.msk [tilespmem:v6+s3+$0x0], $0xffff  }
0x590: {  	v5 =	vld.idx.msk [tilespmem:v5+s3+$0x0], $0xffff  }
0x591: {  	v4 =	vld.idx.msk [tilespmem:v4+s3+$0x0], $0xffff  }
0x592: {  	v1 =	vld.idx.msk [tilespmem:v1+s3+$0x0], $0xffff  }
0x593: {  	[tilespmem:s30+$0xF860] =	vst v2;
	v3 =	vld.idx.msk [tilespmem:v3+s3+$0x0], $0xffff  }
0x594: {  	v2 =	vld [tilespmem:s31+$0xBF0];
	[tilespmem:s17+$0xF860] =	vst v6  }
0x595: {  	v6 =	vld [tilespmem:s1+$0xBF0];
	[tilespmem:s28+$0xF860] =	vst v5  }
0x596: {  	v5 =	vld [tilespmem:s26+$0xBF0];
	[tilespmem:s0+$0xF860] =	vst v4  }
0x597: {  	v4 =	vld [tilespmem:s2+$0xBF0];
	[tilespmem:s21+$0xF860] =	vst v1  }
0x598: {  	v1 =	vld [tilespmem:s19+$0xBF0];
	[tilespmem:s22+$0xF860] =	vst v3  }
0x599: {  	v3 =	vld [tilespmem:s20+$0xBF0];
	_ =	sdelay $0x2  }
0x59a: {  	v2 =	vld.idx.msk [tilespmem:v2+s3+$0x0], $0xffff  }
0x59b: {  	v6 =	vld.idx.msk [tilespmem:v6+s3+$0x0], $0xffff  }
0x59c: {  	v5 =	vld.idx.msk [tilespmem:v5+s3+$0x0], $0xffff  }
0x59d: {  	v4 =	vld.idx.msk [tilespmem:v4+s3+$0x0], $0xffff  }
0x59e: {  	v1 =	vld.idx.msk [tilespmem:v1+s3+$0x0], $0xffff  }
0x59f: {  	[tilespmem:s30+$0xF870] =	vst v2;
	v3 =	vld.idx.msk [tilespmem:v3+s3+$0x0], $0xffff  }
0x5a0: {  	[tilespmem:s17+$0xF870] =	vst v6  }
0x5a1: {  	[tilespmem:s28+$0xF870] =	vst v5  }
0x5a2: {  	[tilespmem:s0+$0xF870] =	vst v4  }
0x5a3: {  	[tilespmem:s21+$0xF870] =	vst v1  }
0x5a4: {  	[tilespmem:s22+$0xF870] =	vst v3;
	s22 =	simm.s32 $0x8800  }
0x5a5: {  	[hbm4b:s5+s3] =	stream.linear.scatter [tilespmem:s22], [sflag:$0x1], $0x1000, $0x38;
	[tilespmem:$0x10C80] =	vst v63  }
0x5a6: {  	_ =	swait.ge [sflag:s16], $0x1000  }
0x5a7: {  	[sflag:s16] =	ssyncset.done $0x0  }
0x5a8: {  	s23 =	simm.s32 $0x9800;
	[sflag:s16] =	ssyncadd.s32 $0xFFFFF000  }
0x5a9: {  	[hbm4b:s6+s3] =	stream.linear.scatter [tilespmem:s23], [sflag:$0x1], $0x1000, $0x38;
	[tilespmem:$0x10C80] =	vst v63  }
0x5aa: {  	_ =	swait.ge [sflag:s16], $0x1000  }
0x5ab: {  	[sflag:s16] =	ssyncset.done $0x0  }
0x5ac: {  	s24 =	simm.s32 $0xA800;
	[sflag:s16] =	ssyncadd.s32 $0xFFFFF000  }
0x5ad: {  	[hbm4b:s7+s3] =	stream.linear.scatter [tilespmem:s24], [sflag:$0x1], $0x1000, $0x38;
	[tilespmem:$0x10C80] =	vst v63  }
0x5ae: {  	_ =	swait.ge [sflag:s16], $0x1000  }
0x5af: {  	[sflag:s16] =	ssyncset.done $0x0  }
0x5b0: {  	s25 =	simm.s32 $0xB800;
	[sflag:s16] =	ssyncadd.s32 $0xFFFFF000  }
0x5b1: {  	[hbm4b:s8+s3] =	stream.linear.scatter [tilespmem:s25], [sflag:$0x1], $0x1000, $0x38;
	[tilespmem:$0x10C80] =	vst v63  }
0x5b2: {  	_ =	swait.ge [sflag:s16], $0x1000  }
0x5b3: {  	[sflag:s16] =	ssyncset.done $0x0  }
0x5b4: {  	s26 =	simm.s32 $0xC800;
	[sflag:s16] =	ssyncadd.s32 $0xFFFFF000  }
0x5b5: {  	[hbm4b:s9+s3] =	stream.linear.scatter [tilespmem:s26], [sflag:$0x1], $0x1000, $0x38;
	[tilespmem:$0x10C80] =	vst v63  }
0x5b6: {  	_ =	swait.ge [sflag:s16], $0x1000  }
0x5b7: {  	[sflag:s16] =	ssyncset.done $0x0  }
0x5b8: {  	s28 =	simm.s32 $0xD800;
	[sflag:s16] =	ssyncadd.s32 $0xFFFFF000  }
0x5b9: {  	[hbm4b:s10+s3] =	stream.linear.scatter [tilespmem:s28], [sflag:$0x1], $0x1000, $0x38;
	[tilespmem:$0x10C80] =	vst v63  }
0x5ba: {  	_ =	swait.ge [sflag:s16], $0x1000  }
0x5bb: {  	[sflag:s16] =	ssyncset.done $0x0  }
0x5bc: {  	s30 =	simm.s32 $0xE800;
	[sflag:s16] =	ssyncadd.s32 $0xFFFFF000  }
0x5bd: {  	[hbm4b:s11+s3] =	stream.linear.scatter [tilespmem:s30], [sflag:$0x1], $0x1000, $0x38;
	[tilespmem:$0x10C80] =	vst v63  }
0x5be: {  	_ =	swait.ge [sflag:s16], $0x1000  }
0x5bf: {  	[sflag:s16] =	ssyncset.done $0x0  }
.Ltmp3:
0x5c0: {  	s31 =	simm.s32 $0xF800;
	[sflag:s16] =	ssyncadd.s32 $0xFFFFF000;
	(pc) =	sbr.rel @p0 .LBB2_5-.Ltmp3, $4  }
0x5c1: {  	[hbm4b:s12+s3] =	stream.linear.scatter [tilespmem:s31], [sflag:$0x1], $0x1000, $0x38;
	[tilespmem:$0x10C80] =	vst v63  }
0x5c2: {  	_ =	swait.ge [sflag:s16], $0x1000  }
0x5c3: {  	[sflag:s16] =	ssyncset.done $0x0  }
0x5c4: {  	[sflag:s16] =	ssyncadd.s32 $0xFFFFF000  }
0x5c5: {  	s0 =	rddreg [dreg:$0x4];
	s1 =	simm.s32 $0x10800  }
0x5c6: {  	[tilespmem:s1], [sflag:$0x1] =	stream.linear.gather [hbm4b:s0+s3], $0x80, $0x38;
	[tilespmem:$0x10C80] =	vst v63  }
0x5c7: {  	_ =	swait.ge [sflag:s16], $0x80  }
0x5c8: {  	[sflag:s16] =	ssyncset.done $0x0  }
0x5c9: {  	[sflag:s16] =	ssyncadd.s32 $0xFFFFFF80  }
0x5ca: {  	v1 =	vld [tilespmem:$0x10800];
	_ =	sdelay $0x5  }
0x5cb: {  	v2 =	vld [tilespmem:$0x10810];
	_ =	sdelay $0x1  }
0x5cc: {  	v1 =	vld.idx.msk [tilespmem:v1+s3+$0x0], $0xffff;
	_ =	sdelay $0x3  }
0x5cd: {  	v3 =	vld [tilespmem:$0x10820]  }
0x5ce: {  	[tilespmem:$0x10880] =	vst v1  }
0x5cf: {  	v1 =	vld.idx.msk [tilespmem:v2+s3+$0x0], $0xffff;
	_ =	sdelay $0x3  }
0x5d0: {  	v2 =	vld [tilespmem:$0x10830]  }
0x5d1: {  	[tilespmem:$0x10890] =	vst v1  }
0x5d2: {  	v1 =	vld.idx.msk [tilespmem:v3+s3+$0x0], $0xffff;
	_ =	sdelay $0x3  }
0x5d3: {  	v3 =	vld [tilespmem:$0x10840]  }
0x5d4: {  	[tilespmem:$0x108A0] =	vst v1  }
0x5d5: {  	v1 =	vld.idx.msk [tilespmem:v2+s3+$0x0], $0xffff;
	_ =	sdelay $0x3  }
0x5d6: {  	v2 =	vld [tilespmem:$0x10850]  }
0x5d7: {  	[tilespmem:$0x108B0] =	vst v1  }
0x5d8: {  	v1 =	vld.idx.msk [tilespmem:v3+s3+$0x0], $0xffff;
	_ =	sdelay $0x3  }
0x5d9: {  	v3 =	vld [tilespmem:$0x10860]  }
0x5da: {  	[tilespmem:$0x108C0] =	vst v1  }
0x5db: {  	v1 =	vld.idx.msk [tilespmem:v2+s3+$0x0], $0xffff;
	_ =	sdelay $0x3  }
0x5dc: {  	v2 =	vld [tilespmem:$0x10870]  }
0x5dd: {  	[tilespmem:$0x108D0] =	vst v1  }
0x5de: {  	v1 =	vld.idx.msk [tilespmem:v3+s3+$0x0], $0xffff;
	_ =	sdelay $0x4  }
0x5df: {  	[tilespmem:$0x108E0] =	vst v1  }
0x5e0: {  	v1 =	vld.idx.msk [tilespmem:v2+s3+$0x0], $0xffff;
	[tilespmem:$0x10900] =	vst v0  }
0x5e1: {  	[tilespmem:$0x10910] =	vst v0  }
0x5e2: {  	[tilespmem:$0x10920] =	vst v0  }
0x5e3: {  	[tilespmem:$0x10930] =	vst v0  }
0x5e4: {  	[tilespmem:$0x10940] =	vst v0  }
0x5e5: {  	[tilespmem:$0x10950] =	vst v0  }
0x5e6: {  	[tilespmem:$0x10960] =	vst v0  }
0x5e7: {  	[tilespmem:$0x10970] =	vst v0  }
0x5e8: {  	[tilespmem:$0x10980] =	vst v0  }
0x5e9: {  	[tilespmem:$0x10990] =	vst v0  }
0x5ea: {  	[tilespmem:$0x109A0] =	vst v0  }
0x5eb: {  	[tilespmem:$0x109B0] =	vst v0  }
0x5ec: {  	[tilespmem:$0x109C0] =	vst v0  }
0x5ed: {  	[tilespmem:$0x109D0] =	vst v0  }
0x5ee: {  	[tilespmem:$0x109E0] =	vst v0  }
0x5ef: {  	[tilespmem:$0x109F0] =	vst v0  }
0x5f0: {  	[tilespmem:$0x10A00] =	vst v0  }
0x5f1: {  	[tilespmem:$0x10A10] =	vst v0  }
0x5f2: {  	[tilespmem:$0x10A20] =	vst v0  }
0x5f3: {  	[tilespmem:$0x10A30] =	vst v0  }
0x5f4: {  	[tilespmem:$0x10A40] =	vst v0  }
0x5f5: {  	[tilespmem:$0x10A50] =	vst v0  }
0x5f6: {  	[tilespmem:$0x10A60] =	vst v0  }
0x5f7: {  	[tilespmem:$0x10A70] =	vst v0  }
0x5f8: {  	[tilespmem:$0x10A80] =	vst v0  }
0x5f9: {  	[tilespmem:$0x10A90] =	vst v0  }
0x5fa: {  	[tilespmem:$0x10AA0] =	vst v0  }
0x5fb: {  	[tilespmem:$0x10AB0] =	vst v0  }
0x5fc: {  	[tilespmem:$0x10AC0] =	vst v0  }
0x5fd: {  	[tilespmem:$0x10AD0] =	vst v0  }
0x5fe: {  	[tilespmem:$0x10AE0] =	vst v0  }
0x5ff: {  	[tilespmem:$0x10AF0] =	vst v0  }
0x600: {  	[tilespmem:$0x10B00] =	vst v0  }
0x601: {  	[tilespmem:$0x10B10] =	vst v0  }
0x602: {  	[tilespmem:$0x10B20] =	vst v0  }
0x603: {  	[tilespmem:$0x10B30] =	vst v0  }
0x604: {  	[tilespmem:$0x10B40] =	vst v0  }
0x605: {  	[tilespmem:$0x10B50] =	vst v0  }
0x606: {  	[tilespmem:$0x10B60] =	vst v0  }
0x607: {  	[tilespmem:$0x10B70] =	vst v0  }
0x608: {  	[tilespmem:$0x10B80] =	vst v0  }
0x609: {  	[tilespmem:$0x10B90] =	vst v0  }
0x60a: {  	[tilespmem:$0x10BA0] =	vst v0  }
0x60b: {  	[tilespmem:$0x10BB0] =	vst v0  }
0x60c: {  	[tilespmem:$0x10BC0] =	vst v0  }
0x60d: {  	[tilespmem:$0x10BD0] =	vst v0  }
0x60e: {  	[tilespmem:$0x10BE0] =	vst v0  }
0x60f: {  	[tilespmem:$0x10BF0] =	vst v0  }
0x610: {  	[tilespmem:$0x10C00] =	vst v0  }
0x611: {  	[tilespmem:$0x10C10] =	vst v0  }
0x612: {  	[tilespmem:$0x10C20] =	vst v0  }
0x613: {  	[tilespmem:$0x10C30] =	vst v0  }
0x614: {  	[tilespmem:$0x10C40] =	vst v0  }
0x615: {  	[tilespmem:$0x10C50] =	vst v0  }
0x616: {  	[tilespmem:$0x10C60] =	vst v0  }
0x617: {  	[tilespmem:$0x10C70] =	vst v0  }
.Ltmp4:
0x618: {  	s31 =	simm.s32 $0x10880;
	s30 =	rddreg [dreg:$0x5];
	[tilespmem:$0x108F0] =	vst v1;
	(pc) =	sbr.rel .LBB2_5-.Ltmp4, $4  }
0x619: {  	[hbm4b:s30+s3] =	stream.linear.scatter [tilespmem:s31], [sflag:$0x1], $0x400, $0x38;
	[tilespmem:$0x10C80] =	vst v63  }
0x61a: {  	_ =	swait.ge [sflag:s16], $0x400  }
0x61b: {  	[sflag:s16] =	ssyncset.done $0x0  }
0x61c: {  	[sflag:s16] =	ssyncadd.s32 $0xFFFFFC00  }
.LBB2_6:
0x61d: {  	_ =	sfence.sel $0x180000  }
0x61e: {  	[bflag:$0x0] =	sbarrier.arrive $0xFFFF  }
0x61f: {  	_ =	strace $0x90000047  }
0x620: {  	s0 =	stileid.u32;
	[bflag:$0x2] =	sbarrier.arrive $0xFFFF  }
0x621: {  	p0 =	sne.s32 s0, $0x0;
	s0 =	rddreg [dreg:$0x2]  }
0x622: {  	s0 =	sadd.s32 @!p0 $0x100000, s0  }
0x623: {  	[sflag:s0] =	ssyncadd.tile.s32 @!p0 $0x1;
	_ =	shalt  }
.Lfunc_end2:
_tile_overlayer_lowered:
.L_overlay_start_2:
0x624: {  	(tag) =	ssettag $0x2  }
0x625: {  	s0 =	rddreg [dreg:$0x0];
	s2 =	stileid.u32  }
0x626: {  	s1 =	rddreg [dreg:$0x1];
	p0 =	sne.s32 s2, $0x0  }
0x627: {  	s3 =	rddreg [dreg:$0x2];
	[bflag:$0x3] =	sbarrier.arrive $0xFFFF;
	s2 =	simm.s32 @!p0 $0x1C01  }
0x628: {  	[timem:s3], [sflag:s2] =	dma.local @!p0 [hbm:s0], s1  }
0x629: {  	s0 =	simm.s32 @!p0 $0x1  }
0x62a: {  	_ =	swait.ge @!p0 [sflag:s0], s1  }
0x62b: {  	s1 =	ssub.s32 @!p0 $0x0, s1;
	[sflag:s0] =	ssyncset.done @!p0 $0x0  }
0x62c: {  	[sflag:s0] =	ssyncadd.s32 @!p0 s1  }
0x62d: {  	[bflag:$0x3] =	sbarrier.arrive $0xFFFF  }
0x62e: {  	_ =	shalt  }

</sc_bundles>
